<compile_context>
chip_gen: v7x
topology: tpu7x:2x2x1
jax: 0.10.2.dev20260603
libtpu: 0.0.44.dev20260713+nightly
codegen_flags: <defaults>
</compile_context>

<pallas_src>
import functools

import jax
import jax.numpy as jnp
from jax import lax
from jax.experimental import pallas as pl
from jax.experimental.pallas import tpu as pltpu
from jax.experimental.pallas import tpu_sc as plsc

N = 10000
E = 320000
D = 128

NC = 2
NS = 16
NW = NC * NS
NP = 10240
RPT = NP // NS
K = 128
NCH = 80
EPT = NCH * K
EP = NW * EPT
DF = 4
HCH = NCH // 2

_mesh = plsc.VectorSubcoreMesh(core_axis_name="core", subcore_axis_name="subcore")


def _fill(ref, rows, value):
    cols = ref.shape[-1]
    vec = jnp.full((16,), value, dtype=ref.dtype)

    @pl.loop(0, rows)
    def _(i):
        @pl.loop(0, cols, step=16)
        def _(j):
            ref[i, pl.ds(j, 16)] = vec


def _fill_rows(ref, rows, vec16):
    zvec = jnp.zeros((16,), dtype=ref.dtype)

    @pl.loop(0, rows)
    def _(i):
        for j in range(8):
            ref[i, pl.ds(j * 16, 16)] = vec16 if j == 0 else zvec



@functools.partial(
    pl.kernel,
    out_type=jax.ShapeDtypeStruct((NC, NP, D), jnp.float32),
    mesh=_mesh,
    scratch_types=[
        pltpu.VMEM_SHARED((NP, D), jnp.float32),
        pltpu.VMEM((K, D), jnp.float32),
        pltpu.VMEM((K, D), jnp.float32),
        pltpu.VMEM((HCH, K), jnp.int32),
        pltpu.VMEM((HCH, K), jnp.int32),
        pltpu.SemaphoreType.DMA,
    ],
)
def _deg_kernel(src3_hbm, dst3_hbm, cnt_hbm, cnt_sh, ones_s, ones_d,
                sidx, didx, dsem):
    c = lax.axis_index("core")
    s = lax.axis_index("subcore")
    wid = c * NS + s
    _fill(ones_s, K, 0.0)

    @pl.loop(0, RPT // K)
    def _(z):
        pltpu.sync_copy(ones_s, cnt_sh.at[pl.ds(s * RPT + z * K, K)])

    lane = lax.broadcasted_iota(jnp.int32, (16,), 0)
    _fill_rows(ones_s, K, jnp.where(lane == 0, 1.0, 0.0).astype(jnp.float32))
    _fill_rows(ones_d, K, jnp.where(lane == 1, 1.0, 0.0).astype(jnp.float32))
    plsc.subcore_barrier()

    for half in range(2):
        base = half * HCH
        pltpu.sync_copy(src3_hbm.at[wid, pl.ds(base, HCH)], sidx)
        pltpu.sync_copy(dst3_hbm.at[wid, pl.ds(base, HCH)], didx)

        @pl.loop(0, HCH // DF)
        def _(u):
            descs = []
            for q in range(DF):
                ci = u * DF + q
                descs.append(pltpu.async_copy(
                    ones_s, cnt_sh.at[sidx.at[ci]], dsem, add=True))
                descs.append(pltpu.async_copy(
                    ones_d, cnt_sh.at[didx.at[ci]], dsem, add=True))
            for dd in descs:
                dd.wait()

    plsc.subcore_barrier()
    rows = pl.ds(s * RPT, RPT)
    pltpu.sync_copy(cnt_sh.at[rows], cnt_hbm.at[c, rows])



@functools.partial(
    pl.kernel,
    out_type=jax.ShapeDtypeStruct((NC, NP, D), jnp.float32),
    mesh=_mesh,
    scratch_types=[
        pltpu.VMEM_SHARED((NP, D), jnp.float32),
        pltpu.VMEM((2, K, D), jnp.float32),
        pltpu.VMEM((EPT,), jnp.int32),
        pltpu.VMEM((HCH, K), jnp.int32),
        pltpu.SemaphoreType.DMA,
        pltpu.SemaphoreType.DMA,
        pltpu.SemaphoreType.DMA,
    ],
)
def _agg_kernel(h_hbm, src1_hbm, dst3_hbm, pagg_hbm, agg_sh, rows_v,
                sidx, didx, isem, gsem, ssem):
    c = lax.axis_index("core")
    s = lax.axis_index("subcore")
    wid = c * NS + s
    lds = pltpu.async_copy(src1_hbm.at[pl.ds(wid * EPT, EPT)], sidx, isem)
    ldd = pltpu.async_copy(dst3_hbm.at[wid, pl.ds(0, HCH)], didx, isem)

    _fill(rows_v.at[0], K, 0.0)

    @pl.loop(0, RPT // K)
    def _(z):
        pltpu.sync_copy(rows_v.at[0], agg_sh.at[pl.ds(s * RPT + z * K, K)])

    lds.wait()
    ldd.wait()
    plsc.subcore_barrier()

    def g_start(ci, b):
        return pltpu.async_copy(h_hbm.at[sidx.at[pl.ds(ci * K, K)]],
                                rows_v.at[b], gsem)

    def s_start(ci, b, lci):
        return pltpu.async_copy(rows_v.at[b], agg_sh.at[didx.at[lci]], ssem,
                                add=True)

    g_start(0, 0).wait()

    @pl.loop(0, HCH)
    def _(c):
        b = c % 2
        gd = g_start(c + 1, 1 - b)
        sd = s_start(c, b, c)
        sd.wait()
        gd.wait()

    pltpu.sync_copy(dst3_hbm.at[wid, pl.ds(HCH, HCH)], didx)

    @pl.loop(HCH, NCH - 1)
    def _(c):
        b = c % 2
        gd = g_start(c + 1, 1 - b)
        sd = s_start(c, b, c - HCH)
        sd.wait()
        gd.wait()

    s_start(NCH - 1, (NCH - 1) % 2, NCH - 1 - HCH).wait()

    plsc.subcore_barrier()
    rows = pl.ds(s * RPT, RPT)
    pltpu.sync_copy(agg_sh.at[rows], pagg_hbm.at[c, rows])



def _norm_body(deg_ref, ns_ref, nd_ref):
    cnt = deg_ref[0] + deg_ref[1]
    ns_ref[...] = lax.rsqrt(jnp.maximum(cnt[:, 0:1], 1.0))
    nd_ref[...] = lax.rsqrt(jnp.maximum(cnt[:, 1:2], 1.0))


def _norms(deg):
    return pl.pallas_call(
        _norm_body,
        out_shape=(jax.ShapeDtypeStruct((NP, 1), jnp.float32),
                   jax.ShapeDtypeStruct((NP, 1), jnp.float32)),
    )(deg)


_BR = 1024


def _mm1_body(deg_ref, x_ref, w_ref, o_ref, ns_ref, nd_ref):
    cnt = deg_ref[0] + deg_ref[1]
    ns = lax.rsqrt(jnp.maximum(cnt[:, 0:1], 1.0))
    ns_ref[...] = ns
    nd_ref[...] = lax.rsqrt(jnp.maximum(cnt[:, 1:2], 1.0))
    o_ref[...] = jnp.dot(x_ref[...], w_ref[...],
                         preferred_element_type=jnp.float32) * ns


def _mm1(deg, x, W1):
    return pl.pallas_call(
        _mm1_body,
        grid=(NP // _BR,),
        in_specs=[
            pl.BlockSpec((NC, _BR, D), lambda i: (0, i, 0)),
            pl.BlockSpec((_BR, D), lambda i: (i, 0)),
            pl.BlockSpec((D, D), lambda i: (0, 0)),
        ],
        out_specs=(pl.BlockSpec((_BR, D), lambda i: (i, 0)),
                   pl.BlockSpec((_BR, 1), lambda i: (i, 0)),
                   pl.BlockSpec((_BR, 1), lambda i: (i, 0))),
        out_shape=(jax.ShapeDtypeStruct((NP, D), jnp.float32),
                   jax.ShapeDtypeStruct((NP, 1), jnp.float32),
                   jax.ShapeDtypeStruct((NP, 1), jnp.float32)),
    )(deg, x, W1)


def _mid_body(p_ref, nd_ref, b_ref, w_ref, ns_ref, o_ref):
    h = (p_ref[0] + p_ref[1]) * nd_ref[...] + b_ref[...]
    h = jnp.maximum(h, 0.0)
    o_ref[...] = jnp.dot(h, w_ref[...],
                         preferred_element_type=jnp.float32) * ns_ref[...]


def _mid(pagg, nd, b1, W2, ns):
    return pl.pallas_call(
        _mid_body,
        grid=(NP // _BR,),
        in_specs=[
            pl.BlockSpec((NC, _BR, D), lambda i: (0, i, 0)),
            pl.BlockSpec((_BR, 1), lambda i: (i, 0)),
            pl.BlockSpec((1, D), lambda i: (0, 0)),
            pl.BlockSpec((D, D), lambda i: (0, 0)),
            pl.BlockSpec((_BR, 1), lambda i: (i, 0)),
        ],
        out_specs=pl.BlockSpec((_BR, D), lambda i: (i, 0)),
        out_shape=jax.ShapeDtypeStruct((NP, D), jnp.float32),
    )(pagg, nd, b1, W2, ns)


def _fin_body(p_ref, nd_ref, b_ref, wt_ref, bfc_ref, o_ref):
    h = (p_ref[0] + p_ref[1]) * nd_ref[...] + b_ref[...]
    o_ref[...] = jnp.dot(h, wt_ref[...],
                         preferred_element_type=jnp.float32) + bfc_ref[...]


def _fin(pagg, nd, b2, WfcT, bfc):
    return pl.pallas_call(
        _fin_body,
        grid=(NP // _BR,),
        in_specs=[
            pl.BlockSpec((NC, _BR, D), lambda i: (0, i, 0)),
            pl.BlockSpec((_BR, 1), lambda i: (i, 0)),
            pl.BlockSpec((1, D), lambda i: (0, 0)),
            pl.BlockSpec((D, D), lambda i: (0, 0)),
            pl.BlockSpec((1, D), lambda i: (0, 0)),
        ],
        out_specs=pl.BlockSpec((_BR, D), lambda i: (i, 0)),
        out_shape=jax.ShapeDtypeStruct((N, D), jnp.float32),
    )(pagg, nd, b2, WfcT, bfc)


def kernel(in_feat, edge_index, W1, b1, W2, b2, Wfc, bfc):
    pad1 = N + jax.lax.rem(jnp.arange(EP - E, dtype=edge_index.dtype), NP - N)
    pad = jnp.broadcast_to(pad1, (2, EP - E))
    ep = jnp.concatenate([edge_index, pad], axis=1)
    src1 = ep[0]
    src3 = ep[0].reshape(NW, NCH, K)
    dst3 = ep[1].reshape(NW, NCH, K)
    deg = _deg_kernel(src3, dst3)
    h1, ns, nd = _mm1(deg, in_feat, W1)
    p1 = _agg_kernel(h1, src1, dst3)
    h2 = _mid(p1, nd, b1.reshape(1, D), W2, ns)
    p2 = _agg_kernel(h2, src1, dst3)
    out = _fin(p2, nd, b2.reshape(1, D), Wfc.T, bfc.reshape(1, D))
    return out

# --- scband reference (transcript-rebuilt; emitter-appended) ---
"""Pipeline reference for scband-gnn-72078141162181 (READ-ONLY COPY).

The authoritative reference and input builder live on the scoring server;
editing this copy changes nothing except your own understanding.
"""

import jax, jax.numpy as jnp
import numpy as np

N = 10000
E = 320000
D = 128


def graph_conv(x, src, dst, W, b, n):
    # DGL GraphConv with norm='both', allow_zero_in_degree=True
    out_deg = jnp.bincount(src, length=n)
    in_deg = jnp.bincount(dst, length=n)
    norm_src = jax.lax.rsqrt(jnp.maximum(out_deg, 1).astype(x.dtype))
    norm_dst = jax.lax.rsqrt(jnp.maximum(in_deg, 1).astype(x.dtype))
    # in_feats == out_feats: applying weight before or after aggregation is equivalent
    h = x @ W
    h = h * norm_src[:, None]
    msg = jnp.take(h, src, axis=0)               # gather at source nodes
    agg = jnp.zeros_like(h).at[dst].add(msg)     # scatter-add to destination nodes
    agg = agg * norm_dst[:, None]
    return agg + b


def setup_inputs(seed: int = 0) -> dict:
    key = jax.random.key(seed)
    ks = jax.random.split(key, 8)
    in_feat = jax.random.normal(ks[0], (N, D), dtype=jnp.float32)
    edge_index = jax.random.randint(ks[1], (2, E), 0, N, dtype=jnp.int32)
    s = 0.05
    W1 = jax.random.normal(ks[2], (D, D), dtype=jnp.float32) * s
    b1 = jnp.zeros((D,), dtype=jnp.float32)
    W2 = jax.random.normal(ks[3], (D, D), dtype=jnp.float32) * s
    b2 = jnp.zeros((D,), dtype=jnp.float32)
    Wfc = jax.random.normal(ks[4], (D, D), dtype=jnp.float32) * s  # torch Linear weight [out, in]
    bfc = jnp.zeros((D,), dtype=jnp.float32)
    return {"in_feat": in_feat, "edge_index": edge_index, "W1": W1, "b1": b1,
            "W2": W2, "b2": b2, "Wfc": Wfc, "bfc": bfc}


def reference(in_feat, edge_index, W1, b1, W2, b2, Wfc, bfc):
    src = edge_index[0]
    dst = edge_index[1]
    h = graph_conv(in_feat, src, dst, W1, b1, N)
    h = jax.nn.relu(h)
    # dropout p=0.2 is identity in eval mode
    h = graph_conv(h, src, dst, W2, b2, N)
    h = h @ Wfc.T + bfc
    return h

if __name__ == "__main__":
    import jax
    _d = setup_inputs()
    print(jax.jit(kernel)(*tuple(_d.values())))

</pallas_src>

<mosaic_0001>
#map = affine_map<(d0, d1) -> (0, 0)>
#map1 = affine_map<(d0, d1) -> (0)>
#map2 = affine_map<(d0, d1) -> (0, 0, 0)>
module attributes {stable_mosaic.version = 14 : i64} {
  func.func @_agg_kernel(%arg0: i32, %arg1: i32, %arg2: memref<10240x128xf32, #tpu.memory_space<hbm>>, %arg3: memref<327680xi32, #tpu.memory_space<hbm>>, %arg4: memref<32x80x128xi32, #tpu.memory_space<hbm>>, %arg5: memref<2x10240x128xf32, #tpu.memory_space<hbm>>, %arg6: memref<10240x128xf32, #tpu.memory_space<vmem_shared>>, %arg7: memref<2x128x128xf32, #tpu.memory_space<vmem>>, %arg8: memref<10240xi32, #tpu.memory_space<vmem>>, %arg9: memref<40x128xi32, #tpu.memory_space<vmem>>, %arg10: memref<!tpu.dma_semaphore, #tpu.memory_space<semaphore_mem>>, %arg11: memref<!tpu.dma_semaphore, #tpu.memory_space<semaphore_mem>>, %arg12: memref<!tpu.dma_semaphore, #tpu.memory_space<semaphore_mem>>) attributes {dimension_semantics = [#tpu.dimension_semantics<core_parallel>, #tpu.dimension_semantics<subcore_parallel>], iteration_bounds = array<i64: 2, 16>, scalar_prefetch = 0 : i64, scratch_operands = 7 : i64, tpu.core_type = #tpu.core_type<sc_vector_subcore>, window_params = [{transform_indices = #map}, {transform_indices = #map1}, {transform_indices = #map2}, {transform_indices = #map2}]} {
    %mul3A = arith.constant 16 : i32
    %mul3A_0 = arith.muli %arg0, %mul3A : i32
    %add3A = arith.addi %mul3A_0, %arg1 : i32
    %mul3A_1 = arith.constant 10240 : i32
    %mul3A_2 = arith.muli %add3A, %mul3A_1 : i32
    %dma_start3A = tpu.memref_slice %arg3[%mul3A_2] : memref<327680xi32, #tpu.memory_space<hbm>> -> memref<10240xi32, #tpu.memory_space<hbm>>
    %dma_start3A_3 = tpu.memref_slice %arg3[%mul3A_2] : memref<327680xi32, #tpu.memory_space<hbm>> -> memref<10240xi32, #tpu.memory_space<hbm>>
    tpu.enqueue_dma source(%dma_start3A_3 : memref<10240xi32, #tpu.memory_space<hbm>>) target(%arg8 : memref<10240xi32, #tpu.memory_space<vmem>>) target_semaphore(%arg10 : memref<!tpu.dma_semaphore, #tpu.memory_space<semaphore_mem>>)
    %dma_start3A_4 = arith.constant 0 : i32
    %dma_start3A_5 = arith.constant 0 : i32
    %dma_start3A_6 = tpu.memref_slice %arg4[%add3A, %dma_start3A_4, %dma_start3A_5] : memref<32x80x128xi32, #tpu.memory_space<hbm>> -> memref<1x40x128xi32, #tpu.memory_space<hbm>>
    %dma_start3A_7 = tpu.memref_squeeze %dma_start3A_6 : memref<1x40x128xi32, #tpu.memory_space<hbm>> -> memref<40x128xi32, #tpu.memory_space<hbm>>
    %dma_start3A_8 = arith.constant 0 : i32
    %dma_start3A_9 = arith.constant 0 : i32
    %dma_start3A_10 = tpu.memref_slice %arg4[%add3A, %dma_start3A_8, %dma_start3A_9] : memref<32x80x128xi32, #tpu.memory_space<hbm>> -> memref<1x40x128xi32, #tpu.memory_space<hbm>>
    %dma_start3A_11 = tpu.memref_squeeze %dma_start3A_10 : memref<1x40x128xi32, #tpu.memory_space<hbm>> -> memref<40x128xi32, #tpu.memory_space<hbm>>
    tpu.enqueue_dma source(%dma_start3A_11 : memref<40x128xi32, #tpu.memory_space<hbm>>) target(%arg9 : memref<40x128xi32, #tpu.memory_space<vmem>>) target_semaphore(%arg10 : memref<!tpu.dma_semaphore, #tpu.memory_space<semaphore_mem>>)
    %broadcast_in_dim3A = arith.constant 0.000000e+00 : f32
    %broadcast_in_dim3A_12 = vector.broadcast %broadcast_in_dim3A : f32 to vector<16xf32>
    %scan3A = arith.constant 0 : i32
    %scan3A_13 = arith.constant 0 : i32
    %scan3A_14 = arith.constant 128 : i32
    %scan3A_15 = arith.addi %scan3A_13, %scan3A_14 : i32
    %scan3A_16 = arith.constant 1 : i32
    scf.for %scan3A_89 = %scan3A_13 to %scan3A_15 step %scan3A_16  : i32 {
      %mul3A_90 = arith.constant 1 : i32
      %mul3A_91 = arith.muli %scan3A_89, %mul3A_90 : i32
      %add3A_92 = arith.constant 0 : i32
      %add3A_93 = arith.addi %add3A_92, %mul3A_91 : i32
      %scan3A_94 = arith.constant 0 : i32
      %scan3A_95 = arith.constant 8 : i32
      %scan3A_96 = arith.addi %scan3A_94, %scan3A_95 : i32
      %scan3A_97 = arith.constant 1 : i32
      scf.for %scan3A_99 = %scan3A_94 to %scan3A_96 step %scan3A_97  : i32 {
        %mul3A_100 = arith.constant 16 : i32
        %mul3A_101 = arith.muli %scan3A_99, %mul3A_100 : i32
        %add3A_102 = arith.constant 0 : i32
        %add3A_103 = arith.addi %add3A_102, %mul3A_101 : i32
        %swap3A = arith.constant 0 : i32
        %swap3A_104 = arith.constant 0 : i32
        %swap3A_105 = tpu.memref_slice %arg7[%scan3A, %swap3A, %swap3A_104] : memref<2x128x128xf32, #tpu.memory_space<vmem>> -> memref<1x128x128xf32, #tpu.memory_space<vmem>>
        %swap3A_106 = tpu.memref_squeeze %swap3A_105 : memref<1x128x128xf32, #tpu.memory_space<vmem>> -> memref<128x128xf32, #tpu.memory_space<vmem>>
        %swap3A_107 = arith.index_cast %add3A_93 : i32 to index
        %swap3A_108 = arith.index_cast %add3A_103 : i32 to index
        %swap3A_109 = tpu.vector_load %swap3A_106[%swap3A_107, %swap3A_108] {strides = array<i32>} : memref<128x128xf32, #tpu.memory_space<vmem>>, vector<1x16xf32>,
        %swap3A_110 = vector.shape_cast %swap3A_109 : vector<1x16xf32> to vector<16xf32>
        %swap3A_111 = vector.shape_cast %broadcast_in_dim3A_12 : vector<16xf32> to vector<1x16xf32>
        tpu.vector_store %swap3A_106[%swap3A_107, %swap3A_108], %swap3A_111 {strides = array<i32>} : memref<128x128xf32, #tpu.memory_space<vmem>>, vector<1x16xf32>,
      }
      %scan3A_98 = arith.constant 8 : i32
    }
    %scan3A_17 = arith.constant 128 : i32
    %scan3A_18 = arith.constant 0 : i32
    %scan3A_19 = arith.constant 5 : i32
    %scan3A_20 = arith.addi %scan3A_18, %scan3A_19 : i32
    %scan3A_21 = arith.constant 1 : i32
    scf.for %scan3A_89 = %scan3A_18 to %scan3A_20 step %scan3A_21  : i32 {
      %mul3A_90 = arith.constant 1 : i32
      %mul3A_91 = arith.muli %scan3A_89, %mul3A_90 : i32
      %add3A_92 = arith.constant 0 : i32
      %add3A_93 = arith.addi %add3A_92, %mul3A_91 : i32
      %mul3A_94 = arith.constant 640 : i32
      %mul3A_95 = arith.muli %arg1, %mul3A_94 : i32
      %mul3A_96 = arith.constant 128 : i32
      %mul3A_97 = arith.muli %add3A_93, %mul3A_96 : i32
      %add3A_98 = arith.addi %mul3A_95, %mul3A_97 : i32
      %run_scoped3A = arith.constant 0 : i32
      "tpu.region"() ({
        %run_scoped3A_99 = tpu.sem_alloc : memref<!tpu.dma_semaphore, #tpu.memory_space<semaphore_mem>>
        %dma_start3A_100 = arith.constant 0 : i32
        %dma_start3A_101 = arith.constant 0 : i32
        %dma_start3A_102 = tpu.memref_slice %arg7[%run_scoped3A, %dma_start3A_100, %dma_start3A_101] : memref<2x128x128xf32, #tpu.memory_space<vmem>> -> memref<1x128x128xf32, #tpu.memory_space<vmem>>
        %dma_start3A_103 = tpu.memref_squeeze %dma_start3A_102 : memref<1x128x128xf32, #tpu.memory_space<vmem>> -> memref<128x128xf32, #tpu.memory_space<vmem>>
        %dma_start3A_104 = arith.constant 0 : i32
        %dma_start3A_105 = tpu.memref_slice %arg6[%add3A_98, %dma_start3A_104] : memref<10240x128xf32, #tpu.memory_space<vmem_shared>> -> memref<128x128xf32, #tpu.memory_space<vmem_shared>>
        %dma_start3A_106 = arith.constant 0 : i32
        %dma_start3A_107 = tpu.memref_slice %arg6[%add3A_98, %dma_start3A_106] : memref<10240x128xf32, #tpu.memory_space<vmem_shared>> -> memref<128x128xf32, #tpu.memory_space<vmem_shared>>
        %dma_start3A_108 = arith.constant 0 : i32
        %dma_start3A_109 = arith.constant 0 : i32
        %dma_start3A_110 = tpu.memref_slice %arg7[%run_scoped3A, %dma_start3A_108, %dma_start3A_109] : memref<2x128x128xf32, #tpu.memory_space<vmem>> -> memref<1x128x128xf32, #tpu.memory_space<vmem>>
        %dma_start3A_111 = tpu.memref_squeeze %dma_start3A_110 : memref<1x128x128xf32, #tpu.memory_space<vmem>> -> memref<128x128xf32, #tpu.memory_space<vmem>>
        tpu.enqueue_dma source(%dma_start3A_111 : memref<128x128xf32, #tpu.memory_space<vmem>>) target(%dma_start3A_107 : memref<128x128xf32, #tpu.memory_space<vmem_shared>>) target_semaphore(%run_scoped3A_99 : memref<!tpu.dma_semaphore, #tpu.memory_space<semaphore_mem>>)
        %dma_wait3A_112 = arith.constant 0 : i32
        %dma_wait3A_113 = arith.constant 0 : i32
        %dma_wait3A_114 = tpu.memref_slice %arg7[%run_scoped3A, %dma_wait3A_112, %dma_wait3A_113] : memref<2x128x128xf32, #tpu.memory_space<vmem>> -> memref<1x128x128xf32, #tpu.memory_space<vmem>>
        %dma_wait3A_115 = tpu.memref_squeeze %dma_wait3A_114 : memref<1x128x128xf32, #tpu.memory_space<vmem>> -> memref<128x128xf32, #tpu.memory_space<vmem>>
        %dma_wait3A_116 = arith.constant 0 : i32
        %dma_wait3A_117 = tpu.memref_slice %arg6[%add3A_98, %dma_wait3A_116] : memref<10240x128xf32, #tpu.memory_space<vmem_shared>> -> memref<128x128xf32, #tpu.memory_space<vmem_shared>>
        %dma_wait3A_118 = arith.constant 0 : i32
        %dma_wait3A_119 = tpu.memref_slice %arg6[%add3A_98, %dma_wait3A_118] : memref<10240x128xf32, #tpu.memory_space<vmem_shared>> -> memref<128x128xf32, #tpu.memory_space<vmem_shared>>
        %dma_wait3A_120 = arith.constant 0 : i32
        %dma_wait3A_121 = arith.constant 0 : i32
        %dma_wait3A_122 = tpu.memref_slice %arg7[%run_scoped3A, %dma_wait3A_120, %dma_wait3A_121] : memref<2x128x128xf32, #tpu.memory_space<vmem>> -> memref<1x128x128xf32, #tpu.memory_space<vmem>>
        %dma_wait3A_123 = tpu.memref_squeeze %dma_wait3A_122 : memref<1x128x128xf32, #tpu.memory_space<vmem>> -> memref<128x128xf32, #tpu.memory_space<vmem>>
        tpu.wait_dma2 semaphore(%run_scoped3A_99 : memref<!tpu.dma_semaphore, #tpu.memory_space<semaphore_mem>>) src(%dma_wait3A_123 : memref<128x128xf32, #tpu.memory_space<vmem>>) dst(%dma_wait3A_119 : memref<128x128xf32, #tpu.memory_space<vmem_shared>>)
        tpu.yield
      }) : () -> ()
    }
    %scan3A_22 = arith.constant 5 : i32
    %dma_wait3A = tpu.memref_slice %arg3[%mul3A_2] : memref<327680xi32, #tpu.memory_space<hbm>> -> memref<10240xi32, #tpu.memory_space<hbm>>
    %dma_wait3A_23 = tpu.memref_slice %arg3[%mul3A_2] : memref<327680xi32, #tpu.memory_space<hbm>> -> memref<10240xi32, #tpu.memory_space<hbm>>
    tpu.wait_dma2 semaphore(%arg10 : memref<!tpu.dma_semaphore, #tpu.memory_space<semaphore_mem>>) src(%dma_wait3A_23 : memref<10240xi32, #tpu.memory_space<hbm>>) dst(%arg8 : memref<10240xi32, #tpu.memory_space<vmem>>)
    %dma_wait3A_24 = arith.constant 0 : i32
    %dma_wait3A_25 = arith.constant 0 : i32
    %dma_wait3A_26 = tpu.memref_slice %arg4[%add3A, %dma_wait3A_24, %dma_wait3A_25] : memref<32x80x128xi32, #tpu.memory_space<hbm>> -> memref<1x40x128xi32, #tpu.memory_space<hbm>>
    %dma_wait3A_27 = tpu.memref_squeeze %dma_wait3A_26 : memref<1x40x128xi32, #tpu.memory_space<hbm>> -> memref<40x128xi32, #tpu.memory_space<hbm>>
    %dma_wait3A_28 = arith.constant 0 : i32
    %dma_wait3A_29 = arith.constant 0 : i32
    %dma_wait3A_30 = tpu.memref_slice %arg4[%add3A, %dma_wait3A_28, %dma_wait3A_29] : memref<32x80x128xi32, #tpu.memory_space<hbm>> -> memref<1x40x128xi32, #tpu.memory_space<hbm>>
    %dma_wait3A_31 = tpu.memref_squeeze %dma_wait3A_30 : memref<1x40x128xi32, #tpu.memory_space<hbm>> -> memref<40x128xi32, #tpu.memory_space<hbm>>
    tpu.wait_dma2 semaphore(%arg10 : memref<!tpu.dma_semaphore, #tpu.memory_space<semaphore_mem>>) src(%dma_wait3A_31 : memref<40x128xi32, #tpu.memory_space<hbm>>) dst(%arg9 : memref<40x128xi32, #tpu.memory_space<vmem>>)
    %barrier3A = arith.constant 0 : index
    tpu.barrier barrier_id(%barrier3A)
    %dma_start3A_32 = arith.constant 0 : i32
    %dma_start3A_33 = arith.constant 0 : i32
    %dma_start3A_34 = arith.constant 0 : i32
    %dma_start3A_35 = tpu.memref_slice %arg7[%dma_start3A_32, %dma_start3A_33, %dma_start3A_34] : memref<2x128x128xf32, #tpu.memory_space<vmem>> -> memref<1x128x128xf32, #tpu.memory_space<vmem>>
    %dma_start3A_36 = tpu.memref_squeeze %dma_start3A_35 : memref<1x128x128xf32, #tpu.memory_space<vmem>> -> memref<128x128xf32, #tpu.memory_space<vmem>>
    %dma_start3A_37 = arith.constant 0 : i32
    %dma_start3A_38 = tpu.memref_slice %arg8[%dma_start3A_37] : memref<10240xi32, #tpu.memory_space<vmem>> -> memref<128xi32, #tpu.memory_space<vmem>>
    %dma_start3A_39 = arith.constant 0 : i32
    %dma_start3A_40 = arith.constant 0 : i32
    %dma_start3A_41 = tpu.memref_slice %arg2[%dma_start3A_39, %dma_start3A_40] : memref<10240x128xf32, #tpu.memory_space<hbm>> -> memref<10240x128xf32, #tpu.memory_space<hbm>>
    tpu.enqueue_indirect_dma source(%dma_start3A_41 : memref<10240x128xf32, #tpu.memory_space<hbm>>) target(%dma_start3A_36 : memref<128x128xf32, #tpu.memory_space<vmem>>) offsets(%dma_start3A_38 : memref<128xi32, #tpu.memory_space<vmem>>) semaphore(%arg11 : memref<!tpu.dma_semaphore, #tpu.memory_space<semaphore_mem>>)
    %dma_wait3A_42 = arith.constant 0 : i32
    %dma_wait3A_43 = arith.constant 0 : i32
    %dma_wait3A_44 = arith.constant 0 : i32
    %dma_wait3A_45 = tpu.memref_slice %arg7[%dma_wait3A_42, %dma_wait3A_43, %dma_wait3A_44] : memref<2x128x128xf32, #tpu.memory_space<vmem>> -> memref<1x128x128xf32, #tpu.memory_space<vmem>>
    %dma_wait3A_46 = tpu.memref_squeeze %dma_wait3A_45 : memref<1x128x128xf32, #tpu.memory_space<vmem>> -> memref<128x128xf32, #tpu.memory_space<vmem>>
    %dma_wait3A_47 = arith.constant 0 : i32
    %dma_wait3A_48 = tpu.memref_slice %arg8[%dma_wait3A_47] : memref<10240xi32, #tpu.memory_space<vmem>> -> memref<128xi32, #tpu.memory_space<vmem>>
    %dma_wait3A_49 = arith.constant 0 : i32
    %dma_wait3A_50 = arith.constant 0 : i32
    %dma_wait3A_51 = tpu.memref_slice %arg2[%dma_wait3A_49, %dma_wait3A_50] : memref<10240x128xf32, #tpu.memory_space<hbm>> -> memref<10240x128xf32, #tpu.memory_space<hbm>>
    tpu.wait_indirect_dma semaphore(%arg11 : memref<!tpu.dma_semaphore, #tpu.memory_space<semaphore_mem>>) src(%dma_wait3A_51 : memref<10240x128xf32, #tpu.memory_space<hbm>>) dst(%dma_wait3A_46 : memref<128x128xf32, #tpu.memory_space<vmem>>)
    %scan3A_52 = arith.constant 0 : i32
    %scan3A_53 = arith.constant 40 : i32
    %scan3A_54 = arith.addi %scan3A_52, %scan3A_53 : i32
    %scan3A_55 = arith.constant 1 : i32
    scf.for %scan3A_89 = %scan3A_52 to %scan3A_54 step %scan3A_55  : i32 {
      %mul3A_90 = arith.constant 1 : i32
      %mul3A_91 = arith.muli %scan3A_89, %mul3A_90 : i32
      %add3A_92 = arith.constant 0 : i32
      %add3A_93 = arith.addi %add3A_92, %mul3A_91 : i32
      %jit3A = arith.constant 2 : i32
      %eq3A = arith.constant 0 : i32
      %eq3A_94 = arith.cmpi eq, %jit3A, %eq3A : i32
      %jit3A_95 = arith.constant 1 : i32
      %select_n3A = arith.select %eq3A_94, %jit3A_95, %jit3A : i32
      %rem3A = arith.remsi %add3A_93, %select_n3A : i32
      %ne3A = arith.constant 0 : i32
      %ne3A_96 = arith.cmpi ne, %rem3A, %ne3A : i32
      %lt3A = arith.constant 0 : i32
      %lt3A_97 = arith.cmpi slt, %rem3A, %lt3A : i32
      %lt3A_98 = arith.constant 0 : i32
      %lt3A_99 = arith.cmpi slt, %select_n3A, %lt3A_98 : i32
      %ne3A_100 = arith.xori %lt3A_97, %lt3A_99 : i1
      %and3A = arith.andi %ne3A_100, %ne3A_96 : i1
      %add3A_101 = arith.addi %rem3A, %select_n3A : i32
      %select_n3A_102 = arith.select %and3A, %add3A_101, %rem3A : i32
      %add3A_103 = arith.constant 1 : i32
      %add3A_104 = arith.addi %add3A_93, %add3A_103 : i32
      %sub3A = arith.constant 1 : i32
      %sub3A_105 = arith.subi %sub3A, %select_n3A_102 : i32
      %mul3A_106 = arith.constant 128 : i32
      %mul3A_107 = arith.muli %add3A_104, %mul3A_106 : i32
      %dma_start3A_108 = arith.constant 0 : i32
      %dma_start3A_109 = arith.constant 0 : i32
      %dma_start3A_110 = tpu.memref_slice %arg7[%sub3A_105, %dma_start3A_108, %dma_start3A_109] : memref<2x128x128xf32, #tpu.memory_space<vmem>> -> memref<1x128x128xf32, #tpu.memory_space<vmem>>
      %dma_start3A_111 = tpu.memref_squeeze %dma_start3A_110 : memref<1x128x128xf32, #tpu.memory_space<vmem>> -> memref<128x128xf32, #tpu.memory_space<vmem>>
      %dma_start3A_112 = tpu.memref_slice %arg8[%mul3A_107] : memref<10240xi32, #tpu.memory_space<vmem>> -> memref<128xi32, #tpu.memory_space<vmem>>
      %dma_start3A_113 = arith.constant 0 : i32
      %dma_start3A_114 = arith.constant 0 : i32
      %dma_start3A_115 = tpu.memref_slice %arg2[%dma_start3A_113, %dma_start3A_114] : memref<10240x128xf32, #tpu.memory_space<hbm>> -> memref<10240x128xf32, #tpu.memory_space<hbm>>
      tpu.enqueue_indirect_dma source(%dma_start3A_115 : memref<10240x128xf32, #tpu.memory_space<hbm>>) target(%dma_start3A_111 : memref<128x128xf32, #tpu.memory_space<vmem>>) offsets(%dma_start3A_112 : memref<128xi32, #tpu.memory_space<vmem>>) semaphore(%arg11 : memref<!tpu.dma_semaphore, #tpu.memory_space<semaphore_mem>>)
      %dma_start3A_116 = arith.constant 0 : i32
      %dma_start3A_117 = arith.constant 0 : i32
      %dma_start3A_118 = tpu.memref_slice %arg7[%select_n3A_102, %dma_start3A_116, %dma_start3A_117] : memref<2x128x128xf32, #tpu.memory_space<vmem>> -> memref<1x128x128xf32, #tpu.memory_space<vmem>>
      %dma_start3A_119 = tpu.memref_squeeze %dma_start3A_118 : memref<1x128x128xf32, #tpu.memory_space<vmem>> -> memref<128x128xf32, #tpu.memory_space<vmem>>
      %dma_start3A_120 = arith.constant 0 : i32
      %dma_start3A_121 = tpu.memref_slice %arg9[%add3A_93, %dma_start3A_120] : memref<40x128xi32, #tpu.memory_space<vmem>> -> memref<1x128xi32, #tpu.memory_space<vmem>>
      %dma_start3A_122 = tpu.memref_squeeze %dma_start3A_121 : memref<1x128xi32, #tpu.memory_space<vmem>> -> memref<128xi32, #tpu.memory_space<vmem>>
      %dma_start3A_123 = arith.constant 0 : i32
      %dma_start3A_124 = arith.constant 0 : i32
      %dma_start3A_125 = tpu.memref_slice %arg6[%dma_start3A_123, %dma_start3A_124] : memref<10240x128xf32, #tpu.memory_space<vmem_shared>> -> memref<10240x128xf32, #tpu.memory_space<vmem_shared>>
      tpu.enqueue_indirect_dma source(%dma_start3A_119 : memref<128x128xf32, #tpu.memory_space<vmem>>) target(%dma_start3A_125 : memref<10240x128xf32, #tpu.memory_space<vmem_shared>>) offsets(%dma_start3A_122 : memref<128xi32, #tpu.memory_space<vmem>>) semaphore(%arg12 : memref<!tpu.dma_semaphore, #tpu.memory_space<semaphore_mem>>) {add = true}
      %dma_wait3A_126 = arith.constant 0 : i32
      %dma_wait3A_127 = arith.constant 0 : i32
      %dma_wait3A_128 = tpu.memref_slice %arg7[%select_n3A_102, %dma_wait3A_126, %dma_wait3A_127] : memref<2x128x128xf32, #tpu.memory_space<vmem>> -> memref<1x128x128xf32, #tpu.memory_space<vmem>>
      %dma_wait3A_129 = tpu.memref_squeeze %dma_wait3A_128 : memref<1x128x128xf32, #tpu.memory_space<vmem>> -> memref<128x128xf32, #tpu.memory_space<vmem>>
      %dma_wait3A_130 = arith.constant 0 : i32
      %dma_wait3A_131 = tpu.memref_slice %arg9[%add3A_93, %dma_wait3A_130] : memref<40x128xi32, #tpu.memory_space<vmem>> -> memref<1x128xi32, #tpu.memory_space<vmem>>
      %dma_wait3A_132 = tpu.memref_squeeze %dma_wait3A_131 : memref<1x128xi32, #tpu.memory_space<vmem>> -> memref<128xi32, #tpu.memory_space<vmem>>
      %dma_wait3A_133 = arith.constant 0 : i32
      %dma_wait3A_134 = arith.constant 0 : i32
      %dma_wait3A_135 = tpu.memref_slice %arg6[%dma_wait3A_133, %dma_wait3A_134] : memref<10240x128xf32, #tpu.memory_space<vmem_shared>> -> memref<10240x128xf32, #tpu.memory_space<vmem_shared>>
      tpu.wait_indirect_dma semaphore(%arg12 : memref<!tpu.dma_semaphore, #tpu.memory_space<semaphore_mem>>) src(%dma_wait3A_129 : memref<128x128xf32, #tpu.memory_space<vmem>>) dst(%dma_wait3A_135 : memref<10240x128xf32, #tpu.memory_space<vmem_shared>>)
      %dma_wait3A_136 = arith.constant 0 : i32
      %dma_wait3A_137 = arith.constant 0 : i32
      %dma_wait3A_138 = tpu.memref_slice %arg7[%sub3A_105, %dma_wait3A_136, %dma_wait3A_137] : memref<2x128x128xf32, #tpu.memory_space<vmem>> -> memref<1x128x128xf32, #tpu.memory_space<vmem>>
      %dma_wait3A_139 = tpu.memref_squeeze %dma_wait3A_138 : memref<1x128x128xf32, #tpu.memory_space<vmem>> -> memref<128x128xf32, #tpu.memory_space<vmem>>
      %dma_wait3A_140 = tpu.memref_slice %arg8[%mul3A_107] : memref<10240xi32, #tpu.memory_space<vmem>> -> memref<128xi32, #tpu.memory_space<vmem>>
      %dma_wait3A_141 = arith.constant 0 : i32
      %dma_wait3A_142 = arith.constant 0 : i32
      %dma_wait3A_143 = tpu.memref_slice %arg2[%dma_wait3A_141, %dma_wait3A_142] : memref<10240x128xf32, #tpu.memory_space<hbm>> -> memref<10240x128xf32, #tpu.memory_space<hbm>>
      tpu.wait_indirect_dma semaphore(%arg11 : memref<!tpu.dma_semaphore, #tpu.memory_space<semaphore_mem>>) src(%dma_wait3A_143 : memref<10240x128xf32, #tpu.memory_space<hbm>>) dst(%dma_wait3A_139 : memref<128x128xf32, #tpu.memory_space<vmem>>)
    }
    %scan3A_56 = arith.constant 40 : i32
    "tpu.region"() ({
      %run_scoped3A = tpu.sem_alloc : memref<!tpu.dma_semaphore, #tpu.memory_space<semaphore_mem>>
      %dma_start3A_89 = arith.constant 40 : i32
      %dma_start3A_90 = arith.constant 0 : i32
      %dma_start3A_91 = tpu.memref_slice %arg4[%add3A, %dma_start3A_89, %dma_start3A_90] : memref<32x80x128xi32, #tpu.memory_space<hbm>> -> memref<1x40x128xi32, #tpu.memory_space<hbm>>
      %dma_start3A_92 = tpu.memref_squeeze %dma_start3A_91 : memref<1x40x128xi32, #tpu.memory_space<hbm>> -> memref<40x128xi32, #tpu.memory_space<hbm>>
      %dma_start3A_93 = arith.constant 40 : i32
      %dma_start3A_94 = arith.constant 0 : i32
      %dma_start3A_95 = tpu.memref_slice %arg4[%add3A, %dma_start3A_93, %dma_start3A_94] : memref<32x80x128xi32, #tpu.memory_space<hbm>> -> memref<1x40x128xi32, #tpu.memory_space<hbm>>
      %dma_start3A_96 = tpu.memref_squeeze %dma_start3A_95 : memref<1x40x128xi32, #tpu.memory_space<hbm>> -> memref<40x128xi32, #tpu.memory_space<hbm>>
      tpu.enqueue_dma source(%dma_start3A_96 : memref<40x128xi32, #tpu.memory_space<hbm>>) target(%arg9 : memref<40x128xi32, #tpu.memory_space<vmem>>) target_semaphore(%run_scoped3A : memref<!tpu.dma_semaphore, #tpu.memory_space<semaphore_mem>>)
      %dma_wait3A_97 = arith.constant 40 : i32
      %dma_wait3A_98 = arith.constant 0 : i32
      %dma_wait3A_99 = tpu.memref_slice %arg4[%add3A, %dma_wait3A_97, %dma_wait3A_98] : memref<32x80x128xi32, #tpu.memory_space<hbm>> -> memref<1x40x128xi32, #tpu.memory_space<hbm>>
      %dma_wait3A_100 = tpu.memref_squeeze %dma_wait3A_99 : memref<1x40x128xi32, #tpu.memory_space<hbm>> -> memref<40x128xi32, #tpu.memory_space<hbm>>
      %dma_wait3A_101 = arith.constant 40 : i32
      %dma_wait3A_102 = arith.constant 0 : i32
      %dma_wait3A_103 = tpu.memref_slice %arg4[%add3A, %dma_wait3A_101, %dma_wait3A_102] : memref<32x80x128xi32, #tpu.memory_space<hbm>> -> memref<1x40x128xi32, #tpu.memory_space<hbm>>
      %dma_wait3A_104 = tpu.memref_squeeze %dma_wait3A_103 : memref<1x40x128xi32, #tpu.memory_space<hbm>> -> memref<40x128xi32, #tpu.memory_space<hbm>>
      tpu.wait_dma2 semaphore(%run_scoped3A : memref<!tpu.dma_semaphore, #tpu.memory_space<semaphore_mem>>) src(%dma_wait3A_104 : memref<40x128xi32, #tpu.memory_space<hbm>>) dst(%arg9 : memref<40x128xi32, #tpu.memory_space<vmem>>)
      tpu.yield
    }) : () -> ()
    %scan3A_57 = arith.constant 0 : i32
    %scan3A_58 = arith.constant 39 : i32
    %scan3A_59 = arith.addi %scan3A_57, %scan3A_58 : i32
    %scan3A_60 = arith.constant 1 : i32
    scf.for %scan3A_89 = %scan3A_57 to %scan3A_59 step %scan3A_60  : i32 {
      %mul3A_90 = arith.constant 1 : i32
      %mul3A_91 = arith.muli %scan3A_89, %mul3A_90 : i32
      %add3A_92 = arith.constant 40 : i32
      %add3A_93 = arith.addi %add3A_92, %mul3A_91 : i32
      %jit3A = arith.constant 2 : i32
      %eq3A = arith.constant 0 : i32
      %eq3A_94 = arith.cmpi eq, %jit3A, %eq3A : i32
      %jit3A_95 = arith.constant 1 : i32
      %select_n3A = arith.select %eq3A_94, %jit3A_95, %jit3A : i32
      %rem3A = arith.remsi %add3A_93, %select_n3A : i32
      %ne3A = arith.constant 0 : i32
      %ne3A_96 = arith.cmpi ne, %rem3A, %ne3A : i32
      %lt3A = arith.constant 0 : i32
      %lt3A_97 = arith.cmpi slt, %rem3A, %lt3A : i32
      %lt3A_98 = arith.constant 0 : i32
      %lt3A_99 = arith.cmpi slt, %select_n3A, %lt3A_98 : i32
      %ne3A_100 = arith.xori %lt3A_97, %lt3A_99 : i1
      %and3A = arith.andi %ne3A_100, %ne3A_96 : i1
      %add3A_101 = arith.addi %rem3A, %select_n3A : i32
      %select_n3A_102 = arith.select %and3A, %add3A_101, %rem3A : i32
      %add3A_103 = arith.constant 1 : i32
      %add3A_104 = arith.addi %add3A_93, %add3A_103 : i32
      %sub3A = arith.constant 1 : i32
      %sub3A_105 = arith.subi %sub3A, %select_n3A_102 : i32
      %mul3A_106 = arith.constant 128 : i32
      %mul3A_107 = arith.muli %add3A_104, %mul3A_106 : i32
      %dma_start3A_108 = arith.constant 0 : i32
      %dma_start3A_109 = arith.constant 0 : i32
      %dma_start3A_110 = tpu.memref_slice %arg7[%sub3A_105, %dma_start3A_108, %dma_start3A_109] : memref<2x128x128xf32, #tpu.memory_space<vmem>> -> memref<1x128x128xf32, #tpu.memory_space<vmem>>
      %dma_start3A_111 = tpu.memref_squeeze %dma_start3A_110 : memref<1x128x128xf32, #tpu.memory_space<vmem>> -> memref<128x128xf32, #tpu.memory_space<vmem>>
      %dma_start3A_112 = tpu.memref_slice %arg8[%mul3A_107] : memref<10240xi32, #tpu.memory_space<vmem>> -> memref<128xi32, #tpu.memory_space<vmem>>
      %dma_start3A_113 = arith.constant 0 : i32
      %dma_start3A_114 = arith.constant 0 : i32
      %dma_start3A_115 = tpu.memref_slice %arg2[%dma_start3A_113, %dma_start3A_114] : memref<10240x128xf32, #tpu.memory_space<hbm>> -> memref<10240x128xf32, #tpu.memory_space<hbm>>
      tpu.enqueue_indirect_dma source(%dma_start3A_115 : memref<10240x128xf32, #tpu.memory_space<hbm>>) target(%dma_start3A_111 : memref<128x128xf32, #tpu.memory_space<vmem>>) offsets(%dma_start3A_112 : memref<128xi32, #tpu.memory_space<vmem>>) semaphore(%arg11 : memref<!tpu.dma_semaphore, #tpu.memory_space<semaphore_mem>>)
      %sub3A_116 = arith.constant 40 : i32
      %sub3A_117 = arith.subi %add3A_93, %sub3A_116 : i32
      %dma_start3A_118 = arith.constant 0 : i32
      %dma_start3A_119 = arith.constant 0 : i32
      %dma_start3A_120 = tpu.memref_slice %arg7[%select_n3A_102, %dma_start3A_118, %dma_start3A_119] : memref<2x128x128xf32, #tpu.memory_space<vmem>> -> memref<1x128x128xf32, #tpu.memory_space<vmem>>
      %dma_start3A_121 = tpu.memref_squeeze %dma_start3A_120 : memref<1x128x128xf32, #tpu.memory_space<vmem>> -> memref<128x128xf32, #tpu.memory_space<vmem>>
      %dma_start3A_122 = arith.constant 0 : i32
      %dma_start3A_123 = tpu.memref_slice %arg9[%sub3A_117, %dma_start3A_122] : memref<40x128xi32, #tpu.memory_space<vmem>> -> memref<1x128xi32, #tpu.memory_space<vmem>>
      %dma_start3A_124 = tpu.memref_squeeze %dma_start3A_123 : memref<1x128xi32, #tpu.memory_space<vmem>> -> memref<128xi32, #tpu.memory_space<vmem>>
      %dma_start3A_125 = arith.constant 0 : i32
      %dma_start3A_126 = arith.constant 0 : i32
      %dma_start3A_127 = tpu.memref_slice %arg6[%dma_start3A_125, %dma_start3A_126] : memref<10240x128xf32, #tpu.memory_space<vmem_shared>> -> memref<10240x128xf32, #tpu.memory_space<vmem_shared>>
      tpu.enqueue_indirect_dma source(%dma_start3A_121 : memref<128x128xf32, #tpu.memory_space<vmem>>) target(%dma_start3A_127 : memref<10240x128xf32, #tpu.memory_space<vmem_shared>>) offsets(%dma_start3A_124 : memref<128xi32, #tpu.memory_space<vmem>>) semaphore(%arg12 : memref<!tpu.dma_semaphore, #tpu.memory_space<semaphore_mem>>) {add = true}
      %dma_wait3A_128 = arith.constant 0 : i32
      %dma_wait3A_129 = arith.constant 0 : i32
      %dma_wait3A_130 = tpu.memref_slice %arg7[%select_n3A_102, %dma_wait3A_128, %dma_wait3A_129] : memref<2x128x128xf32, #tpu.memory_space<vmem>> -> memref<1x128x128xf32, #tpu.memory_space<vmem>>
      %dma_wait3A_131 = tpu.memref_squeeze %dma_wait3A_130 : memref<1x128x128xf32, #tpu.memory_space<vmem>> -> memref<128x128xf32, #tpu.memory_space<vmem>>
      %dma_wait3A_132 = arith.constant 0 : i32
      %dma_wait3A_133 = tpu.memref_slice %arg9[%sub3A_117, %dma_wait3A_132] : memref<40x128xi32, #tpu.memory_space<vmem>> -> memref<1x128xi32, #tpu.memory_space<vmem>>
      %dma_wait3A_134 = tpu.memref_squeeze %dma_wait3A_133 : memref<1x128xi32, #tpu.memory_space<vmem>> -> memref<128xi32, #tpu.memory_space<vmem>>
      %dma_wait3A_135 = arith.constant 0 : i32
      %dma_wait3A_136 = arith.constant 0 : i32
      %dma_wait3A_137 = tpu.memref_slice %arg6[%dma_wait3A_135, %dma_wait3A_136] : memref<10240x128xf32, #tpu.memory_space<vmem_shared>> -> memref<10240x128xf32, #tpu.memory_space<vmem_shared>>
      tpu.wait_indirect_dma semaphore(%arg12 : memref<!tpu.dma_semaphore, #tpu.memory_space<semaphore_mem>>) src(%dma_wait3A_131 : memref<128x128xf32, #tpu.memory_space<vmem>>) dst(%dma_wait3A_137 : memref<10240x128xf32, #tpu.memory_space<vmem_shared>>)
      %dma_wait3A_138 = arith.constant 0 : i32
      %dma_wait3A_139 = arith.constant 0 : i32
      %dma_wait3A_140 = tpu.memref_slice %arg7[%sub3A_105, %dma_wait3A_138, %dma_wait3A_139] : memref<2x128x128xf32, #tpu.memory_space<vmem>> -> memref<1x128x128xf32, #tpu.memory_space<vmem>>
      %dma_wait3A_141 = tpu.memref_squeeze %dma_wait3A_140 : memref<1x128x128xf32, #tpu.memory_space<vmem>> -> memref<128x128xf32, #tpu.memory_space<vmem>>
      %dma_wait3A_142 = tpu.memref_slice %arg8[%mul3A_107] : memref<10240xi32, #tpu.memory_space<vmem>> -> memref<128xi32, #tpu.memory_space<vmem>>
      %dma_wait3A_143 = arith.constant 0 : i32
      %dma_wait3A_144 = arith.constant 0 : i32
      %dma_wait3A_145 = tpu.memref_slice %arg2[%dma_wait3A_143, %dma_wait3A_144] : memref<10240x128xf32, #tpu.memory_space<hbm>> -> memref<10240x128xf32, #tpu.memory_space<hbm>>
      tpu.wait_indirect_dma semaphore(%arg11 : memref<!tpu.dma_semaphore, #tpu.memory_space<semaphore_mem>>) src(%dma_wait3A_145 : memref<10240x128xf32, #tpu.memory_space<hbm>>) dst(%dma_wait3A_141 : memref<128x128xf32, #tpu.memory_space<vmem>>)
    }
    %scan3A_61 = arith.constant 39 : i32
    %dma_start3A_62 = arith.constant 1 : i32
    %dma_start3A_63 = arith.constant 39 : i32
    %dma_start3A_64 = arith.constant 0 : i32
    %dma_start3A_65 = arith.constant 0 : i32
    %dma_start3A_66 = tpu.memref_slice %arg7[%dma_start3A_62, %dma_start3A_64, %dma_start3A_65] : memref<2x128x128xf32, #tpu.memory_space<vmem>> -> memref<1x128x128xf32, #tpu.memory_space<vmem>>
    %dma_start3A_67 = tpu.memref_squeeze %dma_start3A_66 : memref<1x128x128xf32, #tpu.memory_space<vmem>> -> memref<128x128xf32, #tpu.memory_space<vmem>>
    %dma_start3A_68 = arith.constant 0 : i32
    %dma_start3A_69 = tpu.memref_slice %arg9[%dma_start3A_63, %dma_start3A_68] : memref<40x128xi32, #tpu.memory_space<vmem>> -> memref<1x128xi32, #tpu.memory_space<vmem>>
    %dma_start3A_70 = tpu.memref_squeeze %dma_start3A_69 : memref<1x128xi32, #tpu.memory_space<vmem>> -> memref<128xi32, #tpu.memory_space<vmem>>
    %dma_start3A_71 = arith.constant 0 : i32
    %dma_start3A_72 = arith.constant 0 : i32
    %dma_start3A_73 = tpu.memref_slice %arg6[%dma_start3A_71, %dma_start3A_72] : memref<10240x128xf32, #tpu.memory_space<vmem_shared>> -> memref<10240x128xf32, #tpu.memory_space<vmem_shared>>
    tpu.enqueue_indirect_dma source(%dma_start3A_67 : memref<128x128xf32, #tpu.memory_space<vmem>>) target(%dma_start3A_73 : memref<10240x128xf32, #tpu.memory_space<vmem_shared>>) offsets(%dma_start3A_70 : memref<128xi32, #tpu.memory_space<vmem>>) semaphore(%arg12 : memref<!tpu.dma_semaphore, #tpu.memory_space<semaphore_mem>>) {add = true}
    %dma_wait3A_74 = arith.constant 1 : i32
    %dma_wait3A_75 = arith.constant 39 : i32
    %dma_wait3A_76 = arith.constant 0 : i32
    %dma_wait3A_77 = arith.constant 0 : i32
    %dma_wait3A_78 = tpu.memref_slice %arg7[%dma_wait3A_74, %dma_wait3A_76, %dma_wait3A_77] : memref<2x128x128xf32, #tpu.memory_space<vmem>> -> memref<1x128x128xf32, #tpu.memory_space<vmem>>
    %dma_wait3A_79 = tpu.memref_squeeze %dma_wait3A_78 : memref<1x128x128xf32, #tpu.memory_space<vmem>> -> memref<128x128xf32, #tpu.memory_space<vmem>>
    %dma_wait3A_80 = arith.constant 0 : i32
    %dma_wait3A_81 = tpu.memref_slice %arg9[%dma_wait3A_75, %dma_wait3A_80] : memref<40x128xi32, #tpu.memory_space<vmem>> -> memref<1x128xi32, #tpu.memory_space<vmem>>
    %dma_wait3A_82 = tpu.memref_squeeze %dma_wait3A_81 : memref<1x128xi32, #tpu.memory_space<vmem>> -> memref<128xi32, #tpu.memory_space<vmem>>
    %dma_wait3A_83 = arith.constant 0 : i32
    %dma_wait3A_84 = arith.constant 0 : i32
    %dma_wait3A_85 = tpu.memref_slice %arg6[%dma_wait3A_83, %dma_wait3A_84] : memref<10240x128xf32, #tpu.memory_space<vmem_shared>> -> memref<10240x128xf32, #tpu.memory_space<vmem_shared>>
    tpu.wait_indirect_dma semaphore(%arg12 : memref<!tpu.dma_semaphore, #tpu.memory_space<semaphore_mem>>) src(%dma_wait3A_79 : memref<128x128xf32, #tpu.memory_space<vmem>>) dst(%dma_wait3A_85 : memref<10240x128xf32, #tpu.memory_space<vmem_shared>>)
    %barrier3A_86 = arith.constant 0 : index
    tpu.barrier barrier_id(%barrier3A_86)
    %mul3A_87 = arith.constant 640 : i32
    %mul3A_88 = arith.muli %arg1, %mul3A_87 : i32
    "tpu.region"() ({
      %run_scoped3A = tpu.sem_alloc : memref<!tpu.dma_semaphore, #tpu.memory_space<semaphore_mem>>
      %dma_start3A_89 = arith.constant 0 : i32
      %dma_start3A_90 = tpu.memref_slice %arg5[%arg0, %mul3A_88, %dma_start3A_89] : memref<2x10240x128xf32, #tpu.memory_space<hbm>> -> memref<1x640x128xf32, #tpu.memory_space<hbm>>
      %dma_start3A_91 = tpu.memref_squeeze %dma_start3A_90 : memref<1x640x128xf32, #tpu.memory_space<hbm>> -> memref<640x128xf32, #tpu.memory_space<hbm>>
      %dma_start3A_92 = arith.constant 0 : i32
      %dma_start3A_93 = tpu.memref_slice %arg6[%mul3A_88, %dma_start3A_92] : memref<10240x128xf32, #tpu.memory_space<vmem_shared>> -> memref<640x128xf32, #tpu.memory_space<vmem_shared>>
      tpu.enqueue_dma source(%dma_start3A_93 : memref<640x128xf32, #tpu.memory_space<vmem_shared>>) target(%dma_start3A_91 : memref<640x128xf32, #tpu.memory_space<hbm>>) target_semaphore(%run_scoped3A : memref<!tpu.dma_semaphore, #tpu.memory_space<semaphore_mem>>)
      %dma_wait3A_94 = arith.constant 0 : i32
      %dma_wait3A_95 = tpu.memref_slice %arg5[%arg0, %mul3A_88, %dma_wait3A_94] : memref<2x10240x128xf32, #tpu.memory_space<hbm>> -> memref<1x640x128xf32, #tpu.memory_space<hbm>>
      %dma_wait3A_96 = tpu.memref_squeeze %dma_wait3A_95 : memref<1x640x128xf32, #tpu.memory_space<hbm>> -> memref<640x128xf32, #tpu.memory_space<hbm>>
      %dma_wait3A_97 = arith.constant 0 : i32
      %dma_wait3A_98 = tpu.memref_slice %arg6[%mul3A_88, %dma_wait3A_97] : memref<10240x128xf32, #tpu.memory_space<vmem_shared>> -> memref<640x128xf32, #tpu.memory_space<vmem_shared>>
      tpu.wait_dma2 semaphore(%run_scoped3A : memref<!tpu.dma_semaphore, #tpu.memory_space<semaphore_mem>>) src(%dma_wait3A_98 : memref<640x128xf32, #tpu.memory_space<vmem_shared>>) dst(%dma_wait3A_96 : memref<640x128xf32, #tpu.memory_space<hbm>>)
      tpu.yield
    }) : () -> ()
    return
  }
}

#map = affine_map<(d0, d1) -> (0, 0, 0)>
module attributes {stable_mosaic.version = 14 : i64} {
  func.func @_deg_kernel(%arg0: i32, %arg1: i32, %arg2: memref<32x80x128xi32, #tpu.memory_space<hbm>>, %arg3: memref<32x80x128xi32, #tpu.memory_space<hbm>>, %arg4: memref<2x10240x128xf32, #tpu.memory_space<hbm>>, %arg5: memref<10240x128xf32, #tpu.memory_space<vmem_shared>>, %arg6: memref<128x128xf32, #tpu.memory_space<vmem>>, %arg7: memref<128x128xf32, #tpu.memory_space<vmem>>, %arg8: memref<40x128xi32, #tpu.memory_space<vmem>>, %arg9: memref<40x128xi32, #tpu.memory_space<vmem>>, %arg10: memref<!tpu.dma_semaphore, #tpu.memory_space<semaphore_mem>>) attributes {dimension_semantics = [#tpu.dimension_semantics<core_parallel>, #tpu.dimension_semantics<subcore_parallel>], iteration_bounds = array<i64: 2, 16>, scalar_prefetch = 0 : i64, scratch_operands = 6 : i64, tpu.core_type = #tpu.core_type<sc_vector_subcore>, window_params = [{transform_indices = #map}, {transform_indices = #map}, {transform_indices = #map}]} {
    %mul3A = arith.constant 16 : i32
    %mul3A_0 = arith.muli %arg0, %mul3A : i32
    %add3A = arith.addi %mul3A_0, %arg1 : i32
    %broadcast_in_dim3A = arith.constant 0.000000e+00 : f32
    %broadcast_in_dim3A_1 = vector.broadcast %broadcast_in_dim3A : f32 to vector<16xf32>
    %scan3A = arith.constant 0 : i32
    %scan3A_2 = arith.constant 128 : i32
    %scan3A_3 = arith.addi %scan3A, %scan3A_2 : i32
    %scan3A_4 = arith.constant 1 : i32
    scf.for %scan3A_51 = %scan3A to %scan3A_3 step %scan3A_4  : i32 {
      %mul3A_52 = arith.constant 1 : i32
      %mul3A_53 = arith.muli %scan3A_51, %mul3A_52 : i32
      %add3A_54 = arith.constant 0 : i32
      %add3A_55 = arith.addi %add3A_54, %mul3A_53 : i32
      %scan3A_56 = arith.constant 0 : i32
      %scan3A_57 = arith.constant 8 : i32
      %scan3A_58 = arith.addi %scan3A_56, %scan3A_57 : i32
      %scan3A_59 = arith.constant 1 : i32
      scf.for %scan3A_61 = %scan3A_56 to %scan3A_58 step %scan3A_59  : i32 {
        %mul3A_62 = arith.constant 16 : i32
        %mul3A_63 = arith.muli %scan3A_61, %mul3A_62 : i32
        %add3A_64 = arith.constant 0 : i32
        %add3A_65 = arith.addi %add3A_64, %mul3A_63 : i32
        %swap3A = arith.index_cast %add3A_55 : i32 to index
        %swap3A_66 = arith.index_cast %add3A_65 : i32 to index
        %swap3A_67 = tpu.vector_load %arg6[%swap3A, %swap3A_66] {strides = array<i32>} : memref<128x128xf32, #tpu.memory_space<vmem>>, vector<1x16xf32>,
        %swap3A_68 = vector.shape_cast %swap3A_67 : vector<1x16xf32> to vector<16xf32>
        %swap3A_69 = vector.shape_cast %broadcast_in_dim3A_1 : vector<16xf32> to vector<1x16xf32>
        tpu.vector_store %arg6[%swap3A, %swap3A_66], %swap3A_69 {strides = array<i32>} : memref<128x128xf32, #tpu.memory_space<vmem>>, vector<1x16xf32>,
      }
      %scan3A_60 = arith.constant 8 : i32
    }
    %scan3A_5 = arith.constant 128 : i32
    %scan3A_6 = arith.constant 0 : i32
    %scan3A_7 = arith.constant 5 : i32
    %scan3A_8 = arith.addi %scan3A_6, %scan3A_7 : i32
    %scan3A_9 = arith.constant 1 : i32
    scf.for %scan3A_51 = %scan3A_6 to %scan3A_8 step %scan3A_9  : i32 {
      %mul3A_52 = arith.constant 1 : i32
      %mul3A_53 = arith.muli %scan3A_51, %mul3A_52 : i32
      %add3A_54 = arith.constant 0 : i32
      %add3A_55 = arith.addi %add3A_54, %mul3A_53 : i32
      %mul3A_56 = arith.constant 640 : i32
      %mul3A_57 = arith.muli %arg1, %mul3A_56 : i32
      %mul3A_58 = arith.constant 128 : i32
      %mul3A_59 = arith.muli %add3A_55, %mul3A_58 : i32
      %add3A_60 = arith.addi %mul3A_57, %mul3A_59 : i32
      "tpu.region"() ({
        %run_scoped3A = tpu.sem_alloc : memref<!tpu.dma_semaphore, #tpu.memory_space<semaphore_mem>>
        %dma_start3A = arith.constant 0 : i32
        %dma_start3A_61 = tpu.memref_slice %arg5[%add3A_60, %dma_start3A] : memref<10240x128xf32, #tpu.memory_space<vmem_shared>> -> memref<128x128xf32, #tpu.memory_space<vmem_shared>>
        %dma_start3A_62 = arith.constant 0 : i32
        %dma_start3A_63 = tpu.memref_slice %arg5[%add3A_60, %dma_start3A_62] : memref<10240x128xf32, #tpu.memory_space<vmem_shared>> -> memref<128x128xf32, #tpu.memory_space<vmem_shared>>
        tpu.enqueue_dma source(%arg6 : memref<128x128xf32, #tpu.memory_space<vmem>>) target(%dma_start3A_63 : memref<128x128xf32, #tpu.memory_space<vmem_shared>>) target_semaphore(%run_scoped3A : memref<!tpu.dma_semaphore, #tpu.memory_space<semaphore_mem>>)
        %dma_wait3A = arith.constant 0 : i32
        %dma_wait3A_64 = tpu.memref_slice %arg5[%add3A_60, %dma_wait3A] : memref<10240x128xf32, #tpu.memory_space<vmem_shared>> -> memref<128x128xf32, #tpu.memory_space<vmem_shared>>
        %dma_wait3A_65 = arith.constant 0 : i32
        %dma_wait3A_66 = tpu.memref_slice %arg5[%add3A_60, %dma_wait3A_65] : memref<10240x128xf32, #tpu.memory_space<vmem_shared>> -> memref<128x128xf32, #tpu.memory_space<vmem_shared>>
        tpu.wait_dma2 semaphore(%run_scoped3A : memref<!tpu.dma_semaphore, #tpu.memory_space<semaphore_mem>>) src(%arg6 : memref<128x128xf32, #tpu.memory_space<vmem>>) dst(%dma_wait3A_66 : memref<128x128xf32, #tpu.memory_space<vmem_shared>>)
        tpu.yield
      }) : () -> ()
    }
    %scan3A_10 = arith.constant 5 : i32
    %iota3A = tpu.iota {dimensions = array<i32: 0>} : vector<16xi32>
    %eq3A = arith.constant 0 : i32
    %eq3A_11 = vector.broadcast %eq3A : i32 to vector<16xi32>
    %eq3A_12 = arith.cmpi eq, %iota3A, %eq3A_11 : vector<16xi32>
    %jit3A = arith.constant 1.000000e+00 : f32
    %jit3A_13 = arith.constant 0.000000e+00 : f32
    %broadcast_in_dim3A_14 = vector.broadcast %jit3A : f32 to vector<16xf32>
    %broadcast_in_dim3A_15 = vector.broadcast %jit3A_13 : f32 to vector<16xf32>
    %select_n3A = arith.select %eq3A_12, %broadcast_in_dim3A_14, %broadcast_in_dim3A_15 : vector<16xi1>, vector<16xf32>
    %broadcast_in_dim3A_16 = arith.constant 0.000000e+00 : f32
    %broadcast_in_dim3A_17 = vector.broadcast %broadcast_in_dim3A_16 : f32 to vector<16xf32>
    %scan3A_18 = arith.constant 0 : i32
    %scan3A_19 = arith.constant 128 : i32
    %scan3A_20 = arith.addi %scan3A_18, %scan3A_19 : i32
    %scan3A_21 = arith.constant 1 : i32
    scf.for %scan3A_51 = %scan3A_18 to %scan3A_20 step %scan3A_21  : i32 {
      %mul3A_52 = arith.constant 1 : i32
      %mul3A_53 = arith.muli %scan3A_51, %mul3A_52 : i32
      %add3A_54 = arith.constant 0 : i32
      %add3A_55 = arith.addi %add3A_54, %mul3A_53 : i32
      %swap3A = arith.index_cast %add3A_55 : i32 to index
      %swap3A_56 = arith.constant 0 : index
      %swap3A_57 = tpu.vector_load %arg6[%swap3A, %swap3A_56] {strides = array<i32>} : memref<128x128xf32, #tpu.memory_space<vmem>>, vector<1x16xf32>,
      %swap3A_58 = vector.shape_cast %swap3A_57 : vector<1x16xf32> to vector<16xf32>
      %swap3A_59 = vector.shape_cast %select_n3A : vector<16xf32> to vector<1x16xf32>
      tpu.vector_store %arg6[%swap3A, %swap3A_56], %swap3A_59 {strides = array<i32>} : memref<128x128xf32, #tpu.memory_space<vmem>>, vector<1x16xf32>,
      %swap3A_60 = arith.index_cast %add3A_55 : i32 to index
      %swap3A_61 = arith.constant 16 : index
      %swap3A_62 = tpu.vector_load %arg6[%swap3A_60, %swap3A_61] {strides = array<i32>} : memref<128x128xf32, #tpu.memory_space<vmem>>, vector<1x16xf32>,
      %swap3A_63 = vector.shape_cast %swap3A_62 : vector<1x16xf32> to vector<16xf32>
      %swap3A_64 = vector.shape_cast %broadcast_in_dim3A_17 : vector<16xf32> to vector<1x16xf32>
      tpu.vector_store %arg6[%swap3A_60, %swap3A_61], %swap3A_64 {strides = array<i32>} : memref<128x128xf32, #tpu.memory_space<vmem>>, vector<1x16xf32>,
      %swap3A_65 = arith.index_cast %add3A_55 : i32 to index
      %swap3A_66 = arith.constant 32 : index
      %swap3A_67 = tpu.vector_load %arg6[%swap3A_65, %swap3A_66] {strides = array<i32>} : memref<128x128xf32, #tpu.memory_space<vmem>>, vector<1x16xf32>,
      %swap3A_68 = vector.shape_cast %swap3A_67 : vector<1x16xf32> to vector<16xf32>
      %swap3A_69 = vector.shape_cast %broadcast_in_dim3A_17 : vector<16xf32> to vector<1x16xf32>
      tpu.vector_store %arg6[%swap3A_65, %swap3A_66], %swap3A_69 {strides = array<i32>} : memref<128x128xf32, #tpu.memory_space<vmem>>, vector<1x16xf32>,
      %swap3A_70 = arith.index_cast %add3A_55 : i32 to index
      %swap3A_71 = arith.constant 48 : index
      %swap3A_72 = tpu.vector_load %arg6[%swap3A_70, %swap3A_71] {strides = array<i32>} : memref<128x128xf32, #tpu.memory_space<vmem>>, vector<1x16xf32>,
      %swap3A_73 = vector.shape_cast %swap3A_72 : vector<1x16xf32> to vector<16xf32>
      %swap3A_74 = vector.shape_cast %broadcast_in_dim3A_17 : vector<16xf32> to vector<1x16xf32>
      tpu.vector_store %arg6[%swap3A_70, %swap3A_71], %swap3A_74 {strides = array<i32>} : memref<128x128xf32, #tpu.memory_space<vmem>>, vector<1x16xf32>,
      %swap3A_75 = arith.index_cast %add3A_55 : i32 to index
      %swap3A_76 = arith.constant 64 : index
      %swap3A_77 = tpu.vector_load %arg6[%swap3A_75, %swap3A_76] {strides = array<i32>} : memref<128x128xf32, #tpu.memory_space<vmem>>, vector<1x16xf32>,
      %swap3A_78 = vector.shape_cast %swap3A_77 : vector<1x16xf32> to vector<16xf32>
      %swap3A_79 = vector.shape_cast %broadcast_in_dim3A_17 : vector<16xf32> to vector<1x16xf32>
      tpu.vector_store %arg6[%swap3A_75, %swap3A_76], %swap3A_79 {strides = array<i32>} : memref<128x128xf32, #tpu.memory_space<vmem>>, vector<1x16xf32>,
      %swap3A_80 = arith.index_cast %add3A_55 : i32 to index
      %swap3A_81 = arith.constant 80 : index
      %swap3A_82 = tpu.vector_load %arg6[%swap3A_80, %swap3A_81] {strides = array<i32>} : memref<128x128xf32, #tpu.memory_space<vmem>>, vector<1x16xf32>,
      %swap3A_83 = vector.shape_cast %swap3A_82 : vector<1x16xf32> to vector<16xf32>
      %swap3A_84 = vector.shape_cast %broadcast_in_dim3A_17 : vector<16xf32> to vector<1x16xf32>
      tpu.vector_store %arg6[%swap3A_80, %swap3A_81], %swap3A_84 {strides = array<i32>} : memref<128x128xf32, #tpu.memory_space<vmem>>, vector<1x16xf32>,
      %swap3A_85 = arith.index_cast %add3A_55 : i32 to index
      %swap3A_86 = arith.constant 96 : index
      %swap3A_87 = tpu.vector_load %arg6[%swap3A_85, %swap3A_86] {strides = array<i32>} : memref<128x128xf32, #tpu.memory_space<vmem>>, vector<1x16xf32>,
      %swap3A_88 = vector.shape_cast %swap3A_87 : vector<1x16xf32> to vector<16xf32>
      %swap3A_89 = vector.shape_cast %broadcast_in_dim3A_17 : vector<16xf32> to vector<1x16xf32>
      tpu.vector_store %arg6[%swap3A_85, %swap3A_86], %swap3A_89 {strides = array<i32>} : memref<128x128xf32, #tpu.memory_space<vmem>>, vector<1x16xf32>,
      %swap3A_90 = arith.index_cast %add3A_55 : i32 to index
      %swap3A_91 = arith.constant 112 : index
      %swap3A_92 = tpu.vector_load %arg6[%swap3A_90, %swap3A_91] {strides = array<i32>} : memref<128x128xf32, #tpu.memory_space<vmem>>, vector<1x16xf32>,
      %swap3A_93 = vector.shape_cast %swap3A_92 : vector<1x16xf32> to vector<16xf32>
      %swap3A_94 = vector.shape_cast %broadcast_in_dim3A_17 : vector<16xf32> to vector<1x16xf32>
      tpu.vector_store %arg6[%swap3A_90, %swap3A_91], %swap3A_94 {strides = array<i32>} : memref<128x128xf32, #tpu.memory_space<vmem>>, vector<1x16xf32>,
    }
    %scan3A_22 = arith.constant 128 : i32
    %eq3A_23 = arith.constant 1 : i32
    %eq3A_24 = vector.broadcast %eq3A_23 : i32 to vector<16xi32>
    %eq3A_25 = arith.cmpi eq, %iota3A, %eq3A_24 : vector<16xi32>
    %jit3A_26 = arith.constant 1.000000e+00 : f32
    %jit3A_27 = arith.constant 0.000000e+00 : f32
    %broadcast_in_dim3A_28 = vector.broadcast %jit3A_26 : f32 to vector<16xf32>
    %broadcast_in_dim3A_29 = vector.broadcast %jit3A_27 : f32 to vector<16xf32>
    %select_n3A_30 = arith.select %eq3A_25, %broadcast_in_dim3A_28, %broadcast_in_dim3A_29 : vector<16xi1>, vector<16xf32>
    %broadcast_in_dim3A_31 = arith.constant 0.000000e+00 : f32
    %broadcast_in_dim3A_32 = vector.broadcast %broadcast_in_dim3A_31 : f32 to vector<16xf32>
    %scan3A_33 = arith.constant 0 : i32
    %scan3A_34 = arith.constant 128 : i32
    %scan3A_35 = arith.addi %scan3A_33, %scan3A_34 : i32
    %scan3A_36 = arith.constant 1 : i32
    scf.for %scan3A_51 = %scan3A_33 to %scan3A_35 step %scan3A_36  : i32 {
      %mul3A_52 = arith.constant 1 : i32
      %mul3A_53 = arith.muli %scan3A_51, %mul3A_52 : i32
      %add3A_54 = arith.constant 0 : i32
      %add3A_55 = arith.addi %add3A_54, %mul3A_53 : i32
      %swap3A = arith.index_cast %add3A_55 : i32 to index
      %swap3A_56 = arith.constant 0 : index
      %swap3A_57 = tpu.vector_load %arg7[%swap3A, %swap3A_56] {strides = array<i32>} : memref<128x128xf32, #tpu.memory_space<vmem>>, vector<1x16xf32>,
      %swap3A_58 = vector.shape_cast %swap3A_57 : vector<1x16xf32> to vector<16xf32>
      %swap3A_59 = vector.shape_cast %select_n3A_30 : vector<16xf32> to vector<1x16xf32>
      tpu.vector_store %arg7[%swap3A, %swap3A_56], %swap3A_59 {strides = array<i32>} : memref<128x128xf32, #tpu.memory_space<vmem>>, vector<1x16xf32>,
      %swap3A_60 = arith.index_cast %add3A_55 : i32 to index
      %swap3A_61 = arith.constant 16 : index
      %swap3A_62 = tpu.vector_load %arg7[%swap3A_60, %swap3A_61] {strides = array<i32>} : memref<128x128xf32, #tpu.memory_space<vmem>>, vector<1x16xf32>,
      %swap3A_63 = vector.shape_cast %swap3A_62 : vector<1x16xf32> to vector<16xf32>
      %swap3A_64 = vector.shape_cast %broadcast_in_dim3A_32 : vector<16xf32> to vector<1x16xf32>
      tpu.vector_store %arg7[%swap3A_60, %swap3A_61], %swap3A_64 {strides = array<i32>} : memref<128x128xf32, #tpu.memory_space<vmem>>, vector<1x16xf32>,
      %swap3A_65 = arith.index_cast %add3A_55 : i32 to index
      %swap3A_66 = arith.constant 32 : index
      %swap3A_67 = tpu.vector_load %arg7[%swap3A_65, %swap3A_66] {strides = array<i32>} : memref<128x128xf32, #tpu.memory_space<vmem>>, vector<1x16xf32>,
      %swap3A_68 = vector.shape_cast %swap3A_67 : vector<1x16xf32> to vector<16xf32>
      %swap3A_69 = vector.shape_cast %broadcast_in_dim3A_32 : vector<16xf32> to vector<1x16xf32>
      tpu.vector_store %arg7[%swap3A_65, %swap3A_66], %swap3A_69 {strides = array<i32>} : memref<128x128xf32, #tpu.memory_space<vmem>>, vector<1x16xf32>,
      %swap3A_70 = arith.index_cast %add3A_55 : i32 to index
      %swap3A_71 = arith.constant 48 : index
      %swap3A_72 = tpu.vector_load %arg7[%swap3A_70, %swap3A_71] {strides = array<i32>} : memref<128x128xf32, #tpu.memory_space<vmem>>, vector<1x16xf32>,
      %swap3A_73 = vector.shape_cast %swap3A_72 : vector<1x16xf32> to vector<16xf32>
      %swap3A_74 = vector.shape_cast %broadcast_in_dim3A_32 : vector<16xf32> to vector<1x16xf32>
      tpu.vector_store %arg7[%swap3A_70, %swap3A_71], %swap3A_74 {strides = array<i32>} : memref<128x128xf32, #tpu.memory_space<vmem>>, vector<1x16xf32>,
      %swap3A_75 = arith.index_cast %add3A_55 : i32 to index
      %swap3A_76 = arith.constant 64 : index
      %swap3A_77 = tpu.vector_load %arg7[%swap3A_75, %swap3A_76] {strides = array<i32>} : memref<128x128xf32, #tpu.memory_space<vmem>>, vector<1x16xf32>,
      %swap3A_78 = vector.shape_cast %swap3A_77 : vector<1x16xf32> to vector<16xf32>
      %swap3A_79 = vector.shape_cast %broadcast_in_dim3A_32 : vector<16xf32> to vector<1x16xf32>
      tpu.vector_store %arg7[%swap3A_75, %swap3A_76], %swap3A_79 {strides = array<i32>} : memref<128x128xf32, #tpu.memory_space<vmem>>, vector<1x16xf32>,
      %swap3A_80 = arith.index_cast %add3A_55 : i32 to index
      %swap3A_81 = arith.constant 80 : index
      %swap3A_82 = tpu.vector_load %arg7[%swap3A_80, %swap3A_81] {strides = array<i32>} : memref<128x128xf32, #tpu.memory_space<vmem>>, vector<1x16xf32>,
      %swap3A_83 = vector.shape_cast %swap3A_82 : vector<1x16xf32> to vector<16xf32>
      %swap3A_84 = vector.shape_cast %broadcast_in_dim3A_32 : vector<16xf32> to vector<1x16xf32>
      tpu.vector_store %arg7[%swap3A_80, %swap3A_81], %swap3A_84 {strides = array<i32>} : memref<128x128xf32, #tpu.memory_space<vmem>>, vector<1x16xf32>,
      %swap3A_85 = arith.index_cast %add3A_55 : i32 to index
      %swap3A_86 = arith.constant 96 : index
      %swap3A_87 = tpu.vector_load %arg7[%swap3A_85, %swap3A_86] {strides = array<i32>} : memref<128x128xf32, #tpu.memory_space<vmem>>, vector<1x16xf32>,
      %swap3A_88 = vector.shape_cast %swap3A_87 : vector<1x16xf32> to vector<16xf32>
      %swap3A_89 = vector.shape_cast %broadcast_in_dim3A_32 : vector<16xf32> to vector<1x16xf32>
      tpu.vector_store %arg7[%swap3A_85, %swap3A_86], %swap3A_89 {strides = array<i32>} : memref<128x128xf32, #tpu.memory_space<vmem>>, vector<1x16xf32>,
      %swap3A_90 = arith.index_cast %add3A_55 : i32 to index
      %swap3A_91 = arith.constant 112 : index
      %swap3A_92 = tpu.vector_load %arg7[%swap3A_90, %swap3A_91] {strides = array<i32>} : memref<128x128xf32, #tpu.memory_space<vmem>>, vector<1x16xf32>,
      %swap3A_93 = vector.shape_cast %swap3A_92 : vector<1x16xf32> to vector<16xf32>
      %swap3A_94 = vector.shape_cast %broadcast_in_dim3A_32 : vector<16xf32> to vector<1x16xf32>
      tpu.vector_store %arg7[%swap3A_90, %swap3A_91], %swap3A_94 {strides = array<i32>} : memref<128x128xf32, #tpu.memory_space<vmem>>, vector<1x16xf32>,
    }
    %scan3A_37 = arith.constant 128 : i32
    %barrier3A = arith.constant 0 : index
    tpu.barrier barrier_id(%barrier3A)
    "tpu.region"() ({
      %run_scoped3A = tpu.sem_alloc : memref<!tpu.dma_semaphore, #tpu.memory_space<semaphore_mem>>
      %dma_start3A = arith.constant 0 : i32
      %dma_start3A_51 = arith.constant 0 : i32
      %dma_start3A_52 = tpu.memref_slice %arg2[%add3A, %dma_start3A, %dma_start3A_51] : memref<32x80x128xi32, #tpu.memory_space<hbm>> -> memref<1x40x128xi32, #tpu.memory_space<hbm>>
      %dma_start3A_53 = tpu.memref_squeeze %dma_start3A_52 : memref<1x40x128xi32, #tpu.memory_space<hbm>> -> memref<40x128xi32, #tpu.memory_space<hbm>>
      %dma_start3A_54 = arith.constant 0 : i32
      %dma_start3A_55 = arith.constant 0 : i32
      %dma_start3A_56 = tpu.memref_slice %arg2[%add3A, %dma_start3A_54, %dma_start3A_55] : memref<32x80x128xi32, #tpu.memory_space<hbm>> -> memref<1x40x128xi32, #tpu.memory_space<hbm>>
      %dma_start3A_57 = tpu.memref_squeeze %dma_start3A_56 : memref<1x40x128xi32, #tpu.memory_space<hbm>> -> memref<40x128xi32, #tpu.memory_space<hbm>>
      tpu.enqueue_dma source(%dma_start3A_57 : memref<40x128xi32, #tpu.memory_space<hbm>>) target(%arg8 : memref<40x128xi32, #tpu.memory_space<vmem>>) target_semaphore(%run_scoped3A : memref<!tpu.dma_semaphore, #tpu.memory_space<semaphore_mem>>)
      %dma_wait3A = arith.constant 0 : i32
      %dma_wait3A_58 = arith.constant 0 : i32
      %dma_wait3A_59 = tpu.memref_slice %arg2[%add3A, %dma_wait3A, %dma_wait3A_58] : memref<32x80x128xi32, #tpu.memory_space<hbm>> -> memref<1x40x128xi32, #tpu.memory_space<hbm>>
      %dma_wait3A_60 = tpu.memref_squeeze %dma_wait3A_59 : memref<1x40x128xi32, #tpu.memory_space<hbm>> -> memref<40x128xi32, #tpu.memory_space<hbm>>
      %dma_wait3A_61 = arith.constant 0 : i32
      %dma_wait3A_62 = arith.constant 0 : i32
      %dma_wait3A_63 = tpu.memref_slice %arg2[%add3A, %dma_wait3A_61, %dma_wait3A_62] : memref<32x80x128xi32, #tpu.memory_space<hbm>> -> memref<1x40x128xi32, #tpu.memory_space<hbm>>
      %dma_wait3A_64 = tpu.memref_squeeze %dma_wait3A_63 : memref<1x40x128xi32, #tpu.memory_space<hbm>> -> memref<40x128xi32, #tpu.memory_space<hbm>>
      tpu.wait_dma2 semaphore(%run_scoped3A : memref<!tpu.dma_semaphore, #tpu.memory_space<semaphore_mem>>) src(%dma_wait3A_64 : memref<40x128xi32, #tpu.memory_space<hbm>>) dst(%arg8 : memref<40x128xi32, #tpu.memory_space<vmem>>)
      tpu.yield
    }) : () -> ()
    "tpu.region"() ({
      %run_scoped3A = tpu.sem_alloc : memref<!tpu.dma_semaphore, #tpu.memory_space<semaphore_mem>>
      %dma_start3A = arith.constant 0 : i32
      %dma_start3A_51 = arith.constant 0 : i32
      %dma_start3A_52 = tpu.memref_slice %arg3[%add3A, %dma_start3A, %dma_start3A_51] : memref<32x80x128xi32, #tpu.memory_space<hbm>> -> memref<1x40x128xi32, #tpu.memory_space<hbm>>
      %dma_start3A_53 = tpu.memref_squeeze %dma_start3A_52 : memref<1x40x128xi32, #tpu.memory_space<hbm>> -> memref<40x128xi32, #tpu.memory_space<hbm>>
      %dma_start3A_54 = arith.constant 0 : i32
      %dma_start3A_55 = arith.constant 0 : i32
      %dma_start3A_56 = tpu.memref_slice %arg3[%add3A, %dma_start3A_54, %dma_start3A_55] : memref<32x80x128xi32, #tpu.memory_space<hbm>> -> memref<1x40x128xi32, #tpu.memory_space<hbm>>
      %dma_start3A_57 = tpu.memref_squeeze %dma_start3A_56 : memref<1x40x128xi32, #tpu.memory_space<hbm>> -> memref<40x128xi32, #tpu.memory_space<hbm>>
      tpu.enqueue_dma source(%dma_start3A_57 : memref<40x128xi32, #tpu.memory_space<hbm>>) target(%arg9 : memref<40x128xi32, #tpu.memory_space<vmem>>) target_semaphore(%run_scoped3A : memref<!tpu.dma_semaphore, #tpu.memory_space<semaphore_mem>>)
      %dma_wait3A = arith.constant 0 : i32
      %dma_wait3A_58 = arith.constant 0 : i32
      %dma_wait3A_59 = tpu.memref_slice %arg3[%add3A, %dma_wait3A, %dma_wait3A_58] : memref<32x80x128xi32, #tpu.memory_space<hbm>> -> memref<1x40x128xi32, #tpu.memory_space<hbm>>
      %dma_wait3A_60 = tpu.memref_squeeze %dma_wait3A_59 : memref<1x40x128xi32, #tpu.memory_space<hbm>> -> memref<40x128xi32, #tpu.memory_space<hbm>>
      %dma_wait3A_61 = arith.constant 0 : i32
      %dma_wait3A_62 = arith.constant 0 : i32
      %dma_wait3A_63 = tpu.memref_slice %arg3[%add3A, %dma_wait3A_61, %dma_wait3A_62] : memref<32x80x128xi32, #tpu.memory_space<hbm>> -> memref<1x40x128xi32, #tpu.memory_space<hbm>>
      %dma_wait3A_64 = tpu.memref_squeeze %dma_wait3A_63 : memref<1x40x128xi32, #tpu.memory_space<hbm>> -> memref<40x128xi32, #tpu.memory_space<hbm>>
      tpu.wait_dma2 semaphore(%run_scoped3A : memref<!tpu.dma_semaphore, #tpu.memory_space<semaphore_mem>>) src(%dma_wait3A_64 : memref<40x128xi32, #tpu.memory_space<hbm>>) dst(%arg9 : memref<40x128xi32, #tpu.memory_space<vmem>>)
      tpu.yield
    }) : () -> ()
    %scan3A_38 = arith.constant 0 : i32
    %scan3A_39 = arith.constant 10 : i32
    %scan3A_40 = arith.addi %scan3A_38, %scan3A_39 : i32
    %scan3A_41 = arith.constant 1 : i32
    scf.for %scan3A_51 = %scan3A_38 to %scan3A_40 step %scan3A_41  : i32 {
      %mul3A_52 = arith.constant 1 : i32
      %mul3A_53 = arith.muli %scan3A_51, %mul3A_52 : i32
      %add3A_54 = arith.constant 0 : i32
      %add3A_55 = arith.addi %add3A_54, %mul3A_53 : i32
      %mul3A_56 = arith.constant 4 : i32
      %mul3A_57 = arith.muli %add3A_55, %mul3A_56 : i32
      %add3A_58 = arith.constant 0 : i32
      %add3A_59 = arith.addi %mul3A_57, %add3A_58 : i32
      %dma_start3A = arith.constant 0 : i32
      %dma_start3A_60 = tpu.memref_slice %arg8[%add3A_59, %dma_start3A] : memref<40x128xi32, #tpu.memory_space<vmem>> -> memref<1x128xi32, #tpu.memory_space<vmem>>
      %dma_start3A_61 = tpu.memref_squeeze %dma_start3A_60 : memref<1x128xi32, #tpu.memory_space<vmem>> -> memref<128xi32, #tpu.memory_space<vmem>>
      %dma_start3A_62 = arith.constant 0 : i32
      %dma_start3A_63 = arith.constant 0 : i32
      %dma_start3A_64 = tpu.memref_slice %arg5[%dma_start3A_62, %dma_start3A_63] : memref<10240x128xf32, #tpu.memory_space<vmem_shared>> -> memref<10240x128xf32, #tpu.memory_space<vmem_shared>>
      tpu.enqueue_indirect_dma source(%arg6 : memref<128x128xf32, #tpu.memory_space<vmem>>) target(%dma_start3A_64 : memref<10240x128xf32, #tpu.memory_space<vmem_shared>>) offsets(%dma_start3A_61 : memref<128xi32, #tpu.memory_space<vmem>>) semaphore(%arg10 : memref<!tpu.dma_semaphore, #tpu.memory_space<semaphore_mem>>) {add = true}
      %dma_start3A_65 = arith.constant 0 : i32
      %dma_start3A_66 = tpu.memref_slice %arg9[%add3A_59, %dma_start3A_65] : memref<40x128xi32, #tpu.memory_space<vmem>> -> memref<1x128xi32, #tpu.memory_space<vmem>>
      %dma_start3A_67 = tpu.memref_squeeze %dma_start3A_66 : memref<1x128xi32, #tpu.memory_space<vmem>> -> memref<128xi32, #tpu.memory_space<vmem>>
      %dma_start3A_68 = arith.constant 0 : i32
      %dma_start3A_69 = arith.constant 0 : i32
      %dma_start3A_70 = tpu.memref_slice %arg5[%dma_start3A_68, %dma_start3A_69] : memref<10240x128xf32, #tpu.memory_space<vmem_shared>> -> memref<10240x128xf32, #tpu.memory_space<vmem_shared>>
      tpu.enqueue_indirect_dma source(%arg7 : memref<128x128xf32, #tpu.memory_space<vmem>>) target(%dma_start3A_70 : memref<10240x128xf32, #tpu.memory_space<vmem_shared>>) offsets(%dma_start3A_67 : memref<128xi32, #tpu.memory_space<vmem>>) semaphore(%arg10 : memref<!tpu.dma_semaphore, #tpu.memory_space<semaphore_mem>>) {add = true}
      %mul3A_71 = arith.constant 4 : i32
      %mul3A_72 = arith.muli %add3A_55, %mul3A_71 : i32
      %add3A_73 = arith.constant 1 : i32
      %add3A_74 = arith.addi %mul3A_72, %add3A_73 : i32
      %dma_start3A_75 = arith.constant 0 : i32
      %dma_start3A_76 = tpu.memref_slice %arg8[%add3A_74, %dma_start3A_75] : memref<40x128xi32, #tpu.memory_space<vmem>> -> memref<1x128xi32, #tpu.memory_space<vmem>>
      %dma_start3A_77 = tpu.memref_squeeze %dma_start3A_76 : memref<1x128xi32, #tpu.memory_space<vmem>> -> memref<128xi32, #tpu.memory_space<vmem>>
      %dma_start3A_78 = arith.constant 0 : i32
      %dma_start3A_79 = arith.constant 0 : i32
      %dma_start3A_80 = tpu.memref_slice %arg5[%dma_start3A_78, %dma_start3A_79] : memref<10240x128xf32, #tpu.memory_space<vmem_shared>> -> memref<10240x128xf32, #tpu.memory_space<vmem_shared>>
      tpu.enqueue_indirect_dma source(%arg6 : memref<128x128xf32, #tpu.memory_space<vmem>>) target(%dma_start3A_80 : memref<10240x128xf32, #tpu.memory_space<vmem_shared>>) offsets(%dma_start3A_77 : memref<128xi32, #tpu.memory_space<vmem>>) semaphore(%arg10 : memref<!tpu.dma_semaphore, #tpu.memory_space<semaphore_mem>>) {add = true}
      %dma_start3A_81 = arith.constant 0 : i32
      %dma_start3A_82 = tpu.memref_slice %arg9[%add3A_74, %dma_start3A_81] : memref<40x128xi32, #tpu.memory_space<vmem>> -> memref<1x128xi32, #tpu.memory_space<vmem>>
      %dma_start3A_83 = tpu.memref_squeeze %dma_start3A_82 : memref<1x128xi32, #tpu.memory_space<vmem>> -> memref<128xi32, #tpu.memory_space<vmem>>
      %dma_start3A_84 = arith.constant 0 : i32
      %dma_start3A_85 = arith.constant 0 : i32
      %dma_start3A_86 = tpu.memref_slice %arg5[%dma_start3A_84, %dma_start3A_85] : memref<10240x128xf32, #tpu.memory_space<vmem_shared>> -> memref<10240x128xf32, #tpu.memory_space<vmem_shared>>
      tpu.enqueue_indirect_dma source(%arg7 : memref<128x128xf32, #tpu.memory_space<vmem>>) target(%dma_start3A_86 : memref<10240x128xf32, #tpu.memory_space<vmem_shared>>) offsets(%dma_start3A_83 : memref<128xi32, #tpu.memory_space<vmem>>) semaphore(%arg10 : memref<!tpu.dma_semaphore, #tpu.memory_space<semaphore_mem>>) {add = true}
      %mul3A_87 = arith.constant 4 : i32
      %mul3A_88 = arith.muli %add3A_55, %mul3A_87 : i32
      %add3A_89 = arith.constant 2 : i32
      %add3A_90 = arith.addi %mul3A_88, %add3A_89 : i32
      %dma_start3A_91 = arith.constant 0 : i32
      %dma_start3A_92 = tpu.memref_slice %arg8[%add3A_90, %dma_start3A_91] : memref<40x128xi32, #tpu.memory_space<vmem>> -> memref<1x128xi32, #tpu.memory_space<vmem>>
      %dma_start3A_93 = tpu.memref_squeeze %dma_start3A_92 : memref<1x128xi32, #tpu.memory_space<vmem>> -> memref<128xi32, #tpu.memory_space<vmem>>
      %dma_start3A_94 = arith.constant 0 : i32
      %dma_start3A_95 = arith.constant 0 : i32
      %dma_start3A_96 = tpu.memref_slice %arg5[%dma_start3A_94, %dma_start3A_95] : memref<10240x128xf32, #tpu.memory_space<vmem_shared>> -> memref<10240x128xf32, #tpu.memory_space<vmem_shared>>
      tpu.enqueue_indirect_dma source(%arg6 : memref<128x128xf32, #tpu.memory_space<vmem>>) target(%dma_start3A_96 : memref<10240x128xf32, #tpu.memory_space<vmem_shared>>) offsets(%dma_start3A_93 : memref<128xi32, #tpu.memory_space<vmem>>) semaphore(%arg10 : memref<!tpu.dma_semaphore, #tpu.memory_space<semaphore_mem>>) {add = true}
      %dma_start3A_97 = arith.constant 0 : i32
      %dma_start3A_98 = tpu.memref_slice %arg9[%add3A_90, %dma_start3A_97] : memref<40x128xi32, #tpu.memory_space<vmem>> -> memref<1x128xi32, #tpu.memory_space<vmem>>
      %dma_start3A_99 = tpu.memref_squeeze %dma_start3A_98 : memref<1x128xi32, #tpu.memory_space<vmem>> -> memref<128xi32, #tpu.memory_space<vmem>>
      %dma_start3A_100 = arith.constant 0 : i32
      %dma_start3A_101 = arith.constant 0 : i32
      %dma_start3A_102 = tpu.memref_slice %arg5[%dma_start3A_100, %dma_start3A_101] : memref<10240x128xf32, #tpu.memory_space<vmem_shared>> -> memref<10240x128xf32, #tpu.memory_space<vmem_shared>>
      tpu.enqueue_indirect_dma source(%arg7 : memref<128x128xf32, #tpu.memory_space<vmem>>) target(%dma_start3A_102 : memref<10240x128xf32, #tpu.memory_space<vmem_shared>>) offsets(%dma_start3A_99 : memref<128xi32, #tpu.memory_space<vmem>>) semaphore(%arg10 : memref<!tpu.dma_semaphore, #tpu.memory_space<semaphore_mem>>) {add = true}
      %mul3A_103 = arith.constant 4 : i32
      %mul3A_104 = arith.muli %add3A_55, %mul3A_103 : i32
      %add3A_105 = arith.constant 3 : i32
      %add3A_106 = arith.addi %mul3A_104, %add3A_105 : i32
      %dma_start3A_107 = arith.constant 0 : i32
      %dma_start3A_108 = tpu.memref_slice %arg8[%add3A_106, %dma_start3A_107] : memref<40x128xi32, #tpu.memory_space<vmem>> -> memref<1x128xi32, #tpu.memory_space<vmem>>
      %dma_start3A_109 = tpu.memref_squeeze %dma_start3A_108 : memref<1x128xi32, #tpu.memory_space<vmem>> -> memref<128xi32, #tpu.memory_space<vmem>>
      %dma_start3A_110 = arith.constant 0 : i32
      %dma_start3A_111 = arith.constant 0 : i32
      %dma_start3A_112 = tpu.memref_slice %arg5[%dma_start3A_110, %dma_start3A_111] : memref<10240x128xf32, #tpu.memory_space<vmem_shared>> -> memref<10240x128xf32, #tpu.memory_space<vmem_shared>>
      tpu.enqueue_indirect_dma source(%arg6 : memref<128x128xf32, #tpu.memory_space<vmem>>) target(%dma_start3A_112 : memref<10240x128xf32, #tpu.memory_space<vmem_shared>>) offsets(%dma_start3A_109 : memref<128xi32, #tpu.memory_space<vmem>>) semaphore(%arg10 : memref<!tpu.dma_semaphore, #tpu.memory_space<semaphore_mem>>) {add = true}
      %dma_start3A_113 = arith.constant 0 : i32
      %dma_start3A_114 = tpu.memref_slice %arg9[%add3A_106, %dma_start3A_113] : memref<40x128xi32, #tpu.memory_space<vmem>> -> memref<1x128xi32, #tpu.memory_space<vmem>>
      %dma_start3A_115 = tpu.memref_squeeze %dma_start3A_114 : memref<1x128xi32, #tpu.memory_space<vmem>> -> memref<128xi32, #tpu.memory_space<vmem>>
      %dma_start3A_116 = arith.constant 0 : i32
      %dma_start3A_117 = arith.constant 0 : i32
      %dma_start3A_118 = tpu.memref_slice %arg5[%dma_start3A_116, %dma_start3A_117] : memref<10240x128xf32, #tpu.memory_space<vmem_shared>> -> memref<10240x128xf32, #tpu.memory_space<vmem_shared>>
      tpu.enqueue_indirect_dma source(%arg7 : memref<128x128xf32, #tpu.memory_space<vmem>>) target(%dma_start3A_118 : memref<10240x128xf32, #tpu.memory_space<vmem_shared>>) offsets(%dma_start3A_115 : memref<128xi32, #tpu.memory_space<vmem>>) semaphore(%arg10 : memref<!tpu.dma_semaphore, #tpu.memory_space<semaphore_mem>>) {add = true}
      %dma_wait3A = arith.constant 0 : i32
      %dma_wait3A_119 = tpu.memref_slice %arg8[%add3A_59, %dma_wait3A] : memref<40x128xi32, #tpu.memory_space<vmem>> -> memref<1x128xi32, #tpu.memory_space<vmem>>
      %dma_wait3A_120 = tpu.memref_squeeze %dma_wait3A_119 : memref<1x128xi32, #tpu.memory_space<vmem>> -> memref<128xi32, #tpu.memory_space<vmem>>
      %dma_wait3A_121 = arith.constant 0 : i32
      %dma_wait3A_122 = arith.constant 0 : i32
      %dma_wait3A_123 = tpu.memref_slice %arg5[%dma_wait3A_121, %dma_wait3A_122] : memref<10240x128xf32, #tpu.memory_space<vmem_shared>> -> memref<10240x128xf32, #tpu.memory_space<vmem_shared>>
      tpu.wait_indirect_dma semaphore(%arg10 : memref<!tpu.dma_semaphore, #tpu.memory_space<semaphore_mem>>) src(%arg6 : memref<128x128xf32, #tpu.memory_space<vmem>>) dst(%dma_wait3A_123 : memref<10240x128xf32, #tpu.memory_space<vmem_shared>>)
      %dma_wait3A_124 = arith.constant 0 : i32
      %dma_wait3A_125 = tpu.memref_slice %arg9[%add3A_59, %dma_wait3A_124] : memref<40x128xi32, #tpu.memory_space<vmem>> -> memref<1x128xi32, #tpu.memory_space<vmem>>
      %dma_wait3A_126 = tpu.memref_squeeze %dma_wait3A_125 : memref<1x128xi32, #tpu.memory_space<vmem>> -> memref<128xi32, #tpu.memory_space<vmem>>
      %dma_wait3A_127 = arith.constant 0 : i32
      %dma_wait3A_128 = arith.constant 0 : i32
      %dma_wait3A_129 = tpu.memref_slice %arg5[%dma_wait3A_127, %dma_wait3A_128] : memref<10240x128xf32, #tpu.memory_space<vmem_shared>> -> memref<10240x128xf32, #tpu.memory_space<vmem_shared>>
      tpu.wait_indirect_dma semaphore(%arg10 : memref<!tpu.dma_semaphore, #tpu.memory_space<semaphore_mem>>) src(%arg7 : memref<128x128xf32, #tpu.memory_space<vmem>>) dst(%dma_wait3A_129 : memref<10240x128xf32, #tpu.memory_space<vmem_shared>>)
      %dma_wait3A_130 = arith.constant 0 : i32
      %dma_wait3A_131 = tpu.memref_slice %arg8[%add3A_74, %dma_wait3A_130] : memref<40x128xi32, #tpu.memory_space<vmem>> -> memref<1x128xi32, #tpu.memory_space<vmem>>
      %dma_wait3A_132 = tpu.memref_squeeze %dma_wait3A_131 : memref<1x128xi32, #tpu.memory_space<vmem>> -> memref<128xi32, #tpu.memory_space<vmem>>
      %dma_wait3A_133 = arith.constant 0 : i32
      %dma_wait3A_134 = arith.constant 0 : i32
      %dma_wait3A_135 = tpu.memref_slice %arg5[%dma_wait3A_133, %dma_wait3A_134] : memref<10240x128xf32, #tpu.memory_space<vmem_shared>> -> memref<10240x128xf32, #tpu.memory_space<vmem_shared>>
      tpu.wait_indirect_dma semaphore(%arg10 : memref<!tpu.dma_semaphore, #tpu.memory_space<semaphore_mem>>) src(%arg6 : memref<128x128xf32, #tpu.memory_space<vmem>>) dst(%dma_wait3A_135 : memref<10240x128xf32, #tpu.memory_space<vmem_shared>>)
      %dma_wait3A_136 = arith.constant 0 : i32
      %dma_wait3A_137 = tpu.memref_slice %arg9[%add3A_74, %dma_wait3A_136] : memref<40x128xi32, #tpu.memory_space<vmem>> -> memref<1x128xi32, #tpu.memory_space<vmem>>
      %dma_wait3A_138 = tpu.memref_squeeze %dma_wait3A_137 : memref<1x128xi32, #tpu.memory_space<vmem>> -> memref<128xi32, #tpu.memory_space<vmem>>
      %dma_wait3A_139 = arith.constant 0 : i32
      %dma_wait3A_140 = arith.constant 0 : i32
      %dma_wait3A_141 = tpu.memref_slice %arg5[%dma_wait3A_139, %dma_wait3A_140] : memref<10240x128xf32, #tpu.memory_space<vmem_shared>> -> memref<10240x128xf32, #tpu.memory_space<vmem_shared>>
      tpu.wait_indirect_dma semaphore(%arg10 : memref<!tpu.dma_semaphore, #tpu.memory_space<semaphore_mem>>) src(%arg7 : memref<128x128xf32, #tpu.memory_space<vmem>>) dst(%dma_wait3A_141 : memref<10240x128xf32, #tpu.memory_space<vmem_shared>>)
      %dma_wait3A_142 = arith.constant 0 : i32
      %dma_wait3A_143 = tpu.memref_slice %arg8[%add3A_90, %dma_wait3A_142] : memref<40x128xi32, #tpu.memory_space<vmem>> -> memref<1x128xi32, #tpu.memory_space<vmem>>
      %dma_wait3A_144 = tpu.memref_squeeze %dma_wait3A_143 : memref<1x128xi32, #tpu.memory_space<vmem>> -> memref<128xi32, #tpu.memory_space<vmem>>
      %dma_wait3A_145 = arith.constant 0 : i32
      %dma_wait3A_146 = arith.constant 0 : i32
      %dma_wait3A_147 = tpu.memref_slice %arg5[%dma_wait3A_145, %dma_wait3A_146] : memref<10240x128xf32, #tpu.memory_space<vmem_shared>> -> memref<10240x128xf32, #tpu.memory_space<vmem_shared>>
      tpu.wait_indirect_dma semaphore(%arg10 : memref<!tpu.dma_semaphore, #tpu.memory_space<semaphore_mem>>) src(%arg6 : memref<128x128xf32, #tpu.memory_space<vmem>>) dst(%dma_wait3A_147 : memref<10240x128xf32, #tpu.memory_space<vmem_shared>>)
      %dma_wait3A_148 = arith.constant 0 : i32
      %dma_wait3A_149 = tpu.memref_slice %arg9[%add3A_90, %dma_wait3A_148] : memref<40x128xi32, #tpu.memory_space<vmem>> -> memref<1x128xi32, #tpu.memory_space<vmem>>
      %dma_wait3A_150 = tpu.memref_squeeze %dma_wait3A_149 : memref<1x128xi32, #tpu.memory_space<vmem>> -> memref<128xi32, #tpu.memory_space<vmem>>
      %dma_wait3A_151 = arith.constant 0 : i32
      %dma_wait3A_152 = arith.constant 0 : i32
      %dma_wait3A_153 = tpu.memref_slice %arg5[%dma_wait3A_151, %dma_wait3A_152] : memref<10240x128xf32, #tpu.memory_space<vmem_shared>> -> memref<10240x128xf32, #tpu.memory_space<vmem_shared>>
      tpu.wait_indirect_dma semaphore(%arg10 : memref<!tpu.dma_semaphore, #tpu.memory_space<semaphore_mem>>) src(%arg7 : memref<128x128xf32, #tpu.memory_space<vmem>>) dst(%dma_wait3A_153 : memref<10240x128xf32, #tpu.memory_space<vmem_shared>>)
      %dma_wait3A_154 = arith.constant 0 : i32
      %dma_wait3A_155 = tpu.memref_slice %arg8[%add3A_106, %dma_wait3A_154] : memref<40x128xi32, #tpu.memory_space<vmem>> -> memref<1x128xi32, #tpu.memory_space<vmem>>
      %dma_wait3A_156 = tpu.memref_squeeze %dma_wait3A_155 : memref<1x128xi32, #tpu.memory_space<vmem>> -> memref<128xi32, #tpu.memory_space<vmem>>
      %dma_wait3A_157 = arith.constant 0 : i32
      %dma_wait3A_158 = arith.constant 0 : i32
      %dma_wait3A_159 = tpu.memref_slice %arg5[%dma_wait3A_157, %dma_wait3A_158] : memref<10240x128xf32, #tpu.memory_space<vmem_shared>> -> memref<10240x128xf32, #tpu.memory_space<vmem_shared>>
      tpu.wait_indirect_dma semaphore(%arg10 : memref<!tpu.dma_semaphore, #tpu.memory_space<semaphore_mem>>) src(%arg6 : memref<128x128xf32, #tpu.memory_space<vmem>>) dst(%dma_wait3A_159 : memref<10240x128xf32, #tpu.memory_space<vmem_shared>>)
      %dma_wait3A_160 = arith.constant 0 : i32
      %dma_wait3A_161 = tpu.memref_slice %arg9[%add3A_106, %dma_wait3A_160] : memref<40x128xi32, #tpu.memory_space<vmem>> -> memref<1x128xi32, #tpu.memory_space<vmem>>
      %dma_wait3A_162 = tpu.memref_squeeze %dma_wait3A_161 : memref<1x128xi32, #tpu.memory_space<vmem>> -> memref<128xi32, #tpu.memory_space<vmem>>
      %dma_wait3A_163 = arith.constant 0 : i32
      %dma_wait3A_164 = arith.constant 0 : i32
      %dma_wait3A_165 = tpu.memref_slice %arg5[%dma_wait3A_163, %dma_wait3A_164] : memref<10240x128xf32, #tpu.memory_space<vmem_shared>> -> memref<10240x128xf32, #tpu.memory_space<vmem_shared>>
      tpu.wait_indirect_dma semaphore(%arg10 : memref<!tpu.dma_semaphore, #tpu.memory_space<semaphore_mem>>) src(%arg7 : memref<128x128xf32, #tpu.memory_space<vmem>>) dst(%dma_wait3A_165 : memref<10240x128xf32, #tpu.memory_space<vmem_shared>>)
    }
    %scan3A_42 = arith.constant 10 : i32
    "tpu.region"() ({
      %run_scoped3A = tpu.sem_alloc : memref<!tpu.dma_semaphore, #tpu.memory_space<semaphore_mem>>
      %dma_start3A = arith.constant 40 : i32
      %dma_start3A_51 = arith.constant 0 : i32
      %dma_start3A_52 = tpu.memref_slice %arg2[%add3A, %dma_start3A, %dma_start3A_51] : memref<32x80x128xi32, #tpu.memory_space<hbm>> -> memref<1x40x128xi32, #tpu.memory_space<hbm>>
      %dma_start3A_53 = tpu.memref_squeeze %dma_start3A_52 : memref<1x40x128xi32, #tpu.memory_space<hbm>> -> memref<40x128xi32, #tpu.memory_space<hbm>>
      %dma_start3A_54 = arith.constant 40 : i32
      %dma_start3A_55 = arith.constant 0 : i32
      %dma_start3A_56 = tpu.memref_slice %arg2[%add3A, %dma_start3A_54, %dma_start3A_55] : memref<32x80x128xi32, #tpu.memory_space<hbm>> -> memref<1x40x128xi32, #tpu.memory_space<hbm>>
      %dma_start3A_57 = tpu.memref_squeeze %dma_start3A_56 : memref<1x40x128xi32, #tpu.memory_space<hbm>> -> memref<40x128xi32, #tpu.memory_space<hbm>>
      tpu.enqueue_dma source(%dma_start3A_57 : memref<40x128xi32, #tpu.memory_space<hbm>>) target(%arg8 : memref<40x128xi32, #tpu.memory_space<vmem>>) target_semaphore(%run_scoped3A : memref<!tpu.dma_semaphore, #tpu.memory_space<semaphore_mem>>)
      %dma_wait3A = arith.constant 40 : i32
      %dma_wait3A_58 = arith.constant 0 : i32
      %dma_wait3A_59 = tpu.memref_slice %arg2[%add3A, %dma_wait3A, %dma_wait3A_58] : memref<32x80x128xi32, #tpu.memory_space<hbm>> -> memref<1x40x128xi32, #tpu.memory_space<hbm>>
      %dma_wait3A_60 = tpu.memref_squeeze %dma_wait3A_59 : memref<1x40x128xi32, #tpu.memory_space<hbm>> -> memref<40x128xi32, #tpu.memory_space<hbm>>
      %dma_wait3A_61 = arith.constant 40 : i32
      %dma_wait3A_62 = arith.constant 0 : i32
      %dma_wait3A_63 = tpu.memref_slice %arg2[%add3A, %dma_wait3A_61, %dma_wait3A_62] : memref<32x80x128xi32, #tpu.memory_space<hbm>> -> memref<1x40x128xi32, #tpu.memory_space<hbm>>
      %dma_wait3A_64 = tpu.memref_squeeze %dma_wait3A_63 : memref<1x40x128xi32, #tpu.memory_space<hbm>> -> memref<40x128xi32, #tpu.memory_space<hbm>>
      tpu.wait_dma2 semaphore(%run_scoped3A : memref<!tpu.dma_semaphore, #tpu.memory_space<semaphore_mem>>) src(%dma_wait3A_64 : memref<40x128xi32, #tpu.memory_space<hbm>>) dst(%arg8 : memref<40x128xi32, #tpu.memory_space<vmem>>)
      tpu.yield
    }) : () -> ()
    "tpu.region"() ({
      %run_scoped3A = tpu.sem_alloc : memref<!tpu.dma_semaphore, #tpu.memory_space<semaphore_mem>>
      %dma_start3A = arith.constant 40 : i32
      %dma_start3A_51 = arith.constant 0 : i32
      %dma_start3A_52 = tpu.memref_slice %arg3[%add3A, %dma_start3A, %dma_start3A_51] : memref<32x80x128xi32, #tpu.memory_space<hbm>> -> memref<1x40x128xi32, #tpu.memory_space<hbm>>
      %dma_start3A_53 = tpu.memref_squeeze %dma_start3A_52 : memref<1x40x128xi32, #tpu.memory_space<hbm>> -> memref<40x128xi32, #tpu.memory_space<hbm>>
      %dma_start3A_54 = arith.constant 40 : i32
      %dma_start3A_55 = arith.constant 0 : i32
      %dma_start3A_56 = tpu.memref_slice %arg3[%add3A, %dma_start3A_54, %dma_start3A_55] : memref<32x80x128xi32, #tpu.memory_space<hbm>> -> memref<1x40x128xi32, #tpu.memory_space<hbm>>
      %dma_start3A_57 = tpu.memref_squeeze %dma_start3A_56 : memref<1x40x128xi32, #tpu.memory_space<hbm>> -> memref<40x128xi32, #tpu.memory_space<hbm>>
      tpu.enqueue_dma source(%dma_start3A_57 : memref<40x128xi32, #tpu.memory_space<hbm>>) target(%arg9 : memref<40x128xi32, #tpu.memory_space<vmem>>) target_semaphore(%run_scoped3A : memref<!tpu.dma_semaphore, #tpu.memory_space<semaphore_mem>>)
      %dma_wait3A = arith.constant 40 : i32
      %dma_wait3A_58 = arith.constant 0 : i32
      %dma_wait3A_59 = tpu.memref_slice %arg3[%add3A, %dma_wait3A, %dma_wait3A_58] : memref<32x80x128xi32, #tpu.memory_space<hbm>> -> memref<1x40x128xi32, #tpu.memory_space<hbm>>
      %dma_wait3A_60 = tpu.memref_squeeze %dma_wait3A_59 : memref<1x40x128xi32, #tpu.memory_space<hbm>> -> memref<40x128xi32, #tpu.memory_space<hbm>>
      %dma_wait3A_61 = arith.constant 40 : i32
      %dma_wait3A_62 = arith.constant 0 : i32
      %dma_wait3A_63 = tpu.memref_slice %arg3[%add3A, %dma_wait3A_61, %dma_wait3A_62] : memref<32x80x128xi32, #tpu.memory_space<hbm>> -> memref<1x40x128xi32, #tpu.memory_space<hbm>>
      %dma_wait3A_64 = tpu.memref_squeeze %dma_wait3A_63 : memref<1x40x128xi32, #tpu.memory_space<hbm>> -> memref<40x128xi32, #tpu.memory_space<hbm>>
      tpu.wait_dma2 semaphore(%run_scoped3A : memref<!tpu.dma_semaphore, #tpu.memory_space<semaphore_mem>>) src(%dma_wait3A_64 : memref<40x128xi32, #tpu.memory_space<hbm>>) dst(%arg9 : memref<40x128xi32, #tpu.memory_space<vmem>>)
      tpu.yield
    }) : () -> ()
    %scan3A_43 = arith.constant 0 : i32
    %scan3A_44 = arith.constant 10 : i32
    %scan3A_45 = arith.addi %scan3A_43, %scan3A_44 : i32
    %scan3A_46 = arith.constant 1 : i32
    scf.for %scan3A_51 = %scan3A_43 to %scan3A_45 step %scan3A_46  : i32 {
      %mul3A_52 = arith.constant 1 : i32
      %mul3A_53 = arith.muli %scan3A_51, %mul3A_52 : i32
      %add3A_54 = arith.constant 0 : i32
      %add3A_55 = arith.addi %add3A_54, %mul3A_53 : i32
      %mul3A_56 = arith.constant 4 : i32
      %mul3A_57 = arith.muli %add3A_55, %mul3A_56 : i32
      %add3A_58 = arith.constant 0 : i32
      %add3A_59 = arith.addi %mul3A_57, %add3A_58 : i32
      %dma_start3A = arith.constant 0 : i32
      %dma_start3A_60 = tpu.memref_slice %arg8[%add3A_59, %dma_start3A] : memref<40x128xi32, #tpu.memory_space<vmem>> -> memref<1x128xi32, #tpu.memory_space<vmem>>
      %dma_start3A_61 = tpu.memref_squeeze %dma_start3A_60 : memref<1x128xi32, #tpu.memory_space<vmem>> -> memref<128xi32, #tpu.memory_space<vmem>>
      %dma_start3A_62 = arith.constant 0 : i32
      %dma_start3A_63 = arith.constant 0 : i32
      %dma_start3A_64 = tpu.memref_slice %arg5[%dma_start3A_62, %dma_start3A_63] : memref<10240x128xf32, #tpu.memory_space<vmem_shared>> -> memref<10240x128xf32, #tpu.memory_space<vmem_shared>>
      tpu.enqueue_indirect_dma source(%arg6 : memref<128x128xf32, #tpu.memory_space<vmem>>) target(%dma_start3A_64 : memref<10240x128xf32, #tpu.memory_space<vmem_shared>>) offsets(%dma_start3A_61 : memref<128xi32, #tpu.memory_space<vmem>>) semaphore(%arg10 : memref<!tpu.dma_semaphore, #tpu.memory_space<semaphore_mem>>) {add = true}
      %dma_start3A_65 = arith.constant 0 : i32
      %dma_start3A_66 = tpu.memref_slice %arg9[%add3A_59, %dma_start3A_65] : memref<40x128xi32, #tpu.memory_space<vmem>> -> memref<1x128xi32, #tpu.memory_space<vmem>>
      %dma_start3A_67 = tpu.memref_squeeze %dma_start3A_66 : memref<1x128xi32, #tpu.memory_space<vmem>> -> memref<128xi32, #tpu.memory_space<vmem>>
      %dma_start3A_68 = arith.constant 0 : i32
      %dma_start3A_69 = arith.constant 0 : i32
      %dma_start3A_70 = tpu.memref_slice %arg5[%dma_start3A_68, %dma_start3A_69] : memref<10240x128xf32, #tpu.memory_space<vmem_shared>> -> memref<10240x128xf32, #tpu.memory_space<vmem_shared>>
      tpu.enqueue_indirect_dma source(%arg7 : memref<128x128xf32, #tpu.memory_space<vmem>>) target(%dma_start3A_70 : memref<10240x128xf32, #tpu.memory_space<vmem_shared>>) offsets(%dma_start3A_67 : memref<128xi32, #tpu.memory_space<vmem>>) semaphore(%arg10 : memref<!tpu.dma_semaphore, #tpu.memory_space<semaphore_mem>>) {add = true}
      %mul3A_71 = arith.constant 4 : i32
      %mul3A_72 = arith.muli %add3A_55, %mul3A_71 : i32
      %add3A_73 = arith.constant 1 : i32
      %add3A_74 = arith.addi %mul3A_72, %add3A_73 : i32
      %dma_start3A_75 = arith.constant 0 : i32
      %dma_start3A_76 = tpu.memref_slice %arg8[%add3A_74, %dma_start3A_75] : memref<40x128xi32, #tpu.memory_space<vmem>> -> memref<1x128xi32, #tpu.memory_space<vmem>>
      %dma_start3A_77 = tpu.memref_squeeze %dma_start3A_76 : memref<1x128xi32, #tpu.memory_space<vmem>> -> memref<128xi32, #tpu.memory_space<vmem>>
      %dma_start3A_78 = arith.constant 0 : i32
      %dma_start3A_79 = arith.constant 0 : i32
      %dma_start3A_80 = tpu.memref_slice %arg5[%dma_start3A_78, %dma_start3A_79] : memref<10240x128xf32, #tpu.memory_space<vmem_shared>> -> memref<10240x128xf32, #tpu.memory_space<vmem_shared>>
      tpu.enqueue_indirect_dma source(%arg6 : memref<128x128xf32, #tpu.memory_space<vmem>>) target(%dma_start3A_80 : memref<10240x128xf32, #tpu.memory_space<vmem_shared>>) offsets(%dma_start3A_77 : memref<128xi32, #tpu.memory_space<vmem>>) semaphore(%arg10 : memref<!tpu.dma_semaphore, #tpu.memory_space<semaphore_mem>>) {add = true}
      %dma_start3A_81 = arith.constant 0 : i32
      %dma_start3A_82 = tpu.memref_slice %arg9[%add3A_74, %dma_start3A_81] : memref<40x128xi32, #tpu.memory_space<vmem>> -> memref<1x128xi32, #tpu.memory_space<vmem>>
      %dma_start3A_83 = tpu.memref_squeeze %dma_start3A_82 : memref<1x128xi32, #tpu.memory_space<vmem>> -> memref<128xi32, #tpu.memory_space<vmem>>
      %dma_start3A_84 = arith.constant 0 : i32
      %dma_start3A_85 = arith.constant 0 : i32
      %dma_start3A_86 = tpu.memref_slice %arg5[%dma_start3A_84, %dma_start3A_85] : memref<10240x128xf32, #tpu.memory_space<vmem_shared>> -> memref<10240x128xf32, #tpu.memory_space<vmem_shared>>
      tpu.enqueue_indirect_dma source(%arg7 : memref<128x128xf32, #tpu.memory_space<vmem>>) target(%dma_start3A_86 : memref<10240x128xf32, #tpu.memory_space<vmem_shared>>) offsets(%dma_start3A_83 : memref<128xi32, #tpu.memory_space<vmem>>) semaphore(%arg10 : memref<!tpu.dma_semaphore, #tpu.memory_space<semaphore_mem>>) {add = true}
      %mul3A_87 = arith.constant 4 : i32
      %mul3A_88 = arith.muli %add3A_55, %mul3A_87 : i32
      %add3A_89 = arith.constant 2 : i32
      %add3A_90 = arith.addi %mul3A_88, %add3A_89 : i32
      %dma_start3A_91 = arith.constant 0 : i32
      %dma_start3A_92 = tpu.memref_slice %arg8[%add3A_90, %dma_start3A_91] : memref<40x128xi32, #tpu.memory_space<vmem>> -> memref<1x128xi32, #tpu.memory_space<vmem>>
      %dma_start3A_93 = tpu.memref_squeeze %dma_start3A_92 : memref<1x128xi32, #tpu.memory_space<vmem>> -> memref<128xi32, #tpu.memory_space<vmem>>
      %dma_start3A_94 = arith.constant 0 : i32
      %dma_start3A_95 = arith.constant 0 : i32
      %dma_start3A_96 = tpu.memref_slice %arg5[%dma_start3A_94, %dma_start3A_95] : memref<10240x128xf32, #tpu.memory_space<vmem_shared>> -> memref<10240x128xf32, #tpu.memory_space<vmem_shared>>
      tpu.enqueue_indirect_dma source(%arg6 : memref<128x128xf32, #tpu.memory_space<vmem>>) target(%dma_start3A_96 : memref<10240x128xf32, #tpu.memory_space<vmem_shared>>) offsets(%dma_start3A_93 : memref<128xi32, #tpu.memory_space<vmem>>) semaphore(%arg10 : memref<!tpu.dma_semaphore, #tpu.memory_space<semaphore_mem>>) {add = true}
      %dma_start3A_97 = arith.constant 0 : i32
      %dma_start3A_98 = tpu.memref_slice %arg9[%add3A_90, %dma_start3A_97] : memref<40x128xi32, #tpu.memory_space<vmem>> -> memref<1x128xi32, #tpu.memory_space<vmem>>
      %dma_start3A_99 = tpu.memref_squeeze %dma_start3A_98 : memref<1x128xi32, #tpu.memory_space<vmem>> -> memref<128xi32, #tpu.memory_space<vmem>>
      %dma_start3A_100 = arith.constant 0 : i32
      %dma_start3A_101 = arith.constant 0 : i32
      %dma_start3A_102 = tpu.memref_slice %arg5[%dma_start3A_100, %dma_start3A_101] : memref<10240x128xf32, #tpu.memory_space<vmem_shared>> -> memref<10240x128xf32, #tpu.memory_space<vmem_shared>>
      tpu.enqueue_indirect_dma source(%arg7 : memref<128x128xf32, #tpu.memory_space<vmem>>) target(%dma_start3A_102 : memref<10240x128xf32, #tpu.memory_space<vmem_shared>>) offsets(%dma_start3A_99 : memref<128xi32, #tpu.memory_space<vmem>>) semaphore(%arg10 : memref<!tpu.dma_semaphore, #tpu.memory_space<semaphore_mem>>) {add = true}
      %mul3A_103 = arith.constant 4 : i32
      %mul3A_104 = arith.muli %add3A_55, %mul3A_103 : i32
      %add3A_105 = arith.constant 3 : i32
      %add3A_106 = arith.addi %mul3A_104, %add3A_105 : i32
      %dma_start3A_107 = arith.constant 0 : i32
      %dma_start3A_108 = tpu.memref_slice %arg8[%add3A_106, %dma_start3A_107] : memref<40x128xi32, #tpu.memory_space<vmem>> -> memref<1x128xi32, #tpu.memory_space<vmem>>
      %dma_start3A_109 = tpu.memref_squeeze %dma_start3A_108 : memref<1x128xi32, #tpu.memory_space<vmem>> -> memref<128xi32, #tpu.memory_space<vmem>>
      %dma_start3A_110 = arith.constant 0 : i32
      %dma_start3A_111 = arith.constant 0 : i32
      %dma_start3A_112 = tpu.memref_slice %arg5[%dma_start3A_110, %dma_start3A_111] : memref<10240x128xf32, #tpu.memory_space<vmem_shared>> -> memref<10240x128xf32, #tpu.memory_space<vmem_shared>>
      tpu.enqueue_indirect_dma source(%arg6 : memref<128x128xf32, #tpu.memory_space<vmem>>) target(%dma_start3A_112 : memref<10240x128xf32, #tpu.memory_space<vmem_shared>>) offsets(%dma_start3A_109 : memref<128xi32, #tpu.memory_space<vmem>>) semaphore(%arg10 : memref<!tpu.dma_semaphore, #tpu.memory_space<semaphore_mem>>) {add = true}
      %dma_start3A_113 = arith.constant 0 : i32
      %dma_start3A_114 = tpu.memref_slice %arg9[%add3A_106, %dma_start3A_113] : memref<40x128xi32, #tpu.memory_space<vmem>> -> memref<1x128xi32, #tpu.memory_space<vmem>>
      %dma_start3A_115 = tpu.memref_squeeze %dma_start3A_114 : memref<1x128xi32, #tpu.memory_space<vmem>> -> memref<128xi32, #tpu.memory_space<vmem>>
      %dma_start3A_116 = arith.constant 0 : i32
      %dma_start3A_117 = arith.constant 0 : i32
      %dma_start3A_118 = tpu.memref_slice %arg5[%dma_start3A_116, %dma_start3A_117] : memref<10240x128xf32, #tpu.memory_space<vmem_shared>> -> memref<10240x128xf32, #tpu.memory_space<vmem_shared>>
      tpu.enqueue_indirect_dma source(%arg7 : memref<128x128xf32, #tpu.memory_space<vmem>>) target(%dma_start3A_118 : memref<10240x128xf32, #tpu.memory_space<vmem_shared>>) offsets(%dma_start3A_115 : memref<128xi32, #tpu.memory_space<vmem>>) semaphore(%arg10 : memref<!tpu.dma_semaphore, #tpu.memory_space<semaphore_mem>>) {add = true}
      %dma_wait3A = arith.constant 0 : i32
      %dma_wait3A_119 = tpu.memref_slice %arg8[%add3A_59, %dma_wait3A] : memref<40x128xi32, #tpu.memory_space<vmem>> -> memref<1x128xi32, #tpu.memory_space<vmem>>
      %dma_wait3A_120 = tpu.memref_squeeze %dma_wait3A_119 : memref<1x128xi32, #tpu.memory_space<vmem>> -> memref<128xi32, #tpu.memory_space<vmem>>
      %dma_wait3A_121 = arith.constant 0 : i32
      %dma_wait3A_122 = arith.constant 0 : i32
      %dma_wait3A_123 = tpu.memref_slice %arg5[%dma_wait3A_121, %dma_wait3A_122] : memref<10240x128xf32, #tpu.memory_space<vmem_shared>> -> memref<10240x128xf32, #tpu.memory_space<vmem_shared>>
      tpu.wait_indirect_dma semaphore(%arg10 : memref<!tpu.dma_semaphore, #tpu.memory_space<semaphore_mem>>) src(%arg6 : memref<128x128xf32, #tpu.memory_space<vmem>>) dst(%dma_wait3A_123 : memref<10240x128xf32, #tpu.memory_space<vmem_shared>>)
      %dma_wait3A_124 = arith.constant 0 : i32
      %dma_wait3A_125 = tpu.memref_slice %arg9[%add3A_59, %dma_wait3A_124] : memref<40x128xi32, #tpu.memory_space<vmem>> -> memref<1x128xi32, #tpu.memory_space<vmem>>
      %dma_wait3A_126 = tpu.memref_squeeze %dma_wait3A_125 : memref<1x128xi32, #tpu.memory_space<vmem>> -> memref<128xi32, #tpu.memory_space<vmem>>
      %dma_wait3A_127 = arith.constant 0 : i32
      %dma_wait3A_128 = arith.constant 0 : i32
      %dma_wait3A_129 = tpu.memref_slice %arg5[%dma_wait3A_127, %dma_wait3A_128] : memref<10240x128xf32, #tpu.memory_space<vmem_shared>> -> memref<10240x128xf32, #tpu.memory_space<vmem_shared>>
      tpu.wait_indirect_dma semaphore(%arg10 : memref<!tpu.dma_semaphore, #tpu.memory_space<semaphore_mem>>) src(%arg7 : memref<128x128xf32, #tpu.memory_space<vmem>>) dst(%dma_wait3A_129 : memref<10240x128xf32, #tpu.memory_space<vmem_shared>>)
      %dma_wait3A_130 = arith.constant 0 : i32
      %dma_wait3A_131 = tpu.memref_slice %arg8[%add3A_74, %dma_wait3A_130] : memref<40x128xi32, #tpu.memory_space<vmem>> -> memref<1x128xi32, #tpu.memory_space<vmem>>
      %dma_wait3A_132 = tpu.memref_squeeze %dma_wait3A_131 : memref<1x128xi32, #tpu.memory_space<vmem>> -> memref<128xi32, #tpu.memory_space<vmem>>
      %dma_wait3A_133 = arith.constant 0 : i32
      %dma_wait3A_134 = arith.constant 0 : i32
      %dma_wait3A_135 = tpu.memref_slice %arg5[%dma_wait3A_133, %dma_wait3A_134] : memref<10240x128xf32, #tpu.memory_space<vmem_shared>> -> memref<10240x128xf32, #tpu.memory_space<vmem_shared>>
      tpu.wait_indirect_dma semaphore(%arg10 : memref<!tpu.dma_semaphore, #tpu.memory_space<semaphore_mem>>) src(%arg6 : memref<128x128xf32, #tpu.memory_space<vmem>>) dst(%dma_wait3A_135 : memref<10240x128xf32, #tpu.memory_space<vmem_shared>>)
      %dma_wait3A_136 = arith.constant 0 : i32
      %dma_wait3A_137 = tpu.memref_slice %arg9[%add3A_74, %dma_wait3A_136] : memref<40x128xi32, #tpu.memory_space<vmem>> -> memref<1x128xi32, #tpu.memory_space<vmem>>
      %dma_wait3A_138 = tpu.memref_squeeze %dma_wait3A_137 : memref<1x128xi32, #tpu.memory_space<vmem>> -> memref<128xi32, #tpu.memory_space<vmem>>
      %dma_wait3A_139 = arith.constant 0 : i32
      %dma_wait3A_140 = arith.constant 0 : i32
      %dma_wait3A_141 = tpu.memref_slice %arg5[%dma_wait3A_139, %dma_wait3A_140] : memref<10240x128xf32, #tpu.memory_space<vmem_shared>> -> memref<10240x128xf32, #tpu.memory_space<vmem_shared>>
      tpu.wait_indirect_dma semaphore(%arg10 : memref<!tpu.dma_semaphore, #tpu.memory_space<semaphore_mem>>) src(%arg7 : memref<128x128xf32, #tpu.memory_space<vmem>>) dst(%dma_wait3A_141 : memref<10240x128xf32, #tpu.memory_space<vmem_shared>>)
      %dma_wait3A_142 = arith.constant 0 : i32
      %dma_wait3A_143 = tpu.memref_slice %arg8[%add3A_90, %dma_wait3A_142] : memref<40x128xi32, #tpu.memory_space<vmem>> -> memref<1x128xi32, #tpu.memory_space<vmem>>
      %dma_wait3A_144 = tpu.memref_squeeze %dma_wait3A_143 : memref<1x128xi32, #tpu.memory_space<vmem>> -> memref<128xi32, #tpu.memory_space<vmem>>
      %dma_wait3A_145 = arith.constant 0 : i32
      %dma_wait3A_146 = arith.constant 0 : i32
      %dma_wait3A_147 = tpu.memref_slice %arg5[%dma_wait3A_145, %dma_wait3A_146] : memref<10240x128xf32, #tpu.memory_space<vmem_shared>> -> memref<10240x128xf32, #tpu.memory_space<vmem_shared>>
      tpu.wait_indirect_dma semaphore(%arg10 : memref<!tpu.dma_semaphore, #tpu.memory_space<semaphore_mem>>) src(%arg6 : memref<128x128xf32, #tpu.memory_space<vmem>>) dst(%dma_wait3A_147 : memref<10240x128xf32, #tpu.memory_space<vmem_shared>>)
      %dma_wait3A_148 = arith.constant 0 : i32
      %dma_wait3A_149 = tpu.memref_slice %arg9[%add3A_90, %dma_wait3A_148] : memref<40x128xi32, #tpu.memory_space<vmem>> -> memref<1x128xi32, #tpu.memory_space<vmem>>
      %dma_wait3A_150 = tpu.memref_squeeze %dma_wait3A_149 : memref<1x128xi32, #tpu.memory_space<vmem>> -> memref<128xi32, #tpu.memory_space<vmem>>
      %dma_wait3A_151 = arith.constant 0 : i32
      %dma_wait3A_152 = arith.constant 0 : i32
      %dma_wait3A_153 = tpu.memref_slice %arg5[%dma_wait3A_151, %dma_wait3A_152] : memref<10240x128xf32, #tpu.memory_space<vmem_shared>> -> memref<10240x128xf32, #tpu.memory_space<vmem_shared>>
      tpu.wait_indirect_dma semaphore(%arg10 : memref<!tpu.dma_semaphore, #tpu.memory_space<semaphore_mem>>) src(%arg7 : memref<128x128xf32, #tpu.memory_space<vmem>>) dst(%dma_wait3A_153 : memref<10240x128xf32, #tpu.memory_space<vmem_shared>>)
      %dma_wait3A_154 = arith.constant 0 : i32
      %dma_wait3A_155 = tpu.memref_slice %arg8[%add3A_106, %dma_wait3A_154] : memref<40x128xi32, #tpu.memory_space<vmem>> -> memref<1x128xi32, #tpu.memory_space<vmem>>
      %dma_wait3A_156 = tpu.memref_squeeze %dma_wait3A_155 : memref<1x128xi32, #tpu.memory_space<vmem>> -> memref<128xi32, #tpu.memory_space<vmem>>
      %dma_wait3A_157 = arith.constant 0 : i32
      %dma_wait3A_158 = arith.constant 0 : i32
      %dma_wait3A_159 = tpu.memref_slice %arg5[%dma_wait3A_157, %dma_wait3A_158] : memref<10240x128xf32, #tpu.memory_space<vmem_shared>> -> memref<10240x128xf32, #tpu.memory_space<vmem_shared>>
      tpu.wait_indirect_dma semaphore(%arg10 : memref<!tpu.dma_semaphore, #tpu.memory_space<semaphore_mem>>) src(%arg6 : memref<128x128xf32, #tpu.memory_space<vmem>>) dst(%dma_wait3A_159 : memref<10240x128xf32, #tpu.memory_space<vmem_shared>>)
      %dma_wait3A_160 = arith.constant 0 : i32
      %dma_wait3A_161 = tpu.memref_slice %arg9[%add3A_106, %dma_wait3A_160] : memref<40x128xi32, #tpu.memory_space<vmem>> -> memref<1x128xi32, #tpu.memory_space<vmem>>
      %dma_wait3A_162 = tpu.memref_squeeze %dma_wait3A_161 : memref<1x128xi32, #tpu.memory_space<vmem>> -> memref<128xi32, #tpu.memory_space<vmem>>
      %dma_wait3A_163 = arith.constant 0 : i32
      %dma_wait3A_164 = arith.constant 0 : i32
      %dma_wait3A_165 = tpu.memref_slice %arg5[%dma_wait3A_163, %dma_wait3A_164] : memref<10240x128xf32, #tpu.memory_space<vmem_shared>> -> memref<10240x128xf32, #tpu.memory_space<vmem_shared>>
      tpu.wait_indirect_dma semaphore(%arg10 : memref<!tpu.dma_semaphore, #tpu.memory_space<semaphore_mem>>) src(%arg7 : memref<128x128xf32, #tpu.memory_space<vmem>>) dst(%dma_wait3A_165 : memref<10240x128xf32, #tpu.memory_space<vmem_shared>>)
    }
    %scan3A_47 = arith.constant 10 : i32
    %barrier3A_48 = arith.constant 0 : index
    tpu.barrier barrier_id(%barrier3A_48)
    %mul3A_49 = arith.constant 640 : i32
    %mul3A_50 = arith.muli %arg1, %mul3A_49 : i32
    "tpu.region"() ({
      %run_scoped3A = tpu.sem_alloc : memref<!tpu.dma_semaphore, #tpu.memory_space<semaphore_mem>>
      %dma_start3A = arith.constant 0 : i32
      %dma_start3A_51 = tpu.memref_slice %arg4[%arg0, %mul3A_50, %dma_start3A] : memref<2x10240x128xf32, #tpu.memory_space<hbm>> -> memref<1x640x128xf32, #tpu.memory_space<hbm>>
      %dma_start3A_52 = tpu.memref_squeeze %dma_start3A_51 : memref<1x640x128xf32, #tpu.memory_space<hbm>> -> memref<640x128xf32, #tpu.memory_space<hbm>>
      %dma_start3A_53 = arith.constant 0 : i32
      %dma_start3A_54 = tpu.memref_slice %arg5[%mul3A_50, %dma_start3A_53] : memref<10240x128xf32, #tpu.memory_space<vmem_shared>> -> memref<640x128xf32, #tpu.memory_space<vmem_shared>>
      tpu.enqueue_dma source(%dma_start3A_54 : memref<640x128xf32, #tpu.memory_space<vmem_shared>>) target(%dma_start3A_52 : memref<640x128xf32, #tpu.memory_space<hbm>>) target_semaphore(%run_scoped3A : memref<!tpu.dma_semaphore, #tpu.memory_space<semaphore_mem>>)
      %dma_wait3A = arith.constant 0 : i32
      %dma_wait3A_55 = tpu.memref_slice %arg4[%arg0, %mul3A_50, %dma_wait3A] : memref<2x10240x128xf32, #tpu.memory_space<hbm>> -> memref<1x640x128xf32, #tpu.memory_space<hbm>>
      %dma_wait3A_56 = tpu.memref_squeeze %dma_wait3A_55 : memref<1x640x128xf32, #tpu.memory_space<hbm>> -> memref<640x128xf32, #tpu.memory_space<hbm>>
      %dma_wait3A_57 = arith.constant 0 : i32
      %dma_wait3A_58 = tpu.memref_slice %arg5[%mul3A_50, %dma_wait3A_57] : memref<10240x128xf32, #tpu.memory_space<vmem_shared>> -> memref<640x128xf32, #tpu.memory_space<vmem_shared>>
      tpu.wait_dma2 semaphore(%run_scoped3A : memref<!tpu.dma_semaphore, #tpu.memory_space<semaphore_mem>>) src(%dma_wait3A_58 : memref<640x128xf32, #tpu.memory_space<vmem_shared>>) dst(%dma_wait3A_56 : memref<640x128xf32, #tpu.memory_space<hbm>>)
      tpu.yield
    }) : () -> ()
    return
  }
}

#map = affine_map<(d0, d1) -> (0, 0)>
#map1 = affine_map<(d0, d1) -> (0)>
#map2 = affine_map<(d0, d1) -> (0, 0, 0)>
module attributes {stable_mosaic.version = 14 : i64} {
  func.func @_agg_kernel(%arg0: i32, %arg1: i32, %arg2: memref<10240x128xf32, #tpu.memory_space<hbm>>, %arg3: memref<327680xi32, #tpu.memory_space<hbm>>, %arg4: memref<32x80x128xi32, #tpu.memory_space<hbm>>, %arg5: memref<2x10240x128xf32, #tpu.memory_space<hbm>>, %arg6: memref<10240x128xf32, #tpu.memory_space<vmem_shared>>, %arg7: memref<2x128x128xf32, #tpu.memory_space<vmem>>, %arg8: memref<10240xi32, #tpu.memory_space<vmem>>, %arg9: memref<40x128xi32, #tpu.memory_space<vmem>>, %arg10: memref<!tpu.dma_semaphore, #tpu.memory_space<semaphore_mem>>, %arg11: memref<!tpu.dma_semaphore, #tpu.memory_space<semaphore_mem>>, %arg12: memref<!tpu.dma_semaphore, #tpu.memory_space<semaphore_mem>>) attributes {dimension_semantics = [#tpu.dimension_semantics<core_parallel>, #tpu.dimension_semantics<subcore_parallel>], iteration_bounds = array<i64: 2, 16>, scalar_prefetch = 0 : i64, scratch_operands = 7 : i64, tpu.core_type = #tpu.core_type<sc_vector_subcore>, window_params = [{transform_indices = #map}, {transform_indices = #map1}, {transform_indices = #map2}, {transform_indices = #map2}]} {
    %mul3A = arith.constant 16 : i32
    %mul3A_0 = arith.muli %arg0, %mul3A : i32
    %add3A = arith.addi %mul3A_0, %arg1 : i32
    %mul3A_1 = arith.constant 10240 : i32
    %mul3A_2 = arith.muli %add3A, %mul3A_1 : i32
    %dma_start3A = tpu.memref_slice %arg3[%mul3A_2] : memref<327680xi32, #tpu.memory_space<hbm>> -> memref<10240xi32, #tpu.memory_space<hbm>>
    %dma_start3A_3 = tpu.memref_slice %arg3[%mul3A_2] : memref<327680xi32, #tpu.memory_space<hbm>> -> memref<10240xi32, #tpu.memory_space<hbm>>
    tpu.enqueue_dma source(%dma_start3A_3 : memref<10240xi32, #tpu.memory_space<hbm>>) target(%arg8 : memref<10240xi32, #tpu.memory_space<vmem>>) target_semaphore(%arg10 : memref<!tpu.dma_semaphore, #tpu.memory_space<semaphore_mem>>)
    %dma_start3A_4 = arith.constant 0 : i32
    %dma_start3A_5 = arith.constant 0 : i32
    %dma_start3A_6 = tpu.memref_slice %arg4[%add3A, %dma_start3A_4, %dma_start3A_5] : memref<32x80x128xi32, #tpu.memory_space<hbm>> -> memref<1x40x128xi32, #tpu.memory_space<hbm>>
    %dma_start3A_7 = tpu.memref_squeeze %dma_start3A_6 : memref<1x40x128xi32, #tpu.memory_space<hbm>> -> memref<40x128xi32, #tpu.memory_space<hbm>>
    %dma_start3A_8 = arith.constant 0 : i32
    %dma_start3A_9 = arith.constant 0 : i32
    %dma_start3A_10 = tpu.memref_slice %arg4[%add3A, %dma_start3A_8, %dma_start3A_9] : memref<32x80x128xi32, #tpu.memory_space<hbm>> -> memref<1x40x128xi32, #tpu.memory_space<hbm>>
    %dma_start3A_11 = tpu.memref_squeeze %dma_start3A_10 : memref<1x40x128xi32, #tpu.memory_space<hbm>> -> memref<40x128xi32, #tpu.memory_space<hbm>>
    tpu.enqueue_dma source(%dma_start3A_11 : memref<40x128xi32, #tpu.memory_space<hbm>>) target(%arg9 : memref<40x128xi32, #tpu.memory_space<vmem>>) target_semaphore(%arg10 : memref<!tpu.dma_semaphore, #tpu.memory_space<semaphore_mem>>)
    %broadcast_in_dim3A = arith.constant 0.000000e+00 : f32
    %broadcast_in_dim3A_12 = vector.broadcast %broadcast_in_dim3A : f32 to vector<16xf32>
    %scan3A = arith.constant 0 : i32
    %scan3A_13 = arith.constant 0 : i32
    %scan3A_14 = arith.constant 128 : i32
    %scan3A_15 = arith.addi %scan3A_13, %scan3A_14 : i32
    %scan3A_16 = arith.constant 1 : i32
    scf.for %scan3A_89 = %scan3A_13 to %scan3A_15 step %scan3A_16  : i32 {
      %mul3A_90 = arith.constant 1 : i32
      %mul3A_91 = arith.muli %scan3A_89, %mul3A_90 : i32
      %add3A_92 = arith.constant 0 : i32
      %add3A_93 = arith.addi %add3A_92, %mul3A_91 : i32
      %scan3A_94 = arith.constant 0 : i32
      %scan3A_95 = arith.constant 8 : i32
      %scan3A_96 = arith.addi %scan3A_94, %scan3A_95 : i32
      %scan3A_97 = arith.constant 1 : i32
      scf.for %scan3A_99 = %scan3A_94 to %scan3A_96 step %scan3A_97  : i32 {
        %mul3A_100 = arith.constant 16 : i32
        %mul3A_101 = arith.muli %scan3A_99, %mul3A_100 : i32
        %add3A_102 = arith.constant 0 : i32
        %add3A_103 = arith.addi %add3A_102, %mul3A_101 : i32
        %swap3A = arith.constant 0 : i32
        %swap3A_104 = arith.constant 0 : i32
        %swap3A_105 = tpu.memref_slice %arg7[%scan3A, %swap3A, %swap3A_104] : memref<2x128x128xf32, #tpu.memory_space<vmem>> -> memref<1x128x128xf32, #tpu.memory_space<vmem>>
        %swap3A_106 = tpu.memref_squeeze %swap3A_105 : memref<1x128x128xf32, #tpu.memory_space<vmem>> -> memref<128x128xf32, #tpu.memory_space<vmem>>
        %swap3A_107 = arith.index_cast %add3A_93 : i32 to index
        %swap3A_108 = arith.index_cast %add3A_103 : i32 to index
        %swap3A_109 = tpu.vector_load %swap3A_106[%swap3A_107, %swap3A_108] {strides = array<i32>} : memref<128x128xf32, #tpu.memory_space<vmem>>, vector<1x16xf32>,
        %swap3A_110 = vector.shape_cast %swap3A_109 : vector<1x16xf32> to vector<16xf32>
        %swap3A_111 = vector.shape_cast %broadcast_in_dim3A_12 : vector<16xf32> to vector<1x16xf32>
        tpu.vector_store %swap3A_106[%swap3A_107, %swap3A_108], %swap3A_111 {strides = array<i32>} : memref<128x128xf32, #tpu.memory_space<vmem>>, vector<1x16xf32>,
      }
      %scan3A_98 = arith.constant 8 : i32
    }
    %scan3A_17 = arith.constant 128 : i32
    %scan3A_18 = arith.constant 0 : i32
    %scan3A_19 = arith.constant 5 : i32
    %scan3A_20 = arith.addi %scan3A_18, %scan3A_19 : i32
    %scan3A_21 = arith.constant 1 : i32
    scf.for %scan3A_89 = %scan3A_18 to %scan3A_20 step %scan3A_21  : i32 {
      %mul3A_90 = arith.constant 1 : i32
      %mul3A_91 = arith.muli %scan3A_89, %mul3A_90 : i32
      %add3A_92 = arith.constant 0 : i32
      %add3A_93 = arith.addi %add3A_92, %mul3A_91 : i32
      %mul3A_94 = arith.constant 640 : i32
      %mul3A_95 = arith.muli %arg1, %mul3A_94 : i32
      %mul3A_96 = arith.constant 128 : i32
      %mul3A_97 = arith.muli %add3A_93, %mul3A_96 : i32
      %add3A_98 = arith.addi %mul3A_95, %mul3A_97 : i32
      %run_scoped3A = arith.constant 0 : i32
      "tpu.region"() ({
        %run_scoped3A_99 = tpu.sem_alloc : memref<!tpu.dma_semaphore, #tpu.memory_space<semaphore_mem>>
        %dma_start3A_100 = arith.constant 0 : i32
        %dma_start3A_101 = arith.constant 0 : i32
        %dma_start3A_102 = tpu.memref_slice %arg7[%run_scoped3A, %dma_start3A_100, %dma_start3A_101] : memref<2x128x128xf32, #tpu.memory_space<vmem>> -> memref<1x128x128xf32, #tpu.memory_space<vmem>>
        %dma_start3A_103 = tpu.memref_squeeze %dma_start3A_102 : memref<1x128x128xf32, #tpu.memory_space<vmem>> -> memref<128x128xf32, #tpu.memory_space<vmem>>
        %dma_start3A_104 = arith.constant 0 : i32
        %dma_start3A_105 = tpu.memref_slice %arg6[%add3A_98, %dma_start3A_104] : memref<10240x128xf32, #tpu.memory_space<vmem_shared>> -> memref<128x128xf32, #tpu.memory_space<vmem_shared>>
        %dma_start3A_106 = arith.constant 0 : i32
        %dma_start3A_107 = tpu.memref_slice %arg6[%add3A_98, %dma_start3A_106] : memref<10240x128xf32, #tpu.memory_space<vmem_shared>> -> memref<128x128xf32, #tpu.memory_space<vmem_shared>>
        %dma_start3A_108 = arith.constant 0 : i32
        %dma_start3A_109 = arith.constant 0 : i32
        %dma_start3A_110 = tpu.memref_slice %arg7[%run_scoped3A, %dma_start3A_108, %dma_start3A_109] : memref<2x128x128xf32, #tpu.memory_space<vmem>> -> memref<1x128x128xf32, #tpu.memory_space<vmem>>
        %dma_start3A_111 = tpu.memref_squeeze %dma_start3A_110 : memref<1x128x128xf32, #tpu.memory_space<vmem>> -> memref<128x128xf32, #tpu.memory_space<vmem>>
        tpu.enqueue_dma source(%dma_start3A_111 : memref<128x128xf32, #tpu.memory_space<vmem>>) target(%dma_start3A_107 : memref<128x128xf32, #tpu.memory_space<vmem_shared>>) target_semaphore(%run_scoped3A_99 : memref<!tpu.dma_semaphore, #tpu.memory_space<semaphore_mem>>)
        %dma_wait3A_112 = arith.constant 0 : i32
        %dma_wait3A_113 = arith.constant 0 : i32
        %dma_wait3A_114 = tpu.memref_slice %arg7[%run_scoped3A, %dma_wait3A_112, %dma_wait3A_113] : memref<2x128x128xf32, #tpu.memory_space<vmem>> -> memref<1x128x128xf32, #tpu.memory_space<vmem>>
        %dma_wait3A_115 = tpu.memref_squeeze %dma_wait3A_114 : memref<1x128x128xf32, #tpu.memory_space<vmem>> -> memref<128x128xf32, #tpu.memory_space<vmem>>
        %dma_wait3A_116 = arith.constant 0 : i32
        %dma_wait3A_117 = tpu.memref_slice %arg6[%add3A_98, %dma_wait3A_116] : memref<10240x128xf32, #tpu.memory_space<vmem_shared>> -> memref<128x128xf32, #tpu.memory_space<vmem_shared>>
        %dma_wait3A_118 = arith.constant 0 : i32
        %dma_wait3A_119 = tpu.memref_slice %arg6[%add3A_98, %dma_wait3A_118] : memref<10240x128xf32, #tpu.memory_space<vmem_shared>> -> memref<128x128xf32, #tpu.memory_space<vmem_shared>>
        %dma_wait3A_120 = arith.constant 0 : i32
        %dma_wait3A_121 = arith.constant 0 : i32
        %dma_wait3A_122 = tpu.memref_slice %arg7[%run_scoped3A, %dma_wait3A_120, %dma_wait3A_121] : memref<2x128x128xf32, #tpu.memory_space<vmem>> -> memref<1x128x128xf32, #tpu.memory_space<vmem>>
        %dma_wait3A_123 = tpu.memref_squeeze %dma_wait3A_122 : memref<1x128x128xf32, #tpu.memory_space<vmem>> -> memref<128x128xf32, #tpu.memory_space<vmem>>
        tpu.wait_dma2 semaphore(%run_scoped3A_99 : memref<!tpu.dma_semaphore, #tpu.memory_space<semaphore_mem>>) src(%dma_wait3A_123 : memref<128x128xf32, #tpu.memory_space<vmem>>) dst(%dma_wait3A_119 : memref<128x128xf32, #tpu.memory_space<vmem_shared>>)
        tpu.yield
      }) : () -> ()
    }
    %scan3A_22 = arith.constant 5 : i32
    %dma_wait3A = tpu.memref_slice %arg3[%mul3A_2] : memref<327680xi32, #tpu.memory_space<hbm>> -> memref<10240xi32, #tpu.memory_space<hbm>>
    %dma_wait3A_23 = tpu.memref_slice %arg3[%mul3A_2] : memref<327680xi32, #tpu.memory_space<hbm>> -> memref<10240xi32, #tpu.memory_space<hbm>>
    tpu.wait_dma2 semaphore(%arg10 : memref<!tpu.dma_semaphore, #tpu.memory_space<semaphore_mem>>) src(%dma_wait3A_23 : memref<10240xi32, #tpu.memory_space<hbm>>) dst(%arg8 : memref<10240xi32, #tpu.memory_space<vmem>>)
    %dma_wait3A_24 = arith.constant 0 : i32
    %dma_wait3A_25 = arith.constant 0 : i32
    %dma_wait3A_26 = tpu.memref_slice %arg4[%add3A, %dma_wait3A_24, %dma_wait3A_25] : memref<32x80x128xi32, #tpu.memory_space<hbm>> -> memref<1x40x128xi32, #tpu.memory_space<hbm>>
    %dma_wait3A_27 = tpu.memref_squeeze %dma_wait3A_26 : memref<1x40x128xi32, #tpu.memory_space<hbm>> -> memref<40x128xi32, #tpu.memory_space<hbm>>
    %dma_wait3A_28 = arith.constant 0 : i32
    %dma_wait3A_29 = arith.constant 0 : i32
    %dma_wait3A_30 = tpu.memref_slice %arg4[%add3A, %dma_wait3A_28, %dma_wait3A_29] : memref<32x80x128xi32, #tpu.memory_space<hbm>> -> memref<1x40x128xi32, #tpu.memory_space<hbm>>
    %dma_wait3A_31 = tpu.memref_squeeze %dma_wait3A_30 : memref<1x40x128xi32, #tpu.memory_space<hbm>> -> memref<40x128xi32, #tpu.memory_space<hbm>>
    tpu.wait_dma2 semaphore(%arg10 : memref<!tpu.dma_semaphore, #tpu.memory_space<semaphore_mem>>) src(%dma_wait3A_31 : memref<40x128xi32, #tpu.memory_space<hbm>>) dst(%arg9 : memref<40x128xi32, #tpu.memory_space<vmem>>)
    %barrier3A = arith.constant 0 : index
    tpu.barrier barrier_id(%barrier3A)
    %dma_start3A_32 = arith.constant 0 : i32
    %dma_start3A_33 = arith.constant 0 : i32
    %dma_start3A_34 = arith.constant 0 : i32
    %dma_start3A_35 = tpu.memref_slice %arg7[%dma_start3A_32, %dma_start3A_33, %dma_start3A_34] : memref<2x128x128xf32, #tpu.memory_space<vmem>> -> memref<1x128x128xf32, #tpu.memory_space<vmem>>
    %dma_start3A_36 = tpu.memref_squeeze %dma_start3A_35 : memref<1x128x128xf32, #tpu.memory_space<vmem>> -> memref<128x128xf32, #tpu.memory_space<vmem>>
    %dma_start3A_37 = arith.constant 0 : i32
    %dma_start3A_38 = tpu.memref_slice %arg8[%dma_start3A_37] : memref<10240xi32, #tpu.memory_space<vmem>> -> memref<128xi32, #tpu.memory_space<vmem>>
    %dma_start3A_39 = arith.constant 0 : i32
    %dma_start3A_40 = arith.constant 0 : i32
    %dma_start3A_41 = tpu.memref_slice %arg2[%dma_start3A_39, %dma_start3A_40] : memref<10240x128xf32, #tpu.memory_space<hbm>> -> memref<10240x128xf32, #tpu.memory_space<hbm>>
    tpu.enqueue_indirect_dma source(%dma_start3A_41 : memref<10240x128xf32, #tpu.memory_space<hbm>>) target(%dma_start3A_36 : memref<128x128xf32, #tpu.memory_space<vmem>>) offsets(%dma_start3A_38 : memref<128xi32, #tpu.memory_space<vmem>>) semaphore(%arg11 : memref<!tpu.dma_semaphore, #tpu.memory_space<semaphore_mem>>)
    %dma_wait3A_42 = arith.constant 0 : i32
    %dma_wait3A_43 = arith.constant 0 : i32
    %dma_wait3A_44 = arith.constant 0 : i32
    %dma_wait3A_45 = tpu.memref_slice %arg7[%dma_wait3A_42, %dma_wait3A_43, %dma_wait3A_44] : memref<2x128x128xf32, #tpu.memory_space<vmem>> -> memref<1x128x128xf32, #tpu.memory_space<vmem>>
    %dma_wait3A_46 = tpu.memref_squeeze %dma_wait3A_45 : memref<1x128x128xf32, #tpu.memory_space<vmem>> -> memref<128x128xf32, #tpu.memory_space<vmem>>
    %dma_wait3A_47 = arith.constant 0 : i32
    %dma_wait3A_48 = tpu.memref_slice %arg8[%dma_wait3A_47] : memref<10240xi32, #tpu.memory_space<vmem>> -> memref<128xi32, #tpu.memory_space<vmem>>
    %dma_wait3A_49 = arith.constant 0 : i32
    %dma_wait3A_50 = arith.constant 0 : i32
    %dma_wait3A_51 = tpu.memref_slice %arg2[%dma_wait3A_49, %dma_wait3A_50] : memref<10240x128xf32, #tpu.memory_space<hbm>> -> memref<10240x128xf32, #tpu.memory_space<hbm>>
    tpu.wait_indirect_dma semaphore(%arg11 : memref<!tpu.dma_semaphore, #tpu.memory_space<semaphore_mem>>) src(%dma_wait3A_51 : memref<10240x128xf32, #tpu.memory_space<hbm>>) dst(%dma_wait3A_46 : memref<128x128xf32, #tpu.memory_space<vmem>>)
    %scan3A_52 = arith.constant 0 : i32
    %scan3A_53 = arith.constant 40 : i32
    %scan3A_54 = arith.addi %scan3A_52, %scan3A_53 : i32
    %scan3A_55 = arith.constant 1 : i32
    scf.for %scan3A_89 = %scan3A_52 to %scan3A_54 step %scan3A_55  : i32 {
      %mul3A_90 = arith.constant 1 : i32
      %mul3A_91 = arith.muli %scan3A_89, %mul3A_90 : i32
      %add3A_92 = arith.constant 0 : i32
      %add3A_93 = arith.addi %add3A_92, %mul3A_91 : i32
      %jit3A = arith.constant 2 : i32
      %eq3A = arith.constant 0 : i32
      %eq3A_94 = arith.cmpi eq, %jit3A, %eq3A : i32
      %jit3A_95 = arith.constant 1 : i32
      %select_n3A = arith.select %eq3A_94, %jit3A_95, %jit3A : i32
      %rem3A = arith.remsi %add3A_93, %select_n3A : i32
      %ne3A = arith.constant 0 : i32
      %ne3A_96 = arith.cmpi ne, %rem3A, %ne3A : i32
      %lt3A = arith.constant 0 : i32
      %lt3A_97 = arith.cmpi slt, %rem3A, %lt3A : i32
      %lt3A_98 = arith.constant 0 : i32
      %lt3A_99 = arith.cmpi slt, %select_n3A, %lt3A_98 : i32
      %ne3A_100 = arith.xori %lt3A_97, %lt3A_99 : i1
      %and3A = arith.andi %ne3A_100, %ne3A_96 : i1
      %add3A_101 = arith.addi %rem3A, %select_n3A : i32
      %select_n3A_102 = arith.select %and3A, %add3A_101, %rem3A : i32
      %add3A_103 = arith.constant 1 : i32
      %add3A_104 = arith.addi %add3A_93, %add3A_103 : i32
      %sub3A = arith.constant 1 : i32
      %sub3A_105 = arith.subi %sub3A, %select_n3A_102 : i32
      %mul3A_106 = arith.constant 128 : i32
      %mul3A_107 = arith.muli %add3A_104, %mul3A_106 : i32
      %dma_start3A_108 = arith.constant 0 : i32
      %dma_start3A_109 = arith.constant 0 : i32
      %dma_start3A_110 = tpu.memref_slice %arg7[%sub3A_105, %dma_start3A_108, %dma_start3A_109] : memref<2x128x128xf32, #tpu.memory_space<vmem>> -> memref<1x128x128xf32, #tpu.memory_space<vmem>>
      %dma_start3A_111 = tpu.memref_squeeze %dma_start3A_110 : memref<1x128x128xf32, #tpu.memory_space<vmem>> -> memref<128x128xf32, #tpu.memory_space<vmem>>
      %dma_start3A_112 = tpu.memref_slice %arg8[%mul3A_107] : memref<10240xi32, #tpu.memory_space<vmem>> -> memref<128xi32, #tpu.memory_space<vmem>>
      %dma_start3A_113 = arith.constant 0 : i32
      %dma_start3A_114 = arith.constant 0 : i32
      %dma_start3A_115 = tpu.memref_slice %arg2[%dma_start3A_113, %dma_start3A_114] : memref<10240x128xf32, #tpu.memory_space<hbm>> -> memref<10240x128xf32, #tpu.memory_space<hbm>>
      tpu.enqueue_indirect_dma source(%dma_start3A_115 : memref<10240x128xf32, #tpu.memory_space<hbm>>) target(%dma_start3A_111 : memref<128x128xf32, #tpu.memory_space<vmem>>) offsets(%dma_start3A_112 : memref<128xi32, #tpu.memory_space<vmem>>) semaphore(%arg11 : memref<!tpu.dma_semaphore, #tpu.memory_space<semaphore_mem>>)
      %dma_start3A_116 = arith.constant 0 : i32
      %dma_start3A_117 = arith.constant 0 : i32
      %dma_start3A_118 = tpu.memref_slice %arg7[%select_n3A_102, %dma_start3A_116, %dma_start3A_117] : memref<2x128x128xf32, #tpu.memory_space<vmem>> -> memref<1x128x128xf32, #tpu.memory_space<vmem>>
      %dma_start3A_119 = tpu.memref_squeeze %dma_start3A_118 : memref<1x128x128xf32, #tpu.memory_space<vmem>> -> memref<128x128xf32, #tpu.memory_space<vmem>>
      %dma_start3A_120 = arith.constant 0 : i32
      %dma_start3A_121 = tpu.memref_slice %arg9[%add3A_93, %dma_start3A_120] : memref<40x128xi32, #tpu.memory_space<vmem>> -> memref<1x128xi32, #tpu.memory_space<vmem>>
      %dma_start3A_122 = tpu.memref_squeeze %dma_start3A_121 : memref<1x128xi32, #tpu.memory_space<vmem>> -> memref<128xi32, #tpu.memory_space<vmem>>
      %dma_start3A_123 = arith.constant 0 : i32
      %dma_start3A_124 = arith.constant 0 : i32
      %dma_start3A_125 = tpu.memref_slice %arg6[%dma_start3A_123, %dma_start3A_124] : memref<10240x128xf32, #tpu.memory_space<vmem_shared>> -> memref<10240x128xf32, #tpu.memory_space<vmem_shared>>
      tpu.enqueue_indirect_dma source(%dma_start3A_119 : memref<128x128xf32, #tpu.memory_space<vmem>>) target(%dma_start3A_125 : memref<10240x128xf32, #tpu.memory_space<vmem_shared>>) offsets(%dma_start3A_122 : memref<128xi32, #tpu.memory_space<vmem>>) semaphore(%arg12 : memref<!tpu.dma_semaphore, #tpu.memory_space<semaphore_mem>>) {add = true}
      %dma_wait3A_126 = arith.constant 0 : i32
      %dma_wait3A_127 = arith.constant 0 : i32
      %dma_wait3A_128 = tpu.memref_slice %arg7[%select_n3A_102, %dma_wait3A_126, %dma_wait3A_127] : memref<2x128x128xf32, #tpu.memory_space<vmem>> -> memref<1x128x128xf32, #tpu.memory_space<vmem>>
      %dma_wait3A_129 = tpu.memref_squeeze %dma_wait3A_128 : memref<1x128x128xf32, #tpu.memory_space<vmem>> -> memref<128x128xf32, #tpu.memory_space<vmem>>
      %dma_wait3A_130 = arith.constant 0 : i32
      %dma_wait3A_131 = tpu.memref_slice %arg9[%add3A_93, %dma_wait3A_130] : memref<40x128xi32, #tpu.memory_space<vmem>> -> memref<1x128xi32, #tpu.memory_space<vmem>>
      %dma_wait3A_132 = tpu.memref_squeeze %dma_wait3A_131 : memref<1x128xi32, #tpu.memory_space<vmem>> -> memref<128xi32, #tpu.memory_space<vmem>>
      %dma_wait3A_133 = arith.constant 0 : i32
      %dma_wait3A_134 = arith.constant 0 : i32
      %dma_wait3A_135 = tpu.memref_slice %arg6[%dma_wait3A_133, %dma_wait3A_134] : memref<10240x128xf32, #tpu.memory_space<vmem_shared>> -> memref<10240x128xf32, #tpu.memory_space<vmem_shared>>
      tpu.wait_indirect_dma semaphore(%arg12 : memref<!tpu.dma_semaphore, #tpu.memory_space<semaphore_mem>>) src(%dma_wait3A_129 : memref<128x128xf32, #tpu.memory_space<vmem>>) dst(%dma_wait3A_135 : memref<10240x128xf32, #tpu.memory_space<vmem_shared>>)
      %dma_wait3A_136 = arith.constant 0 : i32
      %dma_wait3A_137 = arith.constant 0 : i32
      %dma_wait3A_138 = tpu.memref_slice %arg7[%sub3A_105, %dma_wait3A_136, %dma_wait3A_137] : memref<2x128x128xf32, #tpu.memory_space<vmem>> -> memref<1x128x128xf32, #tpu.memory_space<vmem>>
      %dma_wait3A_139 = tpu.memref_squeeze %dma_wait3A_138 : memref<1x128x128xf32, #tpu.memory_space<vmem>> -> memref<128x128xf32, #tpu.memory_space<vmem>>
      %dma_wait3A_140 = tpu.memref_slice %arg8[%mul3A_107] : memref<10240xi32, #tpu.memory_space<vmem>> -> memref<128xi32, #tpu.memory_space<vmem>>
      %dma_wait3A_141 = arith.constant 0 : i32
      %dma_wait3A_142 = arith.constant 0 : i32
      %dma_wait3A_143 = tpu.memref_slice %arg2[%dma_wait3A_141, %dma_wait3A_142] : memref<10240x128xf32, #tpu.memory_space<hbm>> -> memref<10240x128xf32, #tpu.memory_space<hbm>>
      tpu.wait_indirect_dma semaphore(%arg11 : memref<!tpu.dma_semaphore, #tpu.memory_space<semaphore_mem>>) src(%dma_wait3A_143 : memref<10240x128xf32, #tpu.memory_space<hbm>>) dst(%dma_wait3A_139 : memref<128x128xf32, #tpu.memory_space<vmem>>)
    }
    %scan3A_56 = arith.constant 40 : i32
    "tpu.region"() ({
      %run_scoped3A = tpu.sem_alloc : memref<!tpu.dma_semaphore, #tpu.memory_space<semaphore_mem>>
      %dma_start3A_89 = arith.constant 40 : i32
      %dma_start3A_90 = arith.constant 0 : i32
      %dma_start3A_91 = tpu.memref_slice %arg4[%add3A, %dma_start3A_89, %dma_start3A_90] : memref<32x80x128xi32, #tpu.memory_space<hbm>> -> memref<1x40x128xi32, #tpu.memory_space<hbm>>
      %dma_start3A_92 = tpu.memref_squeeze %dma_start3A_91 : memref<1x40x128xi32, #tpu.memory_space<hbm>> -> memref<40x128xi32, #tpu.memory_space<hbm>>
      %dma_start3A_93 = arith.constant 40 : i32
      %dma_start3A_94 = arith.constant 0 : i32
      %dma_start3A_95 = tpu.memref_slice %arg4[%add3A, %dma_start3A_93, %dma_start3A_94] : memref<32x80x128xi32, #tpu.memory_space<hbm>> -> memref<1x40x128xi32, #tpu.memory_space<hbm>>
      %dma_start3A_96 = tpu.memref_squeeze %dma_start3A_95 : memref<1x40x128xi32, #tpu.memory_space<hbm>> -> memref<40x128xi32, #tpu.memory_space<hbm>>
      tpu.enqueue_dma source(%dma_start3A_96 : memref<40x128xi32, #tpu.memory_space<hbm>>) target(%arg9 : memref<40x128xi32, #tpu.memory_space<vmem>>) target_semaphore(%run_scoped3A : memref<!tpu.dma_semaphore, #tpu.memory_space<semaphore_mem>>)
      %dma_wait3A_97 = arith.constant 40 : i32
      %dma_wait3A_98 = arith.constant 0 : i32
      %dma_wait3A_99 = tpu.memref_slice %arg4[%add3A, %dma_wait3A_97, %dma_wait3A_98] : memref<32x80x128xi32, #tpu.memory_space<hbm>> -> memref<1x40x128xi32, #tpu.memory_space<hbm>>
      %dma_wait3A_100 = tpu.memref_squeeze %dma_wait3A_99 : memref<1x40x128xi32, #tpu.memory_space<hbm>> -> memref<40x128xi32, #tpu.memory_space<hbm>>
      %dma_wait3A_101 = arith.constant 40 : i32
      %dma_wait3A_102 = arith.constant 0 : i32
      %dma_wait3A_103 = tpu.memref_slice %arg4[%add3A, %dma_wait3A_101, %dma_wait3A_102] : memref<32x80x128xi32, #tpu.memory_space<hbm>> -> memref<1x40x128xi32, #tpu.memory_space<hbm>>
      %dma_wait3A_104 = tpu.memref_squeeze %dma_wait3A_103 : memref<1x40x128xi32, #tpu.memory_space<hbm>> -> memref<40x128xi32, #tpu.memory_space<hbm>>
      tpu.wait_dma2 semaphore(%run_scoped3A : memref<!tpu.dma_semaphore, #tpu.memory_space<semaphore_mem>>) src(%dma_wait3A_104 : memref<40x128xi32, #tpu.memory_space<hbm>>) dst(%arg9 : memref<40x128xi32, #tpu.memory_space<vmem>>)
      tpu.yield
    }) : () -> ()
    %scan3A_57 = arith.constant 0 : i32
    %scan3A_58 = arith.constant 39 : i32
    %scan3A_59 = arith.addi %scan3A_57, %scan3A_58 : i32
    %scan3A_60 = arith.constant 1 : i32
    scf.for %scan3A_89 = %scan3A_57 to %scan3A_59 step %scan3A_60  : i32 {
      %mul3A_90 = arith.constant 1 : i32
      %mul3A_91 = arith.muli %scan3A_89, %mul3A_90 : i32
      %add3A_92 = arith.constant 40 : i32
      %add3A_93 = arith.addi %add3A_92, %mul3A_91 : i32
      %jit3A = arith.constant 2 : i32
      %eq3A = arith.constant 0 : i32
      %eq3A_94 = arith.cmpi eq, %jit3A, %eq3A : i32
      %jit3A_95 = arith.constant 1 : i32
      %select_n3A = arith.select %eq3A_94, %jit3A_95, %jit3A : i32
      %rem3A = arith.remsi %add3A_93, %select_n3A : i32
      %ne3A = arith.constant 0 : i32
      %ne3A_96 = arith.cmpi ne, %rem3A, %ne3A : i32
      %lt3A = arith.constant 0 : i32
      %lt3A_97 = arith.cmpi slt, %rem3A, %lt3A : i32
      %lt3A_98 = arith.constant 0 : i32
      %lt3A_99 = arith.cmpi slt, %select_n3A, %lt3A_98 : i32
      %ne3A_100 = arith.xori %lt3A_97, %lt3A_99 : i1
      %and3A = arith.andi %ne3A_100, %ne3A_96 : i1
      %add3A_101 = arith.addi %rem3A, %select_n3A : i32
      %select_n3A_102 = arith.select %and3A, %add3A_101, %rem3A : i32
      %add3A_103 = arith.constant 1 : i32
      %add3A_104 = arith.addi %add3A_93, %add3A_103 : i32
      %sub3A = arith.constant 1 : i32
      %sub3A_105 = arith.subi %sub3A, %select_n3A_102 : i32
      %mul3A_106 = arith.constant 128 : i32
      %mul3A_107 = arith.muli %add3A_104, %mul3A_106 : i32
      %dma_start3A_108 = arith.constant 0 : i32
      %dma_start3A_109 = arith.constant 0 : i32
      %dma_start3A_110 = tpu.memref_slice %arg7[%sub3A_105, %dma_start3A_108, %dma_start3A_109] : memref<2x128x128xf32, #tpu.memory_space<vmem>> -> memref<1x128x128xf32, #tpu.memory_space<vmem>>
      %dma_start3A_111 = tpu.memref_squeeze %dma_start3A_110 : memref<1x128x128xf32, #tpu.memory_space<vmem>> -> memref<128x128xf32, #tpu.memory_space<vmem>>
      %dma_start3A_112 = tpu.memref_slice %arg8[%mul3A_107] : memref<10240xi32, #tpu.memory_space<vmem>> -> memref<128xi32, #tpu.memory_space<vmem>>
      %dma_start3A_113 = arith.constant 0 : i32
      %dma_start3A_114 = arith.constant 0 : i32
      %dma_start3A_115 = tpu.memref_slice %arg2[%dma_start3A_113, %dma_start3A_114] : memref<10240x128xf32, #tpu.memory_space<hbm>> -> memref<10240x128xf32, #tpu.memory_space<hbm>>
      tpu.enqueue_indirect_dma source(%dma_start3A_115 : memref<10240x128xf32, #tpu.memory_space<hbm>>) target(%dma_start3A_111 : memref<128x128xf32, #tpu.memory_space<vmem>>) offsets(%dma_start3A_112 : memref<128xi32, #tpu.memory_space<vmem>>) semaphore(%arg11 : memref<!tpu.dma_semaphore, #tpu.memory_space<semaphore_mem>>)
      %sub3A_116 = arith.constant 40 : i32
      %sub3A_117 = arith.subi %add3A_93, %sub3A_116 : i32
      %dma_start3A_118 = arith.constant 0 : i32
      %dma_start3A_119 = arith.constant 0 : i32
      %dma_start3A_120 = tpu.memref_slice %arg7[%select_n3A_102, %dma_start3A_118, %dma_start3A_119] : memref<2x128x128xf32, #tpu.memory_space<vmem>> -> memref<1x128x128xf32, #tpu.memory_space<vmem>>
      %dma_start3A_121 = tpu.memref_squeeze %dma_start3A_120 : memref<1x128x128xf32, #tpu.memory_space<vmem>> -> memref<128x128xf32, #tpu.memory_space<vmem>>
      %dma_start3A_122 = arith.constant 0 : i32
      %dma_start3A_123 = tpu.memref_slice %arg9[%sub3A_117, %dma_start3A_122] : memref<40x128xi32, #tpu.memory_space<vmem>> -> memref<1x128xi32, #tpu.memory_space<vmem>>
      %dma_start3A_124 = tpu.memref_squeeze %dma_start3A_123 : memref<1x128xi32, #tpu.memory_space<vmem>> -> memref<128xi32, #tpu.memory_space<vmem>>
      %dma_start3A_125 = arith.constant 0 : i32
      %dma_start3A_126 = arith.constant 0 : i32
      %dma_start3A_127 = tpu.memref_slice %arg6[%dma_start3A_125, %dma_start3A_126] : memref<10240x128xf32, #tpu.memory_space<vmem_shared>> -> memref<10240x128xf32, #tpu.memory_space<vmem_shared>>
      tpu.enqueue_indirect_dma source(%dma_start3A_121 : memref<128x128xf32, #tpu.memory_space<vmem>>) target(%dma_start3A_127 : memref<10240x128xf32, #tpu.memory_space<vmem_shared>>) offsets(%dma_start3A_124 : memref<128xi32, #tpu.memory_space<vmem>>) semaphore(%arg12 : memref<!tpu.dma_semaphore, #tpu.memory_space<semaphore_mem>>) {add = true}
      %dma_wait3A_128 = arith.constant 0 : i32
      %dma_wait3A_129 = arith.constant 0 : i32
      %dma_wait3A_130 = tpu.memref_slice %arg7[%select_n3A_102, %dma_wait3A_128, %dma_wait3A_129] : memref<2x128x128xf32, #tpu.memory_space<vmem>> -> memref<1x128x128xf32, #tpu.memory_space<vmem>>
      %dma_wait3A_131 = tpu.memref_squeeze %dma_wait3A_130 : memref<1x128x128xf32, #tpu.memory_space<vmem>> -> memref<128x128xf32, #tpu.memory_space<vmem>>
      %dma_wait3A_132 = arith.constant 0 : i32
      %dma_wait3A_133 = tpu.memref_slice %arg9[%sub3A_117, %dma_wait3A_132] : memref<40x128xi32, #tpu.memory_space<vmem>> -> memref<1x128xi32, #tpu.memory_space<vmem>>
      %dma_wait3A_134 = tpu.memref_squeeze %dma_wait3A_133 : memref<1x128xi32, #tpu.memory_space<vmem>> -> memref<128xi32, #tpu.memory_space<vmem>>
      %dma_wait3A_135 = arith.constant 0 : i32
      %dma_wait3A_136 = arith.constant 0 : i32
      %dma_wait3A_137 = tpu.memref_slice %arg6[%dma_wait3A_135, %dma_wait3A_136] : memref<10240x128xf32, #tpu.memory_space<vmem_shared>> -> memref<10240x128xf32, #tpu.memory_space<vmem_shared>>
      tpu.wait_indirect_dma semaphore(%arg12 : memref<!tpu.dma_semaphore, #tpu.memory_space<semaphore_mem>>) src(%dma_wait3A_131 : memref<128x128xf32, #tpu.memory_space<vmem>>) dst(%dma_wait3A_137 : memref<10240x128xf32, #tpu.memory_space<vmem_shared>>)
      %dma_wait3A_138 = arith.constant 0 : i32
      %dma_wait3A_139 = arith.constant 0 : i32
      %dma_wait3A_140 = tpu.memref_slice %arg7[%sub3A_105, %dma_wait3A_138, %dma_wait3A_139] : memref<2x128x128xf32, #tpu.memory_space<vmem>> -> memref<1x128x128xf32, #tpu.memory_space<vmem>>
      %dma_wait3A_141 = tpu.memref_squeeze %dma_wait3A_140 : memref<1x128x128xf32, #tpu.memory_space<vmem>> -> memref<128x128xf32, #tpu.memory_space<vmem>>
      %dma_wait3A_142 = tpu.memref_slice %arg8[%mul3A_107] : memref<10240xi32, #tpu.memory_space<vmem>> -> memref<128xi32, #tpu.memory_space<vmem>>
      %dma_wait3A_143 = arith.constant 0 : i32
      %dma_wait3A_144 = arith.constant 0 : i32
      %dma_wait3A_145 = tpu.memref_slice %arg2[%dma_wait3A_143, %dma_wait3A_144] : memref<10240x128xf32, #tpu.memory_space<hbm>> -> memref<10240x128xf32, #tpu.memory_space<hbm>>
      tpu.wait_indirect_dma semaphore(%arg11 : memref<!tpu.dma_semaphore, #tpu.memory_space<semaphore_mem>>) src(%dma_wait3A_145 : memref<10240x128xf32, #tpu.memory_space<hbm>>) dst(%dma_wait3A_141 : memref<128x128xf32, #tpu.memory_space<vmem>>)
    }
    %scan3A_61 = arith.constant 39 : i32
    %dma_start3A_62 = arith.constant 1 : i32
    %dma_start3A_63 = arith.constant 39 : i32
    %dma_start3A_64 = arith.constant 0 : i32
    %dma_start3A_65 = arith.constant 0 : i32
    %dma_start3A_66 = tpu.memref_slice %arg7[%dma_start3A_62, %dma_start3A_64, %dma_start3A_65] : memref<2x128x128xf32, #tpu.memory_space<vmem>> -> memref<1x128x128xf32, #tpu.memory_space<vmem>>
    %dma_start3A_67 = tpu.memref_squeeze %dma_start3A_66 : memref<1x128x128xf32, #tpu.memory_space<vmem>> -> memref<128x128xf32, #tpu.memory_space<vmem>>
    %dma_start3A_68 = arith.constant 0 : i32
    %dma_start3A_69 = tpu.memref_slice %arg9[%dma_start3A_63, %dma_start3A_68] : memref<40x128xi32, #tpu.memory_space<vmem>> -> memref<1x128xi32, #tpu.memory_space<vmem>>
    %dma_start3A_70 = tpu.memref_squeeze %dma_start3A_69 : memref<1x128xi32, #tpu.memory_space<vmem>> -> memref<128xi32, #tpu.memory_space<vmem>>
    %dma_start3A_71 = arith.constant 0 : i32
    %dma_start3A_72 = arith.constant 0 : i32
    %dma_start3A_73 = tpu.memref_slice %arg6[%dma_start3A_71, %dma_start3A_72] : memref<10240x128xf32, #tpu.memory_space<vmem_shared>> -> memref<10240x128xf32, #tpu.memory_space<vmem_shared>>
    tpu.enqueue_indirect_dma source(%dma_start3A_67 : memref<128x128xf32, #tpu.memory_space<vmem>>) target(%dma_start3A_73 : memref<10240x128xf32, #tpu.memory_space<vmem_shared>>) offsets(%dma_start3A_70 : memref<128xi32, #tpu.memory_space<vmem>>) semaphore(%arg12 : memref<!tpu.dma_semaphore, #tpu.memory_space<semaphore_mem>>) {add = true}
    %dma_wait3A_74 = arith.constant 1 : i32
    %dma_wait3A_75 = arith.constant 39 : i32
    %dma_wait3A_76 = arith.constant 0 : i32
    %dma_wait3A_77 = arith.constant 0 : i32
    %dma_wait3A_78 = tpu.memref_slice %arg7[%dma_wait3A_74, %dma_wait3A_76, %dma_wait3A_77] : memref<2x128x128xf32, #tpu.memory_space<vmem>> -> memref<1x128x128xf32, #tpu.memory_space<vmem>>
    %dma_wait3A_79 = tpu.memref_squeeze %dma_wait3A_78 : memref<1x128x128xf32, #tpu.memory_space<vmem>> -> memref<128x128xf32, #tpu.memory_space<vmem>>
    %dma_wait3A_80 = arith.constant 0 : i32
    %dma_wait3A_81 = tpu.memref_slice %arg9[%dma_wait3A_75, %dma_wait3A_80] : memref<40x128xi32, #tpu.memory_space<vmem>> -> memref<1x128xi32, #tpu.memory_space<vmem>>
    %dma_wait3A_82 = tpu.memref_squeeze %dma_wait3A_81 : memref<1x128xi32, #tpu.memory_space<vmem>> -> memref<128xi32, #tpu.memory_space<vmem>>
    %dma_wait3A_83 = arith.constant 0 : i32
    %dma_wait3A_84 = arith.constant 0 : i32
    %dma_wait3A_85 = tpu.memref_slice %arg6[%dma_wait3A_83, %dma_wait3A_84] : memref<10240x128xf32, #tpu.memory_space<vmem_shared>> -> memref<10240x128xf32, #tpu.memory_space<vmem_shared>>
    tpu.wait_indirect_dma semaphore(%arg12 : memref<!tpu.dma_semaphore, #tpu.memory_space<semaphore_mem>>) src(%dma_wait3A_79 : memref<128x128xf32, #tpu.memory_space<vmem>>) dst(%dma_wait3A_85 : memref<10240x128xf32, #tpu.memory_space<vmem_shared>>)
    %barrier3A_86 = arith.constant 0 : index
    tpu.barrier barrier_id(%barrier3A_86)
    %mul3A_87 = arith.constant 640 : i32
    %mul3A_88 = arith.muli %arg1, %mul3A_87 : i32
    "tpu.region"() ({
      %run_scoped3A = tpu.sem_alloc : memref<!tpu.dma_semaphore, #tpu.memory_space<semaphore_mem>>
      %dma_start3A_89 = arith.constant 0 : i32
      %dma_start3A_90 = tpu.memref_slice %arg5[%arg0, %mul3A_88, %dma_start3A_89] : memref<2x10240x128xf32, #tpu.memory_space<hbm>> -> memref<1x640x128xf32, #tpu.memory_space<hbm>>
      %dma_start3A_91 = tpu.memref_squeeze %dma_start3A_90 : memref<1x640x128xf32, #tpu.memory_space<hbm>> -> memref<640x128xf32, #tpu.memory_space<hbm>>
      %dma_start3A_92 = arith.constant 0 : i32
      %dma_start3A_93 = tpu.memref_slice %arg6[%mul3A_88, %dma_start3A_92] : memref<10240x128xf32, #tpu.memory_space<vmem_shared>> -> memref<640x128xf32, #tpu.memory_space<vmem_shared>>
      tpu.enqueue_dma source(%dma_start3A_93 : memref<640x128xf32, #tpu.memory_space<vmem_shared>>) target(%dma_start3A_91 : memref<640x128xf32, #tpu.memory_space<hbm>>) target_semaphore(%run_scoped3A : memref<!tpu.dma_semaphore, #tpu.memory_space<semaphore_mem>>)
      %dma_wait3A_94 = arith.constant 0 : i32
      %dma_wait3A_95 = tpu.memref_slice %arg5[%arg0, %mul3A_88, %dma_wait3A_94] : memref<2x10240x128xf32, #tpu.memory_space<hbm>> -> memref<1x640x128xf32, #tpu.memory_space<hbm>>
      %dma_wait3A_96 = tpu.memref_squeeze %dma_wait3A_95 : memref<1x640x128xf32, #tpu.memory_space<hbm>> -> memref<640x128xf32, #tpu.memory_space<hbm>>
      %dma_wait3A_97 = arith.constant 0 : i32
      %dma_wait3A_98 = tpu.memref_slice %arg6[%mul3A_88, %dma_wait3A_97] : memref<10240x128xf32, #tpu.memory_space<vmem_shared>> -> memref<640x128xf32, #tpu.memory_space<vmem_shared>>
      tpu.wait_dma2 semaphore(%run_scoped3A : memref<!tpu.dma_semaphore, #tpu.memory_space<semaphore_mem>>) src(%dma_wait3A_98 : memref<640x128xf32, #tpu.memory_space<vmem_shared>>) dst(%dma_wait3A_96 : memref<640x128xf32, #tpu.memory_space<hbm>>)
      tpu.yield
    }) : () -> ()
    return
  }
}

module attributes {stable_mosaic.version = 14 : i64} {
  func.func @_mm1_body(%arg0: i32, %arg1: memref<2x1024x128xf32, #tpu.memory_space<vmem>>, %arg2: memref<1024x128xf32, #tpu.memory_space<vmem>>, %arg3: memref<128x128xf32, #tpu.memory_space<vmem>>, %arg4: memref<1024x128xf32, #tpu.memory_space<vmem>>, %arg5: memref<1024x1xf32, #tpu.memory_space<vmem>>, %arg6: memref<1024x1xf32, #tpu.memory_space<vmem>>) attributes {dimension_semantics = [#tpu.dimension_semantics<arbitrary>], iteration_bounds = array<i64: 10>, scalar_prefetch = 0 : i64, scratch_operands = 0 : i64, tpu.core_type = #tpu.core_type<tc>, window_params = [{transform_indices = @transform_0, window_bounds = array<i64: 2, 1024, 128>}, {transform_indices = @transform_1, window_bounds = array<i64: 1024, 128>}, {pipeline_mode = #tpu.pipeline_mode<synchronous>, transform_indices = @transform_2, window_bounds = array<i64: 128, 128>}, {transform_indices = @transform_3, window_bounds = array<i64: 1024, 128>}, {transform_indices = @transform_4, window_bounds = array<i64: 1024, 1>}, {transform_indices = @transform_5, window_bounds = array<i64: 1024, 1>}]} {
    %get3A = arith.constant 0 : index
    %get3A_0 = arith.constant 0 : index
    %get3A_1 = arith.constant 0 : index
    %get3A_2 = vector.load %arg1[%get3A, %get3A_0, %get3A_1] : memref<2x1024x128xf32, #tpu.memory_space<vmem>>, vector<1x1024x128xf32>
    %get3A_3 = vector.shape_cast %get3A_2 : vector<1x1024x128xf32> to vector<1024x128xf32>
    %get3A_4 = arith.constant 1 : index
    %get3A_5 = arith.constant 0 : index
    %get3A_6 = arith.constant 0 : index
    %get3A_7 = vector.load %arg1[%get3A_4, %get3A_5, %get3A_6] : memref<2x1024x128xf32, #tpu.memory_space<vmem>>, vector<1x1024x128xf32>
    %get3A_8 = vector.shape_cast %get3A_7 : vector<1x1024x128xf32> to vector<1024x128xf32>
    %add3A = arith.addf %get3A_3, %get3A_8 : vector<1024x128xf32>
    %slice3A = vector.extract_strided_slice %add3A {offsets = [0, 0], sizes = [1024, 1], strides = [1, 1]} : vector<1024x128xf32> to vector<1024x1xf32>
    %max3A = arith.constant 1.000000e+00 : f32
    %max3A_9 = vector.broadcast %max3A : f32 to vector<1024x1xf32>
    %max3A_10 = arith.maximumf %slice3A, %max3A_9 : vector<1024x1xf32>
    %rsqrt3A = math.rsqrt %max3A_10 : vector<1024x1xf32>
    %swap3A = arith.constant 0 : index
    %swap3A_11 = arith.constant 0 : index
    %swap3A_12 = vector.load %arg5[%swap3A, %swap3A_11] : memref<1024x1xf32, #tpu.memory_space<vmem>>, vector<1024x1xf32>
    tpu.vector_store %arg5[%swap3A, %swap3A_11], %rsqrt3A {strides = array<i32>} : memref<1024x1xf32, #tpu.memory_space<vmem>>, vector<1024x1xf32>,
    %slice3A_13 = vector.extract_strided_slice %add3A {offsets = [0, 1], sizes = [1024, 1], strides = [1, 1]} : vector<1024x128xf32> to vector<1024x1xf32>
    %max3A_14 = arith.constant 1.000000e+00 : f32
    %max3A_15 = vector.broadcast %max3A_14 : f32 to vector<1024x1xf32>
    %max3A_16 = arith.maximumf %slice3A_13, %max3A_15 : vector<1024x1xf32>
    %rsqrt3A_17 = math.rsqrt %max3A_16 : vector<1024x1xf32>
    %swap3A_18 = arith.constant 0 : index
    %swap3A_19 = arith.constant 0 : index
    %swap3A_20 = vector.load %arg6[%swap3A_18, %swap3A_19] : memref<1024x1xf32, #tpu.memory_space<vmem>>, vector<1024x1xf32>
    tpu.vector_store %arg6[%swap3A_18, %swap3A_19], %rsqrt3A_17 {strides = array<i32>} : memref<1024x1xf32, #tpu.memory_space<vmem>>, vector<1024x1xf32>,
    %get3A_21 = arith.constant 0 : index
    %get3A_22 = arith.constant 0 : index
    %get3A_23 = vector.load %arg2[%get3A_21, %get3A_22] : memref<1024x128xf32, #tpu.memory_space<vmem>>, vector<1024x128xf32>
    %get3A_24 = arith.constant 0 : index
    %get3A_25 = arith.constant 0 : index
    %get3A_26 = vector.load %arg3[%get3A_24, %get3A_25] : memref<128x128xf32, #tpu.memory_space<vmem>>, vector<128x128xf32>
    %dot_general3A = arith.constant dense<0.000000e+00> : vector<1024x128xf32>
    %dot_general3A_27 = tpu.matmul %get3A_23, %get3A_26, %dot_general3A {dimension_numbers = #tpu.dot_dimension_numbers<[1], [0], [0], [1], [0, 0, 1, 1], [], []>, transpose_lhs_hint = false} : vector<1024x128xf32>, vector<128x128xf32>, vector<1024x128xf32> -> vector<1024x128xf32>
    %mul3A = vector.broadcast %rsqrt3A : vector<1024x1xf32> to vector<1024x128xf32>
    %mul3A_28 = arith.mulf %dot_general3A_27, %mul3A : vector<1024x128xf32>
    %swap3A_29 = arith.constant 0 : index
    %swap3A_30 = arith.constant 0 : index
    %swap3A_31 = vector.load %arg4[%swap3A_29, %swap3A_30] : memref<1024x128xf32, #tpu.memory_space<vmem>>, vector<1024x128xf32>
    tpu.vector_store %arg4[%swap3A_29, %swap3A_30], %mul3A_28 {strides = array<i32>} : memref<1024x128xf32, #tpu.memory_space<vmem>>, vector<1024x128xf32>,
    return
  }
  func.func @transform_0(%arg0: i32) -> (i32, i32, i32) {
    %c0_i32 = arith.constant 0 : i32
    %c0_i32_0 = arith.constant 0 : i32
    %c0_i32_1 = arith.constant 0 : i32
    return %c0_i32, %arg0, %c0_i32_0 : i32, i32, i32
  }
  func.func @transform_1(%arg0: i32) -> (i32, i32) {
    %c0_i32 = arith.constant 0 : i32
    %c0_i32_0 = arith.constant 0 : i32
    return %arg0, %c0_i32 : i32, i32
  }
  func.func @transform_2(%arg0: i32) -> (i32, i32) {
    %c0_i32 = arith.constant 0 : i32
    %c0_i32_0 = arith.constant 0 : i32
    %c0_i32_1 = arith.constant 0 : i32
    return %c0_i32, %c0_i32_0 : i32, i32
  }
  func.func @transform_3(%arg0: i32) -> (i32, i32) {
    %c0_i32 = arith.constant 0 : i32
    %c0_i32_0 = arith.constant 0 : i32
    return %arg0, %c0_i32 : i32, i32
  }
  func.func @transform_4(%arg0: i32) -> (i32, i32) {
    %c0_i32 = arith.constant 0 : i32
    %c0_i32_0 = arith.constant 0 : i32
    return %arg0, %c0_i32 : i32, i32
  }
  func.func @transform_5(%arg0: i32) -> (i32, i32) {
    %c0_i32 = arith.constant 0 : i32
    %c0_i32_0 = arith.constant 0 : i32
    return %arg0, %c0_i32 : i32, i32
  }
}

module attributes {stable_mosaic.version = 14 : i64} {
  func.func @_mid_body(%arg0: i32, %arg1: memref<2x1024x128xf32, #tpu.memory_space<vmem>>, %arg2: memref<1024x1xf32, #tpu.memory_space<vmem>>, %arg3: memref<1x128xf32, #tpu.memory_space<vmem>>, %arg4: memref<128x128xf32, #tpu.memory_space<vmem>>, %arg5: memref<1024x1xf32, #tpu.memory_space<vmem>>, %arg6: memref<1024x128xf32, #tpu.memory_space<vmem>>) attributes {dimension_semantics = [#tpu.dimension_semantics<arbitrary>], iteration_bounds = array<i64: 10>, scalar_prefetch = 0 : i64, scratch_operands = 0 : i64, tpu.core_type = #tpu.core_type<tc>, window_params = [{transform_indices = @transform_0, window_bounds = array<i64: 2, 1024, 128>}, {transform_indices = @transform_1, window_bounds = array<i64: 1024, 1>}, {pipeline_mode = #tpu.pipeline_mode<synchronous>, transform_indices = @transform_2, window_bounds = array<i64: 1, 128>}, {pipeline_mode = #tpu.pipeline_mode<synchronous>, transform_indices = @transform_3, window_bounds = array<i64: 128, 128>}, {transform_indices = @transform_4, window_bounds = array<i64: 1024, 1>}, {transform_indices = @transform_5, window_bounds = array<i64: 1024, 128>}]} {
    %get3A = arith.constant 0 : index
    %get3A_0 = arith.constant 0 : index
    %get3A_1 = arith.constant 0 : index
    %get3A_2 = vector.load %arg1[%get3A, %get3A_0, %get3A_1] : memref<2x1024x128xf32, #tpu.memory_space<vmem>>, vector<1x1024x128xf32>
    %get3A_3 = vector.shape_cast %get3A_2 : vector<1x1024x128xf32> to vector<1024x128xf32>
    %get3A_4 = arith.constant 1 : index
    %get3A_5 = arith.constant 0 : index
    %get3A_6 = arith.constant 0 : index
    %get3A_7 = vector.load %arg1[%get3A_4, %get3A_5, %get3A_6] : memref<2x1024x128xf32, #tpu.memory_space<vmem>>, vector<1x1024x128xf32>
    %get3A_8 = vector.shape_cast %get3A_7 : vector<1x1024x128xf32> to vector<1024x128xf32>
    %add3A = arith.addf %get3A_3, %get3A_8 : vector<1024x128xf32>
    %get3A_9 = arith.constant 0 : index
    %get3A_10 = arith.constant 0 : index
    %get3A_11 = vector.load %arg2[%get3A_9, %get3A_10] : memref<1024x1xf32, #tpu.memory_space<vmem>>, vector<1024x1xf32>
    %mul3A = vector.broadcast %get3A_11 : vector<1024x1xf32> to vector<1024x128xf32>
    %mul3A_12 = arith.mulf %add3A, %mul3A : vector<1024x128xf32>
    %get3A_13 = arith.constant 0 : index
    %get3A_14 = arith.constant 0 : index
    %get3A_15 = vector.load %arg3[%get3A_13, %get3A_14] : memref<1x128xf32, #tpu.memory_space<vmem>>, vector<1x128xf32>
    %add3A_16 = vector.broadcast %get3A_15 : vector<1x128xf32> to vector<1024x128xf32>
    %add3A_17 = arith.addf %mul3A_12, %add3A_16 : vector<1024x128xf32>
    %max3A = arith.constant 0.000000e+00 : f32
    %max3A_18 = vector.broadcast %max3A : f32 to vector<1024x128xf32>
    %max3A_19 = arith.maximumf %add3A_17, %max3A_18 : vector<1024x128xf32>
    %get3A_20 = arith.constant 0 : index
    %get3A_21 = arith.constant 0 : index
    %get3A_22 = vector.load %arg4[%get3A_20, %get3A_21] : memref<128x128xf32, #tpu.memory_space<vmem>>, vector<128x128xf32>
    %dot_general3A = arith.constant dense<0.000000e+00> : vector<1024x128xf32>
    %dot_general3A_23 = tpu.matmul %max3A_19, %get3A_22, %dot_general3A {dimension_numbers = #tpu.dot_dimension_numbers<[1], [0], [0], [1], [0, 0, 1, 1], [], []>, transpose_lhs_hint = false} : vector<1024x128xf32>, vector<128x128xf32>, vector<1024x128xf32> -> vector<1024x128xf32>
    %get3A_24 = arith.constant 0 : index
    %get3A_25 = arith.constant 0 : index
    %get3A_26 = vector.load %arg5[%get3A_24, %get3A_25] : memref<1024x1xf32, #tpu.memory_space<vmem>>, vector<1024x1xf32>
    %mul3A_27 = vector.broadcast %get3A_26 : vector<1024x1xf32> to vector<1024x128xf32>
    %mul3A_28 = arith.mulf %dot_general3A_23, %mul3A_27 : vector<1024x128xf32>
    %swap3A = arith.constant 0 : index
    %swap3A_29 = arith.constant 0 : index
    %swap3A_30 = vector.load %arg6[%swap3A, %swap3A_29] : memref<1024x128xf32, #tpu.memory_space<vmem>>, vector<1024x128xf32>
    tpu.vector_store %arg6[%swap3A, %swap3A_29], %mul3A_28 {strides = array<i32>} : memref<1024x128xf32, #tpu.memory_space<vmem>>, vector<1024x128xf32>,
    return
  }
  func.func @transform_0(%arg0: i32) -> (i32, i32, i32) {
    %c0_i32 = arith.constant 0 : i32
    %c0_i32_0 = arith.constant 0 : i32
    %c0_i32_1 = arith.constant 0 : i32
    return %c0_i32, %arg0, %c0_i32_0 : i32, i32, i32
  }
  func.func @transform_1(%arg0: i32) -> (i32, i32) {
    %c0_i32 = arith.constant 0 : i32
    %c0_i32_0 = arith.constant 0 : i32
    return %arg0, %c0_i32 : i32, i32
  }
  func.func @transform_2(%arg0: i32) -> (i32, i32) {
    %c0_i32 = arith.constant 0 : i32
    %c0_i32_0 = arith.constant 0 : i32
    %c0_i32_1 = arith.constant 0 : i32
    return %c0_i32, %c0_i32_0 : i32, i32
  }
  func.func @transform_3(%arg0: i32) -> (i32, i32) {
    %c0_i32 = arith.constant 0 : i32
    %c0_i32_0 = arith.constant 0 : i32
    %c0_i32_1 = arith.constant 0 : i32
    return %c0_i32, %c0_i32_0 : i32, i32
  }
  func.func @transform_4(%arg0: i32) -> (i32, i32) {
    %c0_i32 = arith.constant 0 : i32
    %c0_i32_0 = arith.constant 0 : i32
    return %arg0, %c0_i32 : i32, i32
  }
  func.func @transform_5(%arg0: i32) -> (i32, i32) {
    %c0_i32 = arith.constant 0 : i32
    %c0_i32_0 = arith.constant 0 : i32
    return %arg0, %c0_i32 : i32, i32
  }
}

module attributes {stable_mosaic.version = 14 : i64} {
  func.func @_fin_body(%arg0: i32, %arg1: memref<2x1024x128xf32, #tpu.memory_space<vmem>>, %arg2: memref<1024x1xf32, #tpu.memory_space<vmem>>, %arg3: memref<1x128xf32, #tpu.memory_space<vmem>>, %arg4: memref<128x128xf32, #tpu.memory_space<vmem>>, %arg5: memref<1x128xf32, #tpu.memory_space<vmem>>, %arg6: memref<1024x128xf32, #tpu.memory_space<vmem>>) attributes {dimension_semantics = [#tpu.dimension_semantics<arbitrary>], iteration_bounds = array<i64: 10>, scalar_prefetch = 0 : i64, scratch_operands = 0 : i64, tpu.core_type = #tpu.core_type<tc>, window_params = [{transform_indices = @transform_0, window_bounds = array<i64: 2, 1024, 128>}, {transform_indices = @transform_1, window_bounds = array<i64: 1024, 1>}, {pipeline_mode = #tpu.pipeline_mode<synchronous>, transform_indices = @transform_2, window_bounds = array<i64: 1, 128>}, {pipeline_mode = #tpu.pipeline_mode<synchronous>, transform_indices = @transform_3, window_bounds = array<i64: 128, 128>}, {pipeline_mode = #tpu.pipeline_mode<synchronous>, transform_indices = @transform_4, window_bounds = array<i64: 1, 128>}, {transform_indices = @transform_5, window_bounds = array<i64: 1024, 128>}]} {
    %get3A = arith.constant 0 : index
    %get3A_0 = arith.constant 0 : index
    %get3A_1 = arith.constant 0 : index
    %get3A_2 = vector.load %arg1[%get3A, %get3A_0, %get3A_1] : memref<2x1024x128xf32, #tpu.memory_space<vmem>>, vector<1x1024x128xf32>
    %get3A_3 = vector.shape_cast %get3A_2 : vector<1x1024x128xf32> to vector<1024x128xf32>
    %get3A_4 = arith.constant 1 : index
    %get3A_5 = arith.constant 0 : index
    %get3A_6 = arith.constant 0 : index
    %get3A_7 = vector.load %arg1[%get3A_4, %get3A_5, %get3A_6] : memref<2x1024x128xf32, #tpu.memory_space<vmem>>, vector<1x1024x128xf32>
    %get3A_8 = vector.shape_cast %get3A_7 : vector<1x1024x128xf32> to vector<1024x128xf32>
    %add3A = arith.addf %get3A_3, %get3A_8 : vector<1024x128xf32>
    %get3A_9 = arith.constant 0 : index
    %get3A_10 = arith.constant 0 : index
    %get3A_11 = vector.load %arg2[%get3A_9, %get3A_10] : memref<1024x1xf32, #tpu.memory_space<vmem>>, vector<1024x1xf32>
    %mul3A = vector.broadcast %get3A_11 : vector<1024x1xf32> to vector<1024x128xf32>
    %mul3A_12 = arith.mulf %add3A, %mul3A : vector<1024x128xf32>
    %get3A_13 = arith.constant 0 : index
    %get3A_14 = arith.constant 0 : index
    %get3A_15 = vector.load %arg3[%get3A_13, %get3A_14] : memref<1x128xf32, #tpu.memory_space<vmem>>, vector<1x128xf32>
    %add3A_16 = vector.broadcast %get3A_15 : vector<1x128xf32> to vector<1024x128xf32>
    %add3A_17 = arith.addf %mul3A_12, %add3A_16 : vector<1024x128xf32>
    %get3A_18 = arith.constant 0 : index
    %get3A_19 = arith.constant 0 : index
    %get3A_20 = vector.load %arg4[%get3A_18, %get3A_19] : memref<128x128xf32, #tpu.memory_space<vmem>>, vector<128x128xf32>
    %dot_general3A = arith.constant dense<0.000000e+00> : vector<1024x128xf32>
    %dot_general3A_21 = tpu.matmul %add3A_17, %get3A_20, %dot_general3A {dimension_numbers = #tpu.dot_dimension_numbers<[1], [0], [0], [1], [0, 0, 1, 1], [], []>, transpose_lhs_hint = false} : vector<1024x128xf32>, vector<128x128xf32>, vector<1024x128xf32> -> vector<1024x128xf32>
    %get3A_22 = arith.constant 0 : index
    %get3A_23 = arith.constant 0 : index
    %get3A_24 = vector.load %arg5[%get3A_22, %get3A_23] : memref<1x128xf32, #tpu.memory_space<vmem>>, vector<1x128xf32>
    %add3A_25 = vector.broadcast %get3A_24 : vector<1x128xf32> to vector<1024x128xf32>
    %add3A_26 = arith.addf %dot_general3A_21, %add3A_25 : vector<1024x128xf32>
    %swap3A = arith.constant 0 : index
    %swap3A_27 = arith.constant 0 : index
    %swap3A_28 = vector.load %arg6[%swap3A, %swap3A_27] : memref<1024x128xf32, #tpu.memory_space<vmem>>, vector<1024x128xf32>
    tpu.vector_store %arg6[%swap3A, %swap3A_27], %add3A_26 {strides = array<i32>} : memref<1024x128xf32, #tpu.memory_space<vmem>>, vector<1024x128xf32>,
    return
  }
  func.func @transform_0(%arg0: i32) -> (i32, i32, i32) {
    %c0_i32 = arith.constant 0 : i32
    %c0_i32_0 = arith.constant 0 : i32
    %c0_i32_1 = arith.constant 0 : i32
    return %c0_i32, %arg0, %c0_i32_0 : i32, i32, i32
  }
  func.func @transform_1(%arg0: i32) -> (i32, i32) {
    %c0_i32 = arith.constant 0 : i32
    %c0_i32_0 = arith.constant 0 : i32
    return %arg0, %c0_i32 : i32, i32
  }
  func.func @transform_2(%arg0: i32) -> (i32, i32) {
    %c0_i32 = arith.constant 0 : i32
    %c0_i32_0 = arith.constant 0 : i32
    %c0_i32_1 = arith.constant 0 : i32
    return %c0_i32, %c0_i32_0 : i32, i32
  }
  func.func @transform_3(%arg0: i32) -> (i32, i32) {
    %c0_i32 = arith.constant 0 : i32
    %c0_i32_0 = arith.constant 0 : i32
    %c0_i32_1 = arith.constant 0 : i32
    return %c0_i32, %c0_i32_0 : i32, i32
  }
  func.func @transform_4(%arg0: i32) -> (i32, i32) {
    %c0_i32 = arith.constant 0 : i32
    %c0_i32_0 = arith.constant 0 : i32
    %c0_i32_1 = arith.constant 0 : i32
    return %c0_i32, %c0_i32_0 : i32, i32
  }
  func.func @transform_5(%arg0: i32) -> (i32, i32) {
    %c0_i32 = arith.constant 0 : i32
    %c0_i32_0 = arith.constant 0 : i32
    return %arg0, %c0_i32 : i32, i32
  }
}

</mosaic_0001>

<sc_bundles>
// kernel: kernel.11.cloned.1.call-start
scs
__scs_entry_jumppad:
0x0: {  	(pc) =	sbr.rel $0x88, $3  }
0x1: {  	(tag) =	ssettag $0x0;
	lr =	simm.s32 $0x1  }
0x2: {  	[smem:$0x3F99] =	sst lr;
	_ =	strace $0xD0000000  }
0x3: {  	_ = 	snop  }
0x4: {  	_ = 	snop  }
0x5: {  	_ = 	snop  }
0x6: {  	_ = 	snop  }
0x7: {  	_ = 	snop  }
__scs_overlays_trampoline_lowered:
0x8: {  	[smem:$0x3FA8] =	sst s0  }
0x9: {  	[smem:$0x3FA9] =	sst s1  }
0xa: {  	[smem:$0x3FAA] =	sst s2  }
0xb: {  	[smem:$0x3FAB] =	sst s3  }
0xc: {  	[smem:$0x3FAC] =	sst s4  }
0xd: {  	[smem:$0x3FAD] =	sst s5  }
0xe: {  	[smem:$0x3FAE] =	sst s6  }
0xf: {  	[smem:$0x3FAF] =	sst s7  }
0x10: {  	[smem:$0x3FB0] =	sst s8  }
0x11: {  	[smem:$0x3FB1] =	sst s9;
	s0 =	simm.s32 @!p0 $0x0  }
0x12: {  	s1 =	sld [smem:$0x3F97];
	s0 =	simm.s32 @p0 $0x1  }
0x13: {  	[smem:$0x3FB2] =	sst s0;
	s0 =	simm.s32 @!p1 $0x0  }
0x14: {  	s2 =	sld [smem:$0x3F96];
	s0 =	simm.s32 @p1 $0x1  }
0x15: {  	[smem:$0x3FB3] =	sst s0;
	s0 =	simm.s32 @!p2 $0x0  }
0x16: {  	s3 =	sld [smem:$0x3FDB];
	s0 =	simm.s32 @p2 $0x1  }
0x17: {  	s4 =	simm.s32 $0x1BF5;
	[smem:$0x3FB5] =	sst s0  }
0x18: {  	s0 =	sld [smem:$0x3F98];
	_ =	swait.ge [sflag:s4], $0x0  }
0x19: {  	s7 =	sld [smem:$0x3F99]  }
0x1a: {  	s8 =	sadd.s32 $0xFFFFE003, lr  }
0x1b: {  	s9 =	sadd.s32 $0xFFFFFEF7, lr;
	s5 =	simm.s32 $0xFFFFFFFF;
	p2 =	slt.u32 s8, $0xFFFFF086  }
0x1c: {  	p1 =	slt.u32 s9, $0xF7A;
	s5 =	simm.s32 @!p2 $0x0  }
0x1d: {  	s5 =	simm.s32 @p1 $0x1;
	p0 =	seq.s32 s7, s2  }
0x1e: {  	s7 =	smul.u32 @!p0 $0xF7A, s2;
	p2 =	seq.s32 @!p0 s5, $0x0  }
0x1f: {  	s9 =	smul.u32 $0xF7A, s1;
	s8 =	simm.s32 @!p0 $0x1BF5;
	p2 =	por !p2, p0  }
0x20: {  	[sflag:s8] =	ssyncset.s32 @!p0 $0xFFFFF086;
	s6 =	sadd.s32 @!p0 s3, s7;
	s7 =	simm.s32 @!p0 $0x108  }
0x21: {  	s3 =	sadd.s32 s3, s9;
	s6 =	sadd.s32 @!p0 $0x88, s6;
	s7 =	simm.s32 @p2 $0x1082  }
0x22: {  	[simem:s7], [sflag:s8] =	dma.local @!p0 [hbm:s6], $0xF7A  }
0x23: {  	s9 =	sor.u32 $0xD0000000, s2;
	s6 =	simm.s32 $0x108;
	_ =	swait.ge @!p0 [sflag:s8], $0x0  }
0x24: {  	s3 =	sadd.s32 $0x88, s3;
	s6 =	simm.s32 @!p1 $0x1082;
	[sflag:s4] =	ssyncset.s32 $0xFFFFF086  }
0x25: {  	[simem:s6], [sflag:s4] =	dma.local [hbm:s3], $0xF7A  }
0x26: {  	[smem:$0x3F99] =	sst s1;
	(tag) =	ssettag s2;
	_ =	strace s9  }
0x27: {  	s1 =	sld [smem:$0x3FA9]  }
0x28: {  	s2 =	sld [smem:$0x3FAA]  }
0x29: {  	s4 =	sld [smem:$0x3FAC]  }
0x2a: {  	p0 =	seq.s32 s5, $0x0;
	s5 =	sld [smem:$0x3FAD]  }
0x2b: {  	s6 =	sld [smem:$0x3FAE]  }
0x2c: {  	s7 =	sld [smem:$0x3FAF]  }
0x2d: {  	s3 =	simm.s32 $0x108;
	s8 =	sld [smem:$0x3FB0]  }
0x2e: {  	s3 =	simm.s32 @!p0 $0x1082;
	s9 =	sld [smem:$0x3FB1]  }
0x2f: {  	lr =	sadd.s32 s0, s3;
	s0 =	sld [smem:$0x3FA8]  }
0x30: {  	s3 =	sld [smem:$0x3FAB]  }
0x31: {  	[smem:$0x3FB4] =	sst s10  }
0x32: {  	s10 =	sld [smem:$0x3FB2];
	_ =	sdelay $0x3  }
0x33: {  	p0 =	seq.s32 s10, $0x1;
	s10 =	sld [smem:$0x3FB4];
	_ =	sdelay $0x3  }
0x34: {  	[smem:$0x3FB4] =	sst s10  }
0x35: {  	s10 =	sld [smem:$0x3FB3];
	_ =	sdelay $0x3  }
0x36: {  	p1 =	seq.s32 s10, $0x1;
	s10 =	sld [smem:$0x3FB4];
	_ =	sdelay $0x3  }
0x37: {  	[smem:$0x3FB4] =	sst s10  }
0x38: {  	s10 =	sld [smem:$0x3FB5]  }
0x39: {  	_ = 	snop;
	(pc) =	sbr.ind lr, $3  }
0x3a: {  	_ = 	snop  }
0x3b: {  	_ = 	snop  }
0x3c: {  	p2 =	seq.s32 s10, $0x1;
	s10 =	sld [smem:$0x3FB4]  }
0x3d: {  	_ =	shalt  }
0x3e: {  	_ =	shalt  }
0x3f: {  	_ =	shalt  }
0x40: {  	_ =	shalt  }
0x41: {  	_ =	shalt  }
0x42: {  	_ =	shalt  }
0x43: {  	_ =	shalt  }
0x44: {  	_ =	shalt  }
0x45: {  	_ =	shalt  }
0x46: {  	_ =	shalt  }
0x47: {  	_ =	shalt  }
0x48: {  	_ =	shalt  }
0x49: {  	_ =	shalt  }
0x4a: {  	_ =	shalt  }
0x4b: {  	_ =	shalt  }
0x4c: {  	_ =	shalt  }
0x4d: {  	_ =	shalt  }
0x4e: {  	_ =	shalt  }
0x4f: {  	_ =	shalt  }
0x50: {  	_ =	shalt  }
0x51: {  	_ =	shalt  }
0x52: {  	_ =	shalt  }
0x53: {  	_ =	shalt  }
0x54: {  	_ =	shalt  }
0x55: {  	_ =	shalt  }
0x56: {  	_ =	shalt  }
0x57: {  	_ =	shalt  }
0x58: {  	_ =	shalt  }
0x59: {  	_ =	shalt  }
0x5a: {  	_ =	shalt  }
0x5b: {  	_ =	shalt  }
0x5c: {  	_ =	shalt  }
0x5d: {  	_ =	shalt  }
0x5e: {  	_ =	shalt  }
0x5f: {  	_ =	shalt  }
0x60: {  	_ =	shalt  }
0x61: {  	_ =	shalt  }
0x62: {  	_ =	shalt  }
0x63: {  	_ =	shalt  }
0x64: {  	_ =	shalt  }
0x65: {  	_ =	shalt  }
0x66: {  	_ =	shalt  }
0x67: {  	_ =	shalt  }
0x68: {  	_ =	shalt  }
0x69: {  	_ =	shalt  }
0x6a: {  	_ =	shalt  }
0x6b: {  	_ =	shalt  }
0x6c: {  	_ =	shalt  }
0x6d: {  	_ =	shalt  }
0x6e: {  	_ =	shalt  }
0x6f: {  	_ =	shalt  }
0x70: {  	_ =	shalt  }
0x71: {  	_ =	shalt  }
0x72: {  	_ =	shalt  }
0x73: {  	_ =	shalt  }
0x74: {  	_ =	shalt  }
0x75: {  	_ =	shalt  }
0x76: {  	_ =	shalt  }
0x77: {  	_ =	shalt  }
0x78: {  	_ =	shalt  }
0x79: {  	_ =	shalt  }
0x7a: {  	_ =	shalt  }
0x7b: {  	_ =	shalt  }
0x7c: {  	_ =	shalt  }
0x7d: {  	_ =	shalt  }
0x7e: {  	_ =	shalt  }
0x7f: {  	_ =	shalt  }
0x80: {  	_ =	shalt  }
0x81: {  	_ =	shalt  }
0x82: {  	_ =	shalt  }
0x83: {  	_ =	shalt  }
0x84: {  	_ =	shalt  }
0x85: {  	_ =	shalt  }
0x86: {  	_ =	shalt  }
0x87: {  	_ =	shalt  }
.Lfunc_end0:
.L_simem_size_0:
called_computation.1_lowered:
.L_overlay_start_0:
0x88: {  	s2 =	sld [smem:$0x3FD9]  }
0x89: {  	s3 =	sld [smem:$0x3FFE];
	_ =	sdelay $0x1  }
0x8a: {  	s1 =	srdreg.scid  }
0x8b: {  	s0 =	sand.u32 $0x1, s1  }
0x8c: {  	s17 =	sshll.u32 s0, $0xA;
	s2 =	sadd.s32 s3, s2  }
0x8d: {  	s2 =	sadd.s32 s2, s17  }
0x8e: {  	[smem:$0x3FC0] =	sst s2  }
0x8f: {  	_ = 	snop  }
0x90: {  	s2 =	sld [smem:$0x3FD0];
	(tm) =	ssettm $0x1  }
0x91: {  	s18 =	sld [smem:$0x3FFB];
	_ =	sdelay $0x3  }
0x92: {  	_ =	strace s18  }
0x93: {  	s3 =	sld [smem:$0x3FFC];
	_ =	sdelay $0x3  }
0x94: {  	_ =	strace s3  }
0x95: {  	s3 =	sld [smem:$0x3FFD];
	_ =	sdelay $0x3  }
0x96: {  	_ =	strace s3  }
0x97: {  	_ =	strace $0x8FFFFFFF  }
0x98: {  	s19 =	sld [smem:$0x3FDB];
	_ =	sdelay $0x1  }
0x99: {  	s4 =	simm.s32 $_scs_section_size  }
0x9a: {  	s5 =	simm.s32 $_size__tile_overlayer_lowered;
	s6 =	simm.s32 $_tile_overlayer_lowered  }
0x9b: {  	s22 =	simm.s32 $0x1BFF;
	s21 =	sshll.u32 s6, $0x1;
	s3 =	sadd.s32 s4, s19  }
0x9c: {  	s7 =	simm.s32 $0x0;
	s20 =	sshll.u32 s5, $0x1;
	s5 =	sadd.s32 s21, s3  }
0x9d: {  	[timem:s7], [sflag:s22] =	dma.local [hbm:s5], s20  }
0x9e: {  	_ =	swait.ge [sflag:s22], s20  }
0x9f: {  	s4 =	ssub.s32 $0x0, s20;
	[sflag:s22] =	ssyncset.done $0x0  }
0xa0: {  	[sflag:s22] =	ssyncadd.s32 s4;
	_ =	sdelay $0x1  }
0xa1: {  	s23 =	simm.s32 $0x1B8B  }
0xa2: {  	_ =	swait.ge [sflag:s23], $0x1  }
0xa3: {  	[sflag:s23] =	ssyncset.done $0x0  }
0xa4: {  	s25 =	simm.s32 $0x1B8E;
	s24 =	sld [smem:$0x3FFE];
	[sflag:s23] =	ssyncadd.s32 $0xFFFFFFFF  }
0xa5: {  	s26 =	simm.s32 $execute0_lowered;
	[smem:$0x3FD2] =	sst s25  }
0xa6: {  	s5 =	sshll.u32 s26, $0x1;
	_ =	strace $0x80000049;
	[dreg:$0x1] =	wrdreg $0xFFFFFFFF  }
0xa7: {  	s28 =	simm.s32 $_size_execute0_lowered;
	s3 =	sadd.s32 s3, s5;
	[dreg:$0x0] =	wrdreg $0x0  }
0xa8: {  	s5 =	sshll.u32 s28, $0x1;
	[dreg:$0x2] =	wrdreg s3  }
0xa9: {  	[dreg:$0x3] =	wrdreg s5  }
0xaa: {  	[dreg:$0x4] =	wrdreg $0xC0  }
0xab: {  	_ =	task [dreg:s7], $0x5FFFF  }
0xac: {  	[dreg:$0x1] =	wrdreg $0xFFFFFFFF  }
0xad: {  	[dreg:$0x0] =	wrdreg $0x60  }
0xae: {  	[dreg:$0x2] =	wrdreg s24  }
0xaf: {  	[dreg:$0x3] =	wrdreg s2  }
0xb0: {  	[dreg:$0x4] =	wrdreg $0x0  }
0xb1: {  	[dreg:$0x5] =	wrdreg $0x9  }
0xb2: {  	_ =	task.clear_ibuf [dreg:s7], $0x6FFFF;
	_ =	strace $0x90000049  }
0xb3: {  	s29 =	simm.s32 $0x9;
	_ =	strace $0x8000004B  }
0xb4: {  	_ =	swait.ge [sflag:s29], $0x1  }
0xb5: {  	[sflag:s29] =	ssyncadd.s32 $0xFFFFFFFF  }
0xb6: {  	_ =	strace $0x9000004B  }
0xb7: {  	_ =	sfence  }
0xb8: {  	s30 =	sld [smem:$0x0];
	_ =	sdelay $0x2  }
0xb9: {  	s31 =	sshll.u32 s1, $0xD;
	s1 =	sshrl.u32 s1, $0x2  }
0xba: {  	s3 =	sand.u32 $0x4000, s31;
	s1 =	sadd.s32 s1, s30  }
0xbb: {  	s0 =	sor.u32 s3, s0;
	s1 =	sshll.u32 s1, $0x11  }
0xbc: {  	s0 =	sor.u32 s1, s0  }
0xbd: {  	s0 =	sadd.s32 $0x8F2B, s0  }
0xbe: {  	[sflag:s0] =	ssyncadd.remote.s32 $0x1  }
0xbf: {  	_ =	sfence.sel $0xFFFF  }
0xc0: {  	[dreg:$0x0] =	wrdreg $0xFFFFFFFF;
	(pc) =	sbr.abs _section_cstart, $3  }
0xc1: {  	[dreg:$0x1] =	wrdreg $0xFFFFFFFF  }
0xc2: {  	_ =	task.clear_ibuf [dreg:s7], $0x2FFFF;
	_ =	strace $0x9FFFFFFF  }
0xc3: {  	(tm) =	ssettm $0x7FFFFFFF  }
tec
execute0_lowered:
.L_overlay_start_1:
0x0: {  	(tag) =	ssettag $0x1  }
0x1: {  	s6 =	rddreg [dreg:$0x0]  }
0x2: {  	s0 =	srdreg.scid;
	s7 =	rddreg [dreg:$0x1]  }
0x3: {  	s30 =	stileid.u32;
	s2 =	rddreg [dreg:$0x2];
	s3 =	simm.s32 $0x0  }
0x4: {  	s15 =	simm.s32 $0x1C000;
	s17 =	simm.s32 $0x14000;
	s18 =	simm.s32 $0x4  }
0x5: {  	s19 =	simm.s32 $0x1;
	s20 =	simm.s32 $0x80;
	s21 =	simm.s32 $0x2  }
0x6: {  	s22 =	simm.s32 $0x3;
	s23 =	simm.s32 $0x1FB80;
	s24 =	simm.s32 $0x18000  }
0x7: {  	s25 =	simm.s32 $0x0;
	s5 =	sand.u32 $0x1, s0;
	s10 =	smul.u32 $0x14000, s30  }
0x8: {  	[smem:$0x7FF] =	sst s3;
	s31 =	smul.u32 $0x50000, s30;
	s1 =	sshll.u32 s5, $0x4  }
0x9: {  	s9 =	smul.u32 $0x140000, s5;
	s5 =	ssub.s32 $0x2, s5;
	s1 =	sor.u32 s30, s1  }
0xa: {  	s4 =	sadd.s32 $0xCA00, s6;
	s12 =	sshrl.u32 s5, $0x1;
	s8 =	smul.u32 $0x2800, s1  }
0xb: {  	_ =	strace $0x8000004A;
	s9 =	sadd.s32 s10, s9;
	s12 =	ssub.s32 s5, s12  }
0xc: {  	s10 =	sshrl.u32 s31, $0x2;
	s9 =	sshrl.u32 s9, $0x3;
	s8 =	sshrl.u32 s8, $0x3  }
0xd: {  	s9 =	sadd.s32 s9, s6;
	s11 =	sadd.s32 s8, s6;
	s6 =	sadd.s32 s7, s8  }
0xe: {  	s7 =	sadd.s32 s10, s2;
	s9 =	sadd.s32 $0x34A00, s9;
	s10 =	smax.u32 s12, $0x1  }
0xf: {  	s5 =	sadd.s32 $0x2A00, s11;
	s8 =	sadd.s32 $0x280, s6;
	s11 =	sadd.s32 $0x4000, s7  }
0x10: {  	v0 =	vimm.f32 $0.0e+00;
	s12 =	sadd.s32 $0x8000, s7;
	s13 =	sadd.s32 $0xC000, s7;
	s14 =	sadd.s32 $0x10000, s7  }
.LBB2_1:
0x11: {  	[tilespmem:s15], [sflag:$0x1] =	stream.linear.gather [hbm4b:s5+s3], $0x2800, $0x38;
	[tilespmem:$0x1FC00] =	vst v63  }
0x12: {  	s0 =	simm.s32 $0x1E800;
	s26 =	simm.s32 $0x0;
	s28 =	simm.s32 $0x200  }
0x13: {  	[tilespmem:s0], [sflag:$0x1] =	stream.linear.gather [hbm4b:s6+s3], $0x1400, $0x38;
	[tilespmem:$0x1FC00] =	vst v63  }
.LBB2_2:
0x14: {  	p0 =	sne.s32 s28, $0xFE00;
	[tilespmem:s26+$0x14070] =	vst v0  }
0x15: {  	[tilespmem:s26+$0x14000] =	vst v0  }
0x16: {  	[tilespmem:s26+$0x14010] =	vst v0  }
.Ltmp0:
0x17: {  	[tilespmem:s26+$0x14020] =	vst v0;
	(pc) =	sbr.rel @p0 .LBB2_2-.Ltmp0, $4  }
0x18: {  	[tilespmem:s26+$0x14030] =	vst v0  }
0x19: {  	[tilespmem:s26+$0x14040] =	vst v0  }
0x1a: {  	[tilespmem:s26+$0x14050] =	vst v0  }
0x1b: {  	[tilespmem:s26+$0x14060] =	vst v0;
	s26 =	sshra.s32 s28, $0x2;
	s28 =	sadd.s32 $0x200, s28  }
0x1c: {  	[tilespmem:s26+$0x14070] =	vst v0  }
0x1d: {  	[tilespmem:s26+$0x14000] =	vst v0  }
0x1e: {  	[tilespmem:s26+$0x14010] =	vst v0  }
0x1f: {  	[tilespmem:s26+$0x14020] =	vst v0  }
0x20: {  	[tilespmem:s26+$0x14030] =	vst v0  }
0x21: {  	[tilespmem:s26+$0x14040] =	vst v0  }
0x22: {  	[tilespmem:s26+$0x14050] =	vst v0  }
0x23: {  	[tilespmem:s26+$0x14060] =	vst v0  }
0x24: {  	[spmem:s7] =	stream.linear.scatter [tilespmem:s17], [sflag:$0x4], $0x4000, $0x38;
	[tilespmem:$0x1FC00] =	vst v63  }
0x25: {  	_ =	swait.ge [sflag:s18], $0x4000  }
0x26: {  	[sflag:s18] =	ssyncset.done $0x0  }
0x27: {  	[sflag:s18] =	ssyncadd.s32 $0xFFFFC000  }
0x28: {  	[spmem:s11] =	stream.linear.scatter [tilespmem:s17], [sflag:$0x4], $0x4000, $0x38;
	[tilespmem:$0x1FC00] =	vst v63  }
0x29: {  	_ =	swait.ge [sflag:s18], $0x4000  }
0x2a: {  	[sflag:s18] =	ssyncset.done $0x0  }
0x2b: {  	[sflag:s18] =	ssyncadd.s32 $0xFFFFC000  }
0x2c: {  	[spmem:s12] =	stream.linear.scatter [tilespmem:s17], [sflag:$0x4], $0x4000, $0x38;
	[tilespmem:$0x1FC00] =	vst v63  }
0x2d: {  	_ =	swait.ge [sflag:s18], $0x4000  }
0x2e: {  	[sflag:s18] =	ssyncset.done $0x0  }
0x2f: {  	[sflag:s18] =	ssyncadd.s32 $0xFFFFC000  }
0x30: {  	[spmem:s13] =	stream.linear.scatter [tilespmem:s17], [sflag:$0x4], $0x4000, $0x38;
	[tilespmem:$0x1FC00] =	vst v63  }
0x31: {  	_ =	swait.ge [sflag:s18], $0x4000  }
0x32: {  	[sflag:s18] =	ssyncset.done $0x0  }
0x33: {  	[sflag:s18] =	ssyncadd.s32 $0xFFFFC000  }
0x34: {  	[spmem:s14] =	stream.linear.scatter [tilespmem:s17], [sflag:$0x4], $0x4000, $0x38;
	[tilespmem:$0x1FC00] =	vst v63  }
0x35: {  	_ =	swait.ge [sflag:s18], $0x4000  }
0x36: {  	[sflag:s18] =	ssyncset.done $0x0  }
0x37: {  	[sflag:s18] =	ssyncadd.s32 $0xFFFFC000  }
0x38: {  	_ =	swait.ge [sflag:s19], $0x2800  }
0x39: {  	[sflag:s19] =	ssyncset.done $0x0  }
0x3a: {  	[sflag:s19] =	ssyncadd.s32 $0xFFFFD800  }
0x3b: {  	_ =	swait.ge [sflag:s19], $0x1400  }
0x3c: {  	[sflag:s19] =	ssyncset.done $0x0  }
0x3d: {  	[sflag:s19] =	ssyncadd.s32 $0xFFFFEC00  }
0x3e: {  	s1 =	simm.s32 $0x0;
	[bflag:$0x0] =	sbarrier.arrive $0xFFFF  }
0x3f: {  	[tilespmem:s17], [sflag:$0x2] =	stream.indirect.gather [hbm4b:s4+s20], $0x80, s15, s20, $0xb8;
	[tilespmem:$0x1FC00] =	vst v63  }
0x40: {  	s26 =	sand.u32 $0x4000, s1;
	_ =	swait.ge [sflag:s21], $0x4000  }
0x41: {  	s28 =	sxor.u32 $0x4000, s26;
	[sflag:s21] =	ssyncset.done $0x0  }
0x42: {  	s29 =	simm.s32 $0x1C080;
	s28 =	sadd.s32 $0x14000, s28;
	[sflag:s21] =	ssyncadd.s32 $0xFFFFC000  }
0x43: {  	[tilespmem:s28], [sflag:$0x2] =	stream.indirect.gather [hbm4b:s4+s20], $0x80, s29, s20, $0xb8;
	[tilespmem:$0x1FC00] =	vst v63  }
0x44: {  	s26 =	sadd.s32 $0x14000, s26;
	s28 =	simm.s32 $0x1E800  }
0x45: {  	[spmem:s2] =	stream.indirect.scatter.add.f32 [tilespmem:s26], [sflag:$0x3], $0x80, s28, s20, $0xb8;
	[tilespmem:$0x1FC00] =	vst v63  }
0x46: {  	_ =	swait.ge [sflag:s22], $0x4000  }
0x47: {  	s16 =	simm.s32 $0x4000;
	[sflag:s22] =	ssyncset.done $0x0  }
0x48: {  	s29 =	sand.u32 $0x4000, s16;
	[sflag:s22] =	ssyncadd.s32 $0xFFFFC000  }
0x49: {  	s30 =	simm.s32 $0x2;
	s31 =	sxor.u32 $0x4000, s29;
	_ =	swait.ge [sflag:s21], $0x4000  }
0x4a: {  	s26 =	simm.s32 $0x1C100;
	s28 =	simm.s32 $0x1E880;
	[sflag:s21] =	ssyncset.done $0x0  }
.LBB2_4:
0x4b: {  	s31 =	sadd.s32 $0x14000, s31  }
0x4c: {  	[sflag:s21] =	ssyncadd.s32 $0xFFFFC000;
	s1 =	smov.u32 s30;
	s0 =	sadd.s32 $0x1, s30  }
0x4d: {  	[tilespmem:s31], [sflag:$0x2] =	stream.indirect.gather [hbm4b:s4+s20], $0x80, s26, s20, $0xb8;
	[tilespmem:$0x1FC00] =	vst v63  }
0x4e: {  	p0 =	sne.s32 s30, $0x27;
	s29 =	sadd.s32 $0x14000, s29  }
0x4f: {  	[spmem:s2] =	stream.indirect.scatter.add.f32 [tilespmem:s29], [sflag:$0x3], $0x80, s28, s20, $0xb8;
	[tilespmem:$0x1FC00] =	vst v63  }
.Ltmp1:
0x50: {  	_ =	swait.ge [sflag:s22], $0x4000;
	(pc) =	sbr.rel @p0 .LBB2_4-.Ltmp1, $4  }
0x51: {  	[sflag:s22] =	ssyncset.done $0x0  }
0x52: {  	s1 =	sshll.u32 s1, $0xE;
	s26 =	sadd.s32 $0x80, s26;
	[sflag:s22] =	ssyncadd.s32 $0xFFFFC000  }
0x53: {  	s30 =	smov.u32 s0;
	s29 =	sand.u32 $0x4000, s1;
	_ =	swait.ge [sflag:s21], $0x4000  }
0x54: {  	s28 =	sadd.s32 $0x80, s28;
	s31 =	sxor.u32 $0x4000, s29;
	[sflag:s21] =	ssyncset.done $0x0  }
0x55: {  	s0 =	sadd.s32 $0x14000, s31;
	[sflag:s21] =	ssyncadd.s32 $0xFFFFC000  }
0x56: {  	[tilespmem:s0], [sflag:$0x2] =	stream.indirect.gather [hbm4b:s4+s20], $0x80, s26, s20, $0xb8;
	[tilespmem:$0x1FC00] =	vst v63  }
0x57: {  	s1 =	sadd.s32 $0x14000, s29  }
0x58: {  	[spmem:s2] =	stream.indirect.scatter.add.f32 [tilespmem:s1], [sflag:$0x3], $0x80, s28, s20, $0xb8;
	[tilespmem:$0x1FC00] =	vst v63  }
0x59: {  	_ =	swait.ge [sflag:s22], $0x4000  }
0x5a: {  	[sflag:s22] =	ssyncset.done $0x0  }
0x5b: {  	[sflag:s22] =	ssyncadd.s32 $0xFFFFC000  }
0x5c: {  	_ =	swait.ge [sflag:s21], $0x4000  }
0x5d: {  	s16 =	simm.s32 $0x0;
	[sflag:s21] =	ssyncset.done $0x0  }
0x5e: {  	s26 =	simm.s32 $0x0;
	s1 =	simm.s32 $0x1E800;
	[sflag:s21] =	ssyncadd.s32 $0xFFFFC000  }
0x5f: {  	[tilespmem:s1], [sflag:$0x4] =	stream.linear.gather [hbm4b:s8+s16], $0x1400, $0x38;
	[tilespmem:$0x1FC00] =	vst v63  }
0x60: {  	s0 =	sand.u32 $0x4000, s26;
	_ =	swait.ge [sflag:s18], $0x1400  }
0x61: {  	s16 =	sxor.u32 $0x4000, s0;
	[sflag:s18] =	ssyncset.done $0x0  }
0x62: {  	s28 =	simm.s32 $0x1D480;
	s26 =	sadd.s32 $0x14000, s16;
	[sflag:s18] =	ssyncadd.s32 $0xFFFFEC00  }
0x63: {  	[tilespmem:s26], [sflag:$0x2] =	stream.indirect.gather [hbm4b:s4+s20], $0x80, s28, s20, $0xb8;
	[tilespmem:$0x1FC00] =	vst v63  }
0x64: {  	s0 =	sadd.s32 $0x14000, s0  }
0x65: {  	[spmem:s2] =	stream.indirect.scatter.add.f32 [tilespmem:s0], [sflag:$0x3], $0x80, s1, s20, $0xb8;
	[tilespmem:$0x1FC00] =	vst v63  }
0x66: {  	_ =	swait.ge [sflag:s22], $0x4000  }
0x67: {  	[sflag:s22] =	ssyncset.done $0x0  }
0x68: {  	s30 =	simm.s32 $0x2;
	s26 =	simm.s32 $0x4000;
	[sflag:s22] =	ssyncadd.s32 $0xFFFFC000  }
0x69: {  	s28 =	simm.s32 $0x1E880;
	s29 =	sand.u32 $0x4000, s26;
	_ =	swait.ge [sflag:s21], $0x4000  }
0x6a: {  	s26 =	simm.s32 $0x1D500;
	s31 =	sxor.u32 $0x4000, s29;
	[sflag:s21] =	ssyncset.done $0x0  }
.LBB2_6:
0x6b: {  	s0 =	sadd.s32 $0x14000, s31  }
0x6c: {  	[sflag:s21] =	ssyncadd.s32 $0xFFFFC000;
	s1 =	smov.u32 s30;
	s16 =	sadd.s32 $0x1, s30  }
0x6d: {  	[tilespmem:s0], [sflag:$0x2] =	stream.indirect.gather [hbm4b:s4+s20], $0x80, s26, s20, $0xb8;
	[tilespmem:$0x1FC00] =	vst v63  }
0x6e: {  	p0 =	sne.s32 s30, $0x26;
	s0 =	sadd.s32 $0x14000, s29  }
0x6f: {  	[spmem:s2] =	stream.indirect.scatter.add.f32 [tilespmem:s0], [sflag:$0x3], $0x80, s28, s20, $0xb8;
	[tilespmem:$0x1FC00] =	vst v63  }
.Ltmp2:
0x70: {  	_ =	swait.ge [sflag:s22], $0x4000;
	(pc) =	sbr.rel @p0 .LBB2_6-.Ltmp2, $4  }
0x71: {  	[sflag:s22] =	ssyncset.done $0x0  }
0x72: {  	s26 =	sadd.s32 $0x80, s26;
	s0 =	sshll.u32 s1, $0xE;
	[sflag:s22] =	ssyncadd.s32 $0xFFFFC000  }
0x73: {  	s30 =	smov.u32 s16;
	s29 =	sand.u32 $0x4000, s0;
	_ =	swait.ge [sflag:s21], $0x4000  }
0x74: {  	s28 =	sadd.s32 $0x80, s28;
	s31 =	sxor.u32 $0x4000, s29;
	[sflag:s21] =	ssyncset.done $0x0  }
0x75: {  	s0 =	sadd.s32 $0x14000, s31;
	[sflag:s21] =	ssyncadd.s32 $0xFFFFC000  }
0x76: {  	[tilespmem:s0], [sflag:$0x2] =	stream.indirect.gather [hbm4b:s4+s20], $0x80, s26, s20, $0xb8;
	[tilespmem:$0x1FC00] =	vst v63  }
0x77: {  	s30 =	sadd.s32 $0x14000, s29  }
0x78: {  	[spmem:s2] =	stream.indirect.scatter.add.f32 [tilespmem:s30], [sflag:$0x3], $0x80, s28, s20, $0xb8;
	[tilespmem:$0x1FC00] =	vst v63  }
0x79: {  	_ =	swait.ge [sflag:s22], $0x4000  }
0x7a: {  	[sflag:s22] =	ssyncset.done $0x0  }
0x7b: {  	[sflag:s22] =	ssyncadd.s32 $0xFFFFC000  }
0x7c: {  	_ =	swait.ge [sflag:s21], $0x4000  }
0x7d: {  	[sflag:s21] =	ssyncset.done $0x0  }
0x7e: {  	[sflag:s21] =	ssyncadd.s32 $0xFFFFC000  }
0x7f: {  	[spmem:s2] =	stream.indirect.scatter.add.f32 [tilespmem:s24], [sflag:$0x3], $0x80, s23, s20, $0xb8;
	[tilespmem:$0x1FC00] =	vst v63  }
0x80: {  	s31 =	stileid.u32;
	_ =	swait.ge [sflag:s22], $0x4000  }
0x81: {  	s1 =	sshrl.u32 s7, $0x3;
	s25 =	sadd.s32 $0x1, s25;
	[sflag:s22] =	ssyncset.done $0x0  }
0x82: {  	s0 =	sshll.u32 s31, $0x6;
	p0 =	sne.s32 s25, s10;
	[sflag:s22] =	ssyncadd.s32 $0xFFFFC000  }
.Ltmp3:
0x83: {  	s0 =	sor.u32 $0x1C04, s0;
	[bflag:$0x0] =	sbarrier.arrive $0xFFFF;
	(pc) =	sbr.rel @p0 .LBB2_1-.Ltmp3, $4  }
0x84: {  	[hbm:s9], [sflag:s0] =	dma.local [spmem:s1], $0x2800  }
0x85: {  	_ =	swait.ge [sflag:s18], $0x2800  }
0x86: {  	[sflag:s18] =	ssyncset.done $0x0  }
0x87: {  	[sflag:s18] =	ssyncadd.s32 $0xFFFFD800  }
0x88: {  	_ =	sfence.sel $0x180000  }
0x89: {  	[bflag:$0x0] =	sbarrier.arrive $0xFFFF  }
0x8a: {  	_ =	strace $0x9000004A  }
0x8b: {  	s0 =	stileid.u32;
	[bflag:$0x2] =	sbarrier.arrive $0xFFFF  }
0x8c: {  	p0 =	sne.s32 s0, $0x0;
	s0 =	rddreg [dreg:$0x3]  }
0x8d: {  	s0 =	sadd.s32 @!p0 $0x100000, s0  }
0x8e: {  	[sflag:s0] =	ssyncadd.tile.s32 @!p0 $0x1;
	_ =	shalt  }
.Lfunc_end2:
_tile_overlayer_lowered:
.L_overlay_start_2:
0x8f: {  	(tag) =	ssettag $0x2  }
0x90: {  	s0 =	rddreg [dreg:$0x0];
	s2 =	stileid.u32  }
0x91: {  	s1 =	rddreg [dreg:$0x1];
	p0 =	sne.s32 s2, $0x0  }
0x92: {  	s3 =	rddreg [dreg:$0x2];
	[bflag:$0x3] =	sbarrier.arrive $0xFFFF;
	s2 =	simm.s32 @!p0 $0x1C04  }
0x93: {  	[timem:s3], [sflag:s2] =	dma.local @!p0 [hbm:s0], s1  }
0x94: {  	s0 =	simm.s32 @!p0 $0x4  }
0x95: {  	_ =	swait.ge @!p0 [sflag:s0], s1  }
0x96: {  	s1 =	ssub.s32 @!p0 $0x0, s1;
	[sflag:s0] =	ssyncset.done @!p0 $0x0  }
0x97: {  	[sflag:s0] =	ssyncadd.s32 @!p0 s1  }
0x98: {  	[bflag:$0x3] =	sbarrier.arrive $0xFFFF  }
0x99: {  	_ =	shalt  }

// kernel: kernel.14.cloned.1.call-start
scs
__scs_entry_jumppad:
0x0: {  	(pc) =	sbr.rel $0x88, $3  }
0x1: {  	(tag) =	ssettag $0x0;
	lr =	simm.s32 $0x1  }
0x2: {  	[smem:$0x3F99] =	sst lr;
	_ =	strace $0xD0000000  }
0x3: {  	_ = 	snop  }
0x4: {  	_ = 	snop  }
0x5: {  	_ = 	snop  }
0x6: {  	_ = 	snop  }
0x7: {  	_ = 	snop  }
__scs_overlays_trampoline_lowered:
0x8: {  	[smem:$0x3FA8] =	sst s0  }
0x9: {  	[smem:$0x3FA9] =	sst s1  }
0xa: {  	[smem:$0x3FAA] =	sst s2  }
0xb: {  	[smem:$0x3FAB] =	sst s3  }
0xc: {  	[smem:$0x3FAC] =	sst s4  }
0xd: {  	[smem:$0x3FAD] =	sst s5  }
0xe: {  	[smem:$0x3FAE] =	sst s6  }
0xf: {  	[smem:$0x3FAF] =	sst s7  }
0x10: {  	[smem:$0x3FB0] =	sst s8  }
0x11: {  	[smem:$0x3FB1] =	sst s9;
	s0 =	simm.s32 @!p0 $0x0  }
0x12: {  	s1 =	sld [smem:$0x3F97];
	s0 =	simm.s32 @p0 $0x1  }
0x13: {  	[smem:$0x3FB2] =	sst s0;
	s0 =	simm.s32 @!p1 $0x0  }
0x14: {  	s2 =	sld [smem:$0x3F96];
	s0 =	simm.s32 @p1 $0x1  }
0x15: {  	[smem:$0x3FB3] =	sst s0;
	s0 =	simm.s32 @!p2 $0x0  }
0x16: {  	s3 =	sld [smem:$0x3FDB];
	s0 =	simm.s32 @p2 $0x1  }
0x17: {  	s4 =	simm.s32 $0x1BF5;
	[smem:$0x3FB5] =	sst s0  }
0x18: {  	s0 =	sld [smem:$0x3F98];
	_ =	swait.ge [sflag:s4], $0x0  }
0x19: {  	s7 =	sld [smem:$0x3F99]  }
0x1a: {  	s8 =	sadd.s32 $0xFFFFE003, lr  }
0x1b: {  	s9 =	sadd.s32 $0xFFFFFEF7, lr;
	s5 =	simm.s32 $0xFFFFFFFF;
	p2 =	slt.u32 s8, $0xFFFFF086  }
0x1c: {  	p1 =	slt.u32 s9, $0xF7A;
	s5 =	simm.s32 @!p2 $0x0  }
0x1d: {  	s5 =	simm.s32 @p1 $0x1;
	p0 =	seq.s32 s7, s2  }
0x1e: {  	s7 =	smul.u32 @!p0 $0xF7A, s2;
	p2 =	seq.s32 @!p0 s5, $0x0  }
0x1f: {  	s9 =	smul.u32 $0xF7A, s1;
	s8 =	simm.s32 @!p0 $0x1BF5;
	p2 =	por !p2, p0  }
0x20: {  	[sflag:s8] =	ssyncset.s32 @!p0 $0xFFFFF086;
	s6 =	sadd.s32 @!p0 s3, s7;
	s7 =	simm.s32 @!p0 $0x108  }
0x21: {  	s3 =	sadd.s32 s3, s9;
	s6 =	sadd.s32 @!p0 $0x88, s6;
	s7 =	simm.s32 @p2 $0x1082  }
0x22: {  	[simem:s7], [sflag:s8] =	dma.local @!p0 [hbm:s6], $0xF7A  }
0x23: {  	s9 =	sor.u32 $0xD0000000, s2;
	s6 =	simm.s32 $0x108;
	_ =	swait.ge @!p0 [sflag:s8], $0x0  }
0x24: {  	s3 =	sadd.s32 $0x88, s3;
	s6 =	simm.s32 @!p1 $0x1082;
	[sflag:s4] =	ssyncset.s32 $0xFFFFF086  }
0x25: {  	[simem:s6], [sflag:s4] =	dma.local [hbm:s3], $0xF7A  }
0x26: {  	[smem:$0x3F99] =	sst s1;
	(tag) =	ssettag s2;
	_ =	strace s9  }
0x27: {  	s1 =	sld [smem:$0x3FA9]  }
0x28: {  	s2 =	sld [smem:$0x3FAA]  }
0x29: {  	s4 =	sld [smem:$0x3FAC]  }
0x2a: {  	p0 =	seq.s32 s5, $0x0;
	s5 =	sld [smem:$0x3FAD]  }
0x2b: {  	s6 =	sld [smem:$0x3FAE]  }
0x2c: {  	s7 =	sld [smem:$0x3FAF]  }
0x2d: {  	s3 =	simm.s32 $0x108;
	s8 =	sld [smem:$0x3FB0]  }
0x2e: {  	s3 =	simm.s32 @!p0 $0x1082;
	s9 =	sld [smem:$0x3FB1]  }
0x2f: {  	lr =	sadd.s32 s0, s3;
	s0 =	sld [smem:$0x3FA8]  }
0x30: {  	s3 =	sld [smem:$0x3FAB]  }
0x31: {  	[smem:$0x3FB4] =	sst s10  }
0x32: {  	s10 =	sld [smem:$0x3FB2];
	_ =	sdelay $0x3  }
0x33: {  	p0 =	seq.s32 s10, $0x1;
	s10 =	sld [smem:$0x3FB4];
	_ =	sdelay $0x3  }
0x34: {  	[smem:$0x3FB4] =	sst s10  }
0x35: {  	s10 =	sld [smem:$0x3FB3];
	_ =	sdelay $0x3  }
0x36: {  	p1 =	seq.s32 s10, $0x1;
	s10 =	sld [smem:$0x3FB4];
	_ =	sdelay $0x3  }
0x37: {  	[smem:$0x3FB4] =	sst s10  }
0x38: {  	s10 =	sld [smem:$0x3FB5]  }
0x39: {  	_ = 	snop;
	(pc) =	sbr.ind lr, $3  }
0x3a: {  	_ = 	snop  }
0x3b: {  	_ = 	snop  }
0x3c: {  	p2 =	seq.s32 s10, $0x1;
	s10 =	sld [smem:$0x3FB4]  }
0x3d: {  	_ =	shalt  }
0x3e: {  	_ =	shalt  }
0x3f: {  	_ =	shalt  }
0x40: {  	_ =	shalt  }
0x41: {  	_ =	shalt  }
0x42: {  	_ =	shalt  }
0x43: {  	_ =	shalt  }
0x44: {  	_ =	shalt  }
0x45: {  	_ =	shalt  }
0x46: {  	_ =	shalt  }
0x47: {  	_ =	shalt  }
0x48: {  	_ =	shalt  }
0x49: {  	_ =	shalt  }
0x4a: {  	_ =	shalt  }
0x4b: {  	_ =	shalt  }
0x4c: {  	_ =	shalt  }
0x4d: {  	_ =	shalt  }
0x4e: {  	_ =	shalt  }
0x4f: {  	_ =	shalt  }
0x50: {  	_ =	shalt  }
0x51: {  	_ =	shalt  }
0x52: {  	_ =	shalt  }
0x53: {  	_ =	shalt  }
0x54: {  	_ =	shalt  }
0x55: {  	_ =	shalt  }
0x56: {  	_ =	shalt  }
0x57: {  	_ =	shalt  }
0x58: {  	_ =	shalt  }
0x59: {  	_ =	shalt  }
0x5a: {  	_ =	shalt  }
0x5b: {  	_ =	shalt  }
0x5c: {  	_ =	shalt  }
0x5d: {  	_ =	shalt  }
0x5e: {  	_ =	shalt  }
0x5f: {  	_ =	shalt  }
0x60: {  	_ =	shalt  }
0x61: {  	_ =	shalt  }
0x62: {  	_ =	shalt  }
0x63: {  	_ =	shalt  }
0x64: {  	_ =	shalt  }
0x65: {  	_ =	shalt  }
0x66: {  	_ =	shalt  }
0x67: {  	_ =	shalt  }
0x68: {  	_ =	shalt  }
0x69: {  	_ =	shalt  }
0x6a: {  	_ =	shalt  }
0x6b: {  	_ =	shalt  }
0x6c: {  	_ =	shalt  }
0x6d: {  	_ =	shalt  }
0x6e: {  	_ =	shalt  }
0x6f: {  	_ =	shalt  }
0x70: {  	_ =	shalt  }
0x71: {  	_ =	shalt  }
0x72: {  	_ =	shalt  }
0x73: {  	_ =	shalt  }
0x74: {  	_ =	shalt  }
0x75: {  	_ =	shalt  }
0x76: {  	_ =	shalt  }
0x77: {  	_ =	shalt  }
0x78: {  	_ =	shalt  }
0x79: {  	_ =	shalt  }
0x7a: {  	_ =	shalt  }
0x7b: {  	_ =	shalt  }
0x7c: {  	_ =	shalt  }
0x7d: {  	_ =	shalt  }
0x7e: {  	_ =	shalt  }
0x7f: {  	_ =	shalt  }
0x80: {  	_ =	shalt  }
0x81: {  	_ =	shalt  }
0x82: {  	_ =	shalt  }
0x83: {  	_ =	shalt  }
0x84: {  	_ =	shalt  }
0x85: {  	_ =	shalt  }
0x86: {  	_ =	shalt  }
0x87: {  	_ =	shalt  }
.Lfunc_end0:
.L_simem_size_0:
called_computation.2_lowered:
.L_overlay_start_0:
0x88: {  	s2 =	sld [smem:$0x3FD9]  }
0x89: {  	s3 =	sld [smem:$0x3FFE];
	_ =	sdelay $0x1  }
0x8a: {  	s1 =	srdreg.scid  }
0x8b: {  	s0 =	sand.u32 $0x1, s1  }
0x8c: {  	s17 =	sshll.u32 s0, $0xA;
	s2 =	sadd.s32 s3, s2  }
0x8d: {  	s2 =	sadd.s32 s2, s17  }
0x8e: {  	[smem:$0x3FC0] =	sst s2  }
0x8f: {  	_ = 	snop  }
0x90: {  	s2 =	sld [smem:$0x3FD0];
	(tm) =	ssettm $0x1  }
0x91: {  	s18 =	sld [smem:$0x3FFB];
	_ =	sdelay $0x3  }
0x92: {  	_ =	strace s18  }
0x93: {  	s3 =	sld [smem:$0x3FFC];
	_ =	sdelay $0x3  }
0x94: {  	_ =	strace s3  }
0x95: {  	s3 =	sld [smem:$0x3FFD];
	_ =	sdelay $0x3  }
0x96: {  	_ =	strace s3  }
0x97: {  	_ =	strace $0x8FFFFFFF  }
0x98: {  	s19 =	sld [smem:$0x3FDB];
	_ =	sdelay $0x1  }
0x99: {  	s4 =	simm.s32 $_scs_section_size  }
0x9a: {  	s5 =	simm.s32 $_size__tile_overlayer_lowered;
	s6 =	simm.s32 $_tile_overlayer_lowered  }
0x9b: {  	s22 =	simm.s32 $0x1BFF;
	s21 =	sshll.u32 s6, $0x1;
	s3 =	sadd.s32 s4, s19  }
0x9c: {  	s7 =	simm.s32 $0x0;
	s20 =	sshll.u32 s5, $0x1;
	s5 =	sadd.s32 s21, s3  }
0x9d: {  	[timem:s7], [sflag:s22] =	dma.local [hbm:s5], s20  }
0x9e: {  	_ =	swait.ge [sflag:s22], s20  }
0x9f: {  	s4 =	ssub.s32 $0x0, s20;
	[sflag:s22] =	ssyncset.done $0x0  }
0xa0: {  	[sflag:s22] =	ssyncadd.s32 s4;
	_ =	sdelay $0x1  }
0xa1: {  	s23 =	simm.s32 $0x1B8B  }
0xa2: {  	_ =	swait.ge [sflag:s23], $0x1  }
0xa3: {  	[sflag:s23] =	ssyncset.done $0x0  }
0xa4: {  	s25 =	simm.s32 $0x1B8E;
	s24 =	sld [smem:$0x3FFE];
	[sflag:s23] =	ssyncadd.s32 $0xFFFFFFFF  }
0xa5: {  	s26 =	simm.s32 $execute0_lowered;
	[smem:$0x3FD2] =	sst s25  }
0xa6: {  	s5 =	sshll.u32 s26, $0x1;
	_ =	strace $0x8000004C;
	[dreg:$0x1] =	wrdreg $0xFFFFFFFF  }
0xa7: {  	s28 =	simm.s32 $_size_execute0_lowered;
	s3 =	sadd.s32 s3, s5;
	[dreg:$0x0] =	wrdreg $0x0  }
0xa8: {  	s5 =	sshll.u32 s28, $0x1;
	[dreg:$0x2] =	wrdreg s3  }
0xa9: {  	[dreg:$0x3] =	wrdreg s5  }
0xaa: {  	[dreg:$0x4] =	wrdreg $0xC0  }
0xab: {  	_ =	task [dreg:s7], $0x5FFFF  }
0xac: {  	[dreg:$0x1] =	wrdreg $0xFFFFFFFF  }
0xad: {  	[dreg:$0x0] =	wrdreg $0x60  }
0xae: {  	[dreg:$0x2] =	wrdreg s24  }
0xaf: {  	[dreg:$0x3] =	wrdreg s2  }
0xb0: {  	[dreg:$0x4] =	wrdreg $0x0  }
0xb1: {  	[dreg:$0x5] =	wrdreg $0x9  }
0xb2: {  	_ =	task.clear_ibuf [dreg:s7], $0x6FFFF;
	_ =	strace $0x9000004C  }
0xb3: {  	s29 =	simm.s32 $0x9;
	_ =	strace $0x8000004E  }
0xb4: {  	_ =	swait.ge [sflag:s29], $0x1  }
0xb5: {  	[sflag:s29] =	ssyncadd.s32 $0xFFFFFFFF  }
0xb6: {  	_ =	strace $0x9000004E  }
0xb7: {  	_ =	sfence  }
0xb8: {  	s30 =	sld [smem:$0x0];
	_ =	sdelay $0x2  }
0xb9: {  	s31 =	sshll.u32 s1, $0xD;
	s1 =	sshrl.u32 s1, $0x2  }
0xba: {  	s3 =	sand.u32 $0x4000, s31;
	s1 =	sadd.s32 s1, s30  }
0xbb: {  	s0 =	sor.u32 s3, s0;
	s1 =	sshll.u32 s1, $0x11  }
0xbc: {  	s0 =	sor.u32 s1, s0  }
0xbd: {  	s0 =	sadd.s32 $0x8F2B, s0  }
0xbe: {  	[sflag:s0] =	ssyncadd.remote.s32 $0x1  }
0xbf: {  	_ =	sfence.sel $0xFFFF  }
0xc0: {  	[dreg:$0x0] =	wrdreg $0xFFFFFFFF;
	(pc) =	sbr.abs _section_cstart, $3  }
0xc1: {  	[dreg:$0x1] =	wrdreg $0xFFFFFFFF  }
0xc2: {  	_ =	task.clear_ibuf [dreg:s7], $0x2FFFF;
	_ =	strace $0x9FFFFFFF  }
0xc3: {  	(tm) =	ssettm $0x7FFFFFFF  }
tec
execute0_lowered:
.L_overlay_start_1:
0x0: {  	(tag) =	ssettag $0x1  }
0x1: {  	s6 =	rddreg [dreg:$0x0]  }
0x2: {  	s0 =	srdreg.scid;
	s7 =	rddreg [dreg:$0x1]  }
0x3: {  	s30 =	stileid.u32;
	s2 =	rddreg [dreg:$0x2];
	s3 =	simm.s32 $0x0  }
0x4: {  	s15 =	simm.s32 $0x1C000;
	s17 =	simm.s32 $0x14000;
	s18 =	simm.s32 $0x4  }
0x5: {  	s19 =	simm.s32 $0x1;
	s20 =	simm.s32 $0x80;
	s21 =	simm.s32 $0x2  }
0x6: {  	s22 =	simm.s32 $0x3;
	s23 =	simm.s32 $0x1FB80;
	s24 =	simm.s32 $0x18000  }
0x7: {  	s25 =	simm.s32 $0x0;
	s5 =	sand.u32 $0x1, s0;
	s10 =	smul.u32 $0x14000, s30  }
0x8: {  	[smem:$0x7FF] =	sst s3;
	s31 =	smul.u32 $0x50000, s30;
	s1 =	sshll.u32 s5, $0x4  }
0x9: {  	s9 =	smul.u32 $0x140000, s5;
	s5 =	ssub.s32 $0x2, s5;
	s1 =	sor.u32 s30, s1  }
0xa: {  	s4 =	sadd.s32 $0xCA00, s6;
	s12 =	sshrl.u32 s5, $0x1;
	s8 =	smul.u32 $0x2800, s1  }
0xb: {  	_ =	strace $0x8000004D;
	s9 =	sadd.s32 s10, s9;
	s12 =	ssub.s32 s5, s12  }
0xc: {  	s10 =	sshrl.u32 s31, $0x2;
	s9 =	sshrl.u32 s9, $0x3;
	s8 =	sshrl.u32 s8, $0x3  }
0xd: {  	s9 =	sadd.s32 s9, s6;
	s11 =	sadd.s32 s8, s6;
	s6 =	sadd.s32 s7, s8  }
0xe: {  	s7 =	sadd.s32 s10, s2;
	s9 =	sadd.s32 $0x34A00, s9;
	s10 =	smax.u32 s12, $0x1  }
0xf: {  	s5 =	sadd.s32 $0x2A00, s11;
	s8 =	sadd.s32 $0x280, s6;
	s11 =	sadd.s32 $0x4000, s7  }
0x10: {  	v0 =	vimm.f32 $0.0e+00;
	s12 =	sadd.s32 $0x8000, s7;
	s13 =	sadd.s32 $0xC000, s7;
	s14 =	sadd.s32 $0x10000, s7  }
.LBB2_1:
0x11: {  	[tilespmem:s15], [sflag:$0x1] =	stream.linear.gather [hbm4b:s5+s3], $0x2800, $0x38;
	[tilespmem:$0x1FC00] =	vst v63  }
0x12: {  	s0 =	simm.s32 $0x1E800;
	s26 =	simm.s32 $0x0;
	s28 =	simm.s32 $0x200  }
0x13: {  	[tilespmem:s0], [sflag:$0x1] =	stream.linear.gather [hbm4b:s6+s3], $0x1400, $0x38;
	[tilespmem:$0x1FC00] =	vst v63  }
.LBB2_2:
0x14: {  	p0 =	sne.s32 s28, $0xFE00;
	[tilespmem:s26+$0x14070] =	vst v0  }
0x15: {  	[tilespmem:s26+$0x14000] =	vst v0  }
0x16: {  	[tilespmem:s26+$0x14010] =	vst v0  }
.Ltmp0:
0x17: {  	[tilespmem:s26+$0x14020] =	vst v0;
	(pc) =	sbr.rel @p0 .LBB2_2-.Ltmp0, $4  }
0x18: {  	[tilespmem:s26+$0x14030] =	vst v0  }
0x19: {  	[tilespmem:s26+$0x14040] =	vst v0  }
0x1a: {  	[tilespmem:s26+$0x14050] =	vst v0  }
0x1b: {  	[tilespmem:s26+$0x14060] =	vst v0;
	s26 =	sshra.s32 s28, $0x2;
	s28 =	sadd.s32 $0x200, s28  }
0x1c: {  	[tilespmem:s26+$0x14070] =	vst v0  }
0x1d: {  	[tilespmem:s26+$0x14000] =	vst v0  }
0x1e: {  	[tilespmem:s26+$0x14010] =	vst v0  }
0x1f: {  	[tilespmem:s26+$0x14020] =	vst v0  }
0x20: {  	[tilespmem:s26+$0x14030] =	vst v0  }
0x21: {  	[tilespmem:s26+$0x14040] =	vst v0  }
0x22: {  	[tilespmem:s26+$0x14050] =	vst v0  }
0x23: {  	[tilespmem:s26+$0x14060] =	vst v0  }
0x24: {  	[spmem:s7] =	stream.linear.scatter [tilespmem:s17], [sflag:$0x4], $0x4000, $0x38;
	[tilespmem:$0x1FC00] =	vst v63  }
0x25: {  	_ =	swait.ge [sflag:s18], $0x4000  }
0x26: {  	[sflag:s18] =	ssyncset.done $0x0  }
0x27: {  	[sflag:s18] =	ssyncadd.s32 $0xFFFFC000  }
0x28: {  	[spmem:s11] =	stream.linear.scatter [tilespmem:s17], [sflag:$0x4], $0x4000, $0x38;
	[tilespmem:$0x1FC00] =	vst v63  }
0x29: {  	_ =	swait.ge [sflag:s18], $0x4000  }
0x2a: {  	[sflag:s18] =	ssyncset.done $0x0  }
0x2b: {  	[sflag:s18] =	ssyncadd.s32 $0xFFFFC000  }
0x2c: {  	[spmem:s12] =	stream.linear.scatter [tilespmem:s17], [sflag:$0x4], $0x4000, $0x38;
	[tilespmem:$0x1FC00] =	vst v63  }
0x2d: {  	_ =	swait.ge [sflag:s18], $0x4000  }
0x2e: {  	[sflag:s18] =	ssyncset.done $0x0  }
0x2f: {  	[sflag:s18] =	ssyncadd.s32 $0xFFFFC000  }
0x30: {  	[spmem:s13] =	stream.linear.scatter [tilespmem:s17], [sflag:$0x4], $0x4000, $0x38;
	[tilespmem:$0x1FC00] =	vst v63  }
0x31: {  	_ =	swait.ge [sflag:s18], $0x4000  }
0x32: {  	[sflag:s18] =	ssyncset.done $0x0  }
0x33: {  	[sflag:s18] =	ssyncadd.s32 $0xFFFFC000  }
0x34: {  	[spmem:s14] =	stream.linear.scatter [tilespmem:s17], [sflag:$0x4], $0x4000, $0x38;
	[tilespmem:$0x1FC00] =	vst v63  }
0x35: {  	_ =	swait.ge [sflag:s18], $0x4000  }
0x36: {  	[sflag:s18] =	ssyncset.done $0x0  }
0x37: {  	[sflag:s18] =	ssyncadd.s32 $0xFFFFC000  }
0x38: {  	_ =	swait.ge [sflag:s19], $0x2800  }
0x39: {  	[sflag:s19] =	ssyncset.done $0x0  }
0x3a: {  	[sflag:s19] =	ssyncadd.s32 $0xFFFFD800  }
0x3b: {  	_ =	swait.ge [sflag:s19], $0x1400  }
0x3c: {  	[sflag:s19] =	ssyncset.done $0x0  }
0x3d: {  	[sflag:s19] =	ssyncadd.s32 $0xFFFFEC00  }
0x3e: {  	s1 =	simm.s32 $0x0;
	[bflag:$0x0] =	sbarrier.arrive $0xFFFF  }
0x3f: {  	[tilespmem:s17], [sflag:$0x2] =	stream.indirect.gather [hbm4b:s4+s20], $0x80, s15, s20, $0xb8;
	[tilespmem:$0x1FC00] =	vst v63  }
0x40: {  	s26 =	sand.u32 $0x4000, s1;
	_ =	swait.ge [sflag:s21], $0x4000  }
0x41: {  	s28 =	sxor.u32 $0x4000, s26;
	[sflag:s21] =	ssyncset.done $0x0  }
0x42: {  	s29 =	simm.s32 $0x1C080;
	s28 =	sadd.s32 $0x14000, s28;
	[sflag:s21] =	ssyncadd.s32 $0xFFFFC000  }
0x43: {  	[tilespmem:s28], [sflag:$0x2] =	stream.indirect.gather [hbm4b:s4+s20], $0x80, s29, s20, $0xb8;
	[tilespmem:$0x1FC00] =	vst v63  }
0x44: {  	s26 =	sadd.s32 $0x14000, s26;
	s28 =	simm.s32 $0x1E800  }
0x45: {  	[spmem:s2] =	stream.indirect.scatter.add.f32 [tilespmem:s26], [sflag:$0x3], $0x80, s28, s20, $0xb8;
	[tilespmem:$0x1FC00] =	vst v63  }
0x46: {  	_ =	swait.ge [sflag:s22], $0x4000  }
0x47: {  	s16 =	simm.s32 $0x4000;
	[sflag:s22] =	ssyncset.done $0x0  }
0x48: {  	s29 =	sand.u32 $0x4000, s16;
	[sflag:s22] =	ssyncadd.s32 $0xFFFFC000  }
0x49: {  	s30 =	simm.s32 $0x2;
	s31 =	sxor.u32 $0x4000, s29;
	_ =	swait.ge [sflag:s21], $0x4000  }
0x4a: {  	s26 =	simm.s32 $0x1C100;
	s28 =	simm.s32 $0x1E880;
	[sflag:s21] =	ssyncset.done $0x0  }
.LBB2_4:
0x4b: {  	s31 =	sadd.s32 $0x14000, s31  }
0x4c: {  	[sflag:s21] =	ssyncadd.s32 $0xFFFFC000;
	s1 =	smov.u32 s30;
	s0 =	sadd.s32 $0x1, s30  }
0x4d: {  	[tilespmem:s31], [sflag:$0x2] =	stream.indirect.gather [hbm4b:s4+s20], $0x80, s26, s20, $0xb8;
	[tilespmem:$0x1FC00] =	vst v63  }
0x4e: {  	p0 =	sne.s32 s30, $0x27;
	s29 =	sadd.s32 $0x14000, s29  }
0x4f: {  	[spmem:s2] =	stream.indirect.scatter.add.f32 [tilespmem:s29], [sflag:$0x3], $0x80, s28, s20, $0xb8;
	[tilespmem:$0x1FC00] =	vst v63  }
.Ltmp1:
0x50: {  	_ =	swait.ge [sflag:s22], $0x4000;
	(pc) =	sbr.rel @p0 .LBB2_4-.Ltmp1, $4  }
0x51: {  	[sflag:s22] =	ssyncset.done $0x0  }
0x52: {  	s1 =	sshll.u32 s1, $0xE;
	s26 =	sadd.s32 $0x80, s26;
	[sflag:s22] =	ssyncadd.s32 $0xFFFFC000  }
0x53: {  	s30 =	smov.u32 s0;
	s29 =	sand.u32 $0x4000, s1;
	_ =	swait.ge [sflag:s21], $0x4000  }
0x54: {  	s28 =	sadd.s32 $0x80, s28;
	s31 =	sxor.u32 $0x4000, s29;
	[sflag:s21] =	ssyncset.done $0x0  }
0x55: {  	s0 =	sadd.s32 $0x14000, s31;
	[sflag:s21] =	ssyncadd.s32 $0xFFFFC000  }
0x56: {  	[tilespmem:s0], [sflag:$0x2] =	stream.indirect.gather [hbm4b:s4+s20], $0x80, s26, s20, $0xb8;
	[tilespmem:$0x1FC00] =	vst v63  }
0x57: {  	s1 =	sadd.s32 $0x14000, s29  }
0x58: {  	[spmem:s2] =	stream.indirect.scatter.add.f32 [tilespmem:s1], [sflag:$0x3], $0x80, s28, s20, $0xb8;
	[tilespmem:$0x1FC00] =	vst v63  }
0x59: {  	_ =	swait.ge [sflag:s22], $0x4000  }
0x5a: {  	[sflag:s22] =	ssyncset.done $0x0  }
0x5b: {  	[sflag:s22] =	ssyncadd.s32 $0xFFFFC000  }
0x5c: {  	_ =	swait.ge [sflag:s21], $0x4000  }
0x5d: {  	s16 =	simm.s32 $0x0;
	[sflag:s21] =	ssyncset.done $0x0  }
0x5e: {  	s26 =	simm.s32 $0x0;
	s1 =	simm.s32 $0x1E800;
	[sflag:s21] =	ssyncadd.s32 $0xFFFFC000  }
0x5f: {  	[tilespmem:s1], [sflag:$0x4] =	stream.linear.gather [hbm4b:s8+s16], $0x1400, $0x38;
	[tilespmem:$0x1FC00] =	vst v63  }
0x60: {  	s0 =	sand.u32 $0x4000, s26;
	_ =	swait.ge [sflag:s18], $0x1400  }
0x61: {  	s16 =	sxor.u32 $0x4000, s0;
	[sflag:s18] =	ssyncset.done $0x0  }
0x62: {  	s28 =	simm.s32 $0x1D480;
	s26 =	sadd.s32 $0x14000, s16;
	[sflag:s18] =	ssyncadd.s32 $0xFFFFEC00  }
0x63: {  	[tilespmem:s26], [sflag:$0x2] =	stream.indirect.gather [hbm4b:s4+s20], $0x80, s28, s20, $0xb8;
	[tilespmem:$0x1FC00] =	vst v63  }
0x64: {  	s0 =	sadd.s32 $0x14000, s0  }
0x65: {  	[spmem:s2] =	stream.indirect.scatter.add.f32 [tilespmem:s0], [sflag:$0x3], $0x80, s1, s20, $0xb8;
	[tilespmem:$0x1FC00] =	vst v63  }
0x66: {  	_ =	swait.ge [sflag:s22], $0x4000  }
0x67: {  	[sflag:s22] =	ssyncset.done $0x0  }
0x68: {  	s30 =	simm.s32 $0x2;
	s26 =	simm.s32 $0x4000;
	[sflag:s22] =	ssyncadd.s32 $0xFFFFC000  }
0x69: {  	s28 =	simm.s32 $0x1E880;
	s29 =	sand.u32 $0x4000, s26;
	_ =	swait.ge [sflag:s21], $0x4000  }
0x6a: {  	s26 =	simm.s32 $0x1D500;
	s31 =	sxor.u32 $0x4000, s29;
	[sflag:s21] =	ssyncset.done $0x0  }
.LBB2_6:
0x6b: {  	s0 =	sadd.s32 $0x14000, s31  }
0x6c: {  	[sflag:s21] =	ssyncadd.s32 $0xFFFFC000;
	s1 =	smov.u32 s30;
	s16 =	sadd.s32 $0x1, s30  }
0x6d: {  	[tilespmem:s0], [sflag:$0x2] =	stream.indirect.gather [hbm4b:s4+s20], $0x80, s26, s20, $0xb8;
	[tilespmem:$0x1FC00] =	vst v63  }
0x6e: {  	p0 =	sne.s32 s30, $0x26;
	s0 =	sadd.s32 $0x14000, s29  }
0x6f: {  	[spmem:s2] =	stream.indirect.scatter.add.f32 [tilespmem:s0], [sflag:$0x3], $0x80, s28, s20, $0xb8;
	[tilespmem:$0x1FC00] =	vst v63  }
.Ltmp2:
0x70: {  	_ =	swait.ge [sflag:s22], $0x4000;
	(pc) =	sbr.rel @p0 .LBB2_6-.Ltmp2, $4  }
0x71: {  	[sflag:s22] =	ssyncset.done $0x0  }
0x72: {  	s26 =	sadd.s32 $0x80, s26;
	s0 =	sshll.u32 s1, $0xE;
	[sflag:s22] =	ssyncadd.s32 $0xFFFFC000  }
0x73: {  	s30 =	smov.u32 s16;
	s29 =	sand.u32 $0x4000, s0;
	_ =	swait.ge [sflag:s21], $0x4000  }
0x74: {  	s28 =	sadd.s32 $0x80, s28;
	s31 =	sxor.u32 $0x4000, s29;
	[sflag:s21] =	ssyncset.done $0x0  }
0x75: {  	s0 =	sadd.s32 $0x14000, s31;
	[sflag:s21] =	ssyncadd.s32 $0xFFFFC000  }
0x76: {  	[tilespmem:s0], [sflag:$0x2] =	stream.indirect.gather [hbm4b:s4+s20], $0x80, s26, s20, $0xb8;
	[tilespmem:$0x1FC00] =	vst v63  }
0x77: {  	s30 =	sadd.s32 $0x14000, s29  }
0x78: {  	[spmem:s2] =	stream.indirect.scatter.add.f32 [tilespmem:s30], [sflag:$0x3], $0x80, s28, s20, $0xb8;
	[tilespmem:$0x1FC00] =	vst v63  }
0x79: {  	_ =	swait.ge [sflag:s22], $0x4000  }
0x7a: {  	[sflag:s22] =	ssyncset.done $0x0  }
0x7b: {  	[sflag:s22] =	ssyncadd.s32 $0xFFFFC000  }
0x7c: {  	_ =	swait.ge [sflag:s21], $0x4000  }
0x7d: {  	[sflag:s21] =	ssyncset.done $0x0  }
0x7e: {  	[sflag:s21] =	ssyncadd.s32 $0xFFFFC000  }
0x7f: {  	[spmem:s2] =	stream.indirect.scatter.add.f32 [tilespmem:s24], [sflag:$0x3], $0x80, s23, s20, $0xb8;
	[tilespmem:$0x1FC00] =	vst v63  }
0x80: {  	s31 =	stileid.u32;
	_ =	swait.ge [sflag:s22], $0x4000  }
0x81: {  	s1 =	sshrl.u32 s7, $0x3;
	s25 =	sadd.s32 $0x1, s25;
	[sflag:s22] =	ssyncset.done $0x0  }
0x82: {  	s0 =	sshll.u32 s31, $0x6;
	p0 =	sne.s32 s25, s10;
	[sflag:s22] =	ssyncadd.s32 $0xFFFFC000  }
.Ltmp3:
0x83: {  	s0 =	sor.u32 $0x1C04, s0;
	[bflag:$0x0] =	sbarrier.arrive $0xFFFF;
	(pc) =	sbr.rel @p0 .LBB2_1-.Ltmp3, $4  }
0x84: {  	[hbm:s9], [sflag:s0] =	dma.local [spmem:s1], $0x2800  }
0x85: {  	_ =	swait.ge [sflag:s18], $0x2800  }
0x86: {  	[sflag:s18] =	ssyncset.done $0x0  }
0x87: {  	[sflag:s18] =	ssyncadd.s32 $0xFFFFD800  }
0x88: {  	_ =	sfence.sel $0x180000  }
0x89: {  	[bflag:$0x0] =	sbarrier.arrive $0xFFFF  }
0x8a: {  	_ =	strace $0x9000004D  }
0x8b: {  	s0 =	stileid.u32;
	[bflag:$0x2] =	sbarrier.arrive $0xFFFF  }
0x8c: {  	p0 =	sne.s32 s0, $0x0;
	s0 =	rddreg [dreg:$0x3]  }
0x8d: {  	s0 =	sadd.s32 @!p0 $0x100000, s0  }
0x8e: {  	[sflag:s0] =	ssyncadd.tile.s32 @!p0 $0x1;
	_ =	shalt  }
.Lfunc_end2:
_tile_overlayer_lowered:
.L_overlay_start_2:
0x8f: {  	(tag) =	ssettag $0x2  }
0x90: {  	s0 =	rddreg [dreg:$0x0];
	s2 =	stileid.u32  }
0x91: {  	s1 =	rddreg [dreg:$0x1];
	p0 =	sne.s32 s2, $0x0  }
0x92: {  	s3 =	rddreg [dreg:$0x2];
	[bflag:$0x3] =	sbarrier.arrive $0xFFFF;
	s2 =	simm.s32 @!p0 $0x1C04  }
0x93: {  	[timem:s3], [sflag:s2] =	dma.local @!p0 [hbm:s0], s1  }
0x94: {  	s0 =	simm.s32 @!p0 $0x4  }
0x95: {  	_ =	swait.ge @!p0 [sflag:s0], s1  }
0x96: {  	s1 =	ssub.s32 @!p0 $0x0, s1;
	[sflag:s0] =	ssyncset.done @!p0 $0x0  }
0x97: {  	[sflag:s0] =	ssyncadd.s32 @!p0 s1  }
0x98: {  	[bflag:$0x3] =	sbarrier.arrive $0xFFFF  }
0x99: {  	_ =	shalt  }

// kernel: kernel.8.cloned.1.call-start
scs
__scs_entry_jumppad:
0x0: {  	(pc) =	sbr.rel $0x88, $3  }
0x1: {  	(tag) =	ssettag $0x0;
	lr =	simm.s32 $0x1  }
0x2: {  	[smem:$0x3F99] =	sst lr;
	_ =	strace $0xD0000000  }
0x3: {  	_ = 	snop  }
0x4: {  	_ = 	snop  }
0x5: {  	_ = 	snop  }
0x6: {  	_ = 	snop  }
0x7: {  	_ = 	snop  }
__scs_overlays_trampoline_lowered:
0x8: {  	[smem:$0x3FA8] =	sst s0  }
0x9: {  	[smem:$0x3FA9] =	sst s1  }
0xa: {  	[smem:$0x3FAA] =	sst s2  }
0xb: {  	[smem:$0x3FAB] =	sst s3  }
0xc: {  	[smem:$0x3FAC] =	sst s4  }
0xd: {  	[smem:$0x3FAD] =	sst s5  }
0xe: {  	[smem:$0x3FAE] =	sst s6  }
0xf: {  	[smem:$0x3FAF] =	sst s7  }
0x10: {  	[smem:$0x3FB0] =	sst s8  }
0x11: {  	[smem:$0x3FB1] =	sst s9;
	s0 =	simm.s32 @!p0 $0x0  }
0x12: {  	s1 =	sld [smem:$0x3F97];
	s0 =	simm.s32 @p0 $0x1  }
0x13: {  	[smem:$0x3FB2] =	sst s0;
	s0 =	simm.s32 @!p1 $0x0  }
0x14: {  	s2 =	sld [smem:$0x3F96];
	s0 =	simm.s32 @p1 $0x1  }
0x15: {  	[smem:$0x3FB3] =	sst s0;
	s0 =	simm.s32 @!p2 $0x0  }
0x16: {  	s3 =	sld [smem:$0x3FDB];
	s0 =	simm.s32 @p2 $0x1  }
0x17: {  	s4 =	simm.s32 $0x1BF5;
	[smem:$0x3FB5] =	sst s0  }
0x18: {  	s0 =	sld [smem:$0x3F98];
	_ =	swait.ge [sflag:s4], $0x0  }
0x19: {  	s7 =	sld [smem:$0x3F99]  }
0x1a: {  	s8 =	sadd.s32 $0xFFFFE003, lr  }
0x1b: {  	s9 =	sadd.s32 $0xFFFFFEF7, lr;
	s5 =	simm.s32 $0xFFFFFFFF;
	p2 =	slt.u32 s8, $0xFFFFF086  }
0x1c: {  	p1 =	slt.u32 s9, $0xF7A;
	s5 =	simm.s32 @!p2 $0x0  }
0x1d: {  	s5 =	simm.s32 @p1 $0x1;
	p0 =	seq.s32 s7, s2  }
0x1e: {  	s7 =	smul.u32 @!p0 $0xF7A, s2;
	p2 =	seq.s32 @!p0 s5, $0x0  }
0x1f: {  	s9 =	smul.u32 $0xF7A, s1;
	s8 =	simm.s32 @!p0 $0x1BF5;
	p2 =	por !p2, p0  }
0x20: {  	[sflag:s8] =	ssyncset.s32 @!p0 $0xFFFFF086;
	s6 =	sadd.s32 @!p0 s3, s7;
	s7 =	simm.s32 @!p0 $0x108  }
0x21: {  	s3 =	sadd.s32 s3, s9;
	s6 =	sadd.s32 @!p0 $0x88, s6;
	s7 =	simm.s32 @p2 $0x1082  }
0x22: {  	[simem:s7], [sflag:s8] =	dma.local @!p0 [hbm:s6], $0xF7A  }
0x23: {  	s9 =	sor.u32 $0xD0000000, s2;
	s6 =	simm.s32 $0x108;
	_ =	swait.ge @!p0 [sflag:s8], $0x0  }
0x24: {  	s3 =	sadd.s32 $0x88, s3;
	s6 =	simm.s32 @!p1 $0x1082;
	[sflag:s4] =	ssyncset.s32 $0xFFFFF086  }
0x25: {  	[simem:s6], [sflag:s4] =	dma.local [hbm:s3], $0xF7A  }
0x26: {  	[smem:$0x3F99] =	sst s1;
	(tag) =	ssettag s2;
	_ =	strace s9  }
0x27: {  	s1 =	sld [smem:$0x3FA9]  }
0x28: {  	s2 =	sld [smem:$0x3FAA]  }
0x29: {  	s4 =	sld [smem:$0x3FAC]  }
0x2a: {  	p0 =	seq.s32 s5, $0x0;
	s5 =	sld [smem:$0x3FAD]  }
0x2b: {  	s6 =	sld [smem:$0x3FAE]  }
0x2c: {  	s7 =	sld [smem:$0x3FAF]  }
0x2d: {  	s3 =	simm.s32 $0x108;
	s8 =	sld [smem:$0x3FB0]  }
0x2e: {  	s3 =	simm.s32 @!p0 $0x1082;
	s9 =	sld [smem:$0x3FB1]  }
0x2f: {  	lr =	sadd.s32 s0, s3;
	s0 =	sld [smem:$0x3FA8]  }
0x30: {  	s3 =	sld [smem:$0x3FAB]  }
0x31: {  	[smem:$0x3FB4] =	sst s10  }
0x32: {  	s10 =	sld [smem:$0x3FB2];
	_ =	sdelay $0x3  }
0x33: {  	p0 =	seq.s32 s10, $0x1;
	s10 =	sld [smem:$0x3FB4];
	_ =	sdelay $0x3  }
0x34: {  	[smem:$0x3FB4] =	sst s10  }
0x35: {  	s10 =	sld [smem:$0x3FB3];
	_ =	sdelay $0x3  }
0x36: {  	p1 =	seq.s32 s10, $0x1;
	s10 =	sld [smem:$0x3FB4];
	_ =	sdelay $0x3  }
0x37: {  	[smem:$0x3FB4] =	sst s10  }
0x38: {  	s10 =	sld [smem:$0x3FB5]  }
0x39: {  	_ = 	snop;
	(pc) =	sbr.ind lr, $3  }
0x3a: {  	_ = 	snop  }
0x3b: {  	_ = 	snop  }
0x3c: {  	p2 =	seq.s32 s10, $0x1;
	s10 =	sld [smem:$0x3FB4]  }
0x3d: {  	_ =	shalt  }
0x3e: {  	_ =	shalt  }
0x3f: {  	_ =	shalt  }
0x40: {  	_ =	shalt  }
0x41: {  	_ =	shalt  }
0x42: {  	_ =	shalt  }
0x43: {  	_ =	shalt  }
0x44: {  	_ =	shalt  }
0x45: {  	_ =	shalt  }
0x46: {  	_ =	shalt  }
0x47: {  	_ =	shalt  }
0x48: {  	_ =	shalt  }
0x49: {  	_ =	shalt  }
0x4a: {  	_ =	shalt  }
0x4b: {  	_ =	shalt  }
0x4c: {  	_ =	shalt  }
0x4d: {  	_ =	shalt  }
0x4e: {  	_ =	shalt  }
0x4f: {  	_ =	shalt  }
0x50: {  	_ =	shalt  }
0x51: {  	_ =	shalt  }
0x52: {  	_ =	shalt  }
0x53: {  	_ =	shalt  }
0x54: {  	_ =	shalt  }
0x55: {  	_ =	shalt  }
0x56: {  	_ =	shalt  }
0x57: {  	_ =	shalt  }
0x58: {  	_ =	shalt  }
0x59: {  	_ =	shalt  }
0x5a: {  	_ =	shalt  }
0x5b: {  	_ =	shalt  }
0x5c: {  	_ =	shalt  }
0x5d: {  	_ =	shalt  }
0x5e: {  	_ =	shalt  }
0x5f: {  	_ =	shalt  }
0x60: {  	_ =	shalt  }
0x61: {  	_ =	shalt  }
0x62: {  	_ =	shalt  }
0x63: {  	_ =	shalt  }
0x64: {  	_ =	shalt  }
0x65: {  	_ =	shalt  }
0x66: {  	_ =	shalt  }
0x67: {  	_ =	shalt  }
0x68: {  	_ =	shalt  }
0x69: {  	_ =	shalt  }
0x6a: {  	_ =	shalt  }
0x6b: {  	_ =	shalt  }
0x6c: {  	_ =	shalt  }
0x6d: {  	_ =	shalt  }
0x6e: {  	_ =	shalt  }
0x6f: {  	_ =	shalt  }
0x70: {  	_ =	shalt  }
0x71: {  	_ =	shalt  }
0x72: {  	_ =	shalt  }
0x73: {  	_ =	shalt  }
0x74: {  	_ =	shalt  }
0x75: {  	_ =	shalt  }
0x76: {  	_ =	shalt  }
0x77: {  	_ =	shalt  }
0x78: {  	_ =	shalt  }
0x79: {  	_ =	shalt  }
0x7a: {  	_ =	shalt  }
0x7b: {  	_ =	shalt  }
0x7c: {  	_ =	shalt  }
0x7d: {  	_ =	shalt  }
0x7e: {  	_ =	shalt  }
0x7f: {  	_ =	shalt  }
0x80: {  	_ =	shalt  }
0x81: {  	_ =	shalt  }
0x82: {  	_ =	shalt  }
0x83: {  	_ =	shalt  }
0x84: {  	_ =	shalt  }
0x85: {  	_ =	shalt  }
0x86: {  	_ =	shalt  }
0x87: {  	_ =	shalt  }
.Lfunc_end0:
.L_simem_size_0:
called_computation_lowered:
.L_overlay_start_0:
0x88: {  	s2 =	sld [smem:$0x3FD9]  }
0x89: {  	s3 =	sld [smem:$0x3FFE];
	_ =	sdelay $0x1  }
0x8a: {  	s1 =	srdreg.scid  }
0x8b: {  	s0 =	sand.u32 $0x1, s1  }
0x8c: {  	s17 =	sshll.u32 s0, $0xA;
	s2 =	sadd.s32 s3, s2  }
0x8d: {  	s2 =	sadd.s32 s2, s17  }
0x8e: {  	[smem:$0x3FC0] =	sst s2  }
0x8f: {  	_ = 	snop  }
0x90: {  	s2 =	sld [smem:$0x3FD0];
	(tm) =	ssettm $0x1  }
0x91: {  	s18 =	sld [smem:$0x3FFB];
	_ =	sdelay $0x3  }
0x92: {  	_ =	strace s18  }
0x93: {  	s3 =	sld [smem:$0x3FFC];
	_ =	sdelay $0x3  }
0x94: {  	_ =	strace s3  }
0x95: {  	s3 =	sld [smem:$0x3FFD];
	_ =	sdelay $0x3  }
0x96: {  	_ =	strace s3  }
0x97: {  	_ =	strace $0x8FFFFFFF  }
0x98: {  	s19 =	sld [smem:$0x3FDB];
	_ =	sdelay $0x1  }
0x99: {  	s4 =	simm.s32 $_scs_section_size  }
0x9a: {  	s5 =	simm.s32 $_size__tile_overlayer_lowered;
	s6 =	simm.s32 $_tile_overlayer_lowered  }
0x9b: {  	s22 =	simm.s32 $0x1BFF;
	s21 =	sshll.u32 s6, $0x1;
	s3 =	sadd.s32 s4, s19  }
0x9c: {  	s7 =	simm.s32 $0x0;
	s20 =	sshll.u32 s5, $0x1;
	s5 =	sadd.s32 s21, s3  }
0x9d: {  	[timem:s7], [sflag:s22] =	dma.local [hbm:s5], s20  }
0x9e: {  	_ =	swait.ge [sflag:s22], s20  }
0x9f: {  	s4 =	ssub.s32 $0x0, s20;
	[sflag:s22] =	ssyncset.done $0x0  }
0xa0: {  	[sflag:s22] =	ssyncadd.s32 s4;
	_ =	sdelay $0x1  }
0xa1: {  	s23 =	simm.s32 $0x1B8B  }
0xa2: {  	_ =	swait.ge [sflag:s23], $0x1  }
0xa3: {  	[sflag:s23] =	ssyncset.done $0x0  }
0xa4: {  	s25 =	simm.s32 $0x1B8E;
	s24 =	sld [smem:$0x3FFE];
	[sflag:s23] =	ssyncadd.s32 $0xFFFFFFFF  }
0xa5: {  	s26 =	simm.s32 $execute0_lowered;
	[smem:$0x3FD2] =	sst s25  }
0xa6: {  	s5 =	sshll.u32 s26, $0x1;
	_ =	strace $0x80000046;
	[dreg:$0x1] =	wrdreg $0xFFFFFFFF  }
0xa7: {  	s28 =	simm.s32 $_size_execute0_lowered;
	s3 =	sadd.s32 s3, s5;
	[dreg:$0x0] =	wrdreg $0x0  }
0xa8: {  	s5 =	sshll.u32 s28, $0x1;
	[dreg:$0x2] =	wrdreg s3  }
0xa9: {  	[dreg:$0x3] =	wrdreg s5  }
0xaa: {  	[dreg:$0x4] =	wrdreg $0xC0  }
0xab: {  	_ =	task [dreg:s7], $0x5FFFF  }
0xac: {  	[dreg:$0x1] =	wrdreg $0xFFFFFFFF  }
0xad: {  	[dreg:$0x0] =	wrdreg $0x60  }
0xae: {  	[dreg:$0x2] =	wrdreg s24  }
0xaf: {  	[dreg:$0x3] =	wrdreg s2  }
0xb0: {  	[dreg:$0x4] =	wrdreg $0x0  }
0xb1: {  	[dreg:$0x5] =	wrdreg $0x9  }
0xb2: {  	_ =	task.clear_ibuf [dreg:s7], $0x6FFFF;
	_ =	strace $0x90000046  }
0xb3: {  	s29 =	simm.s32 $0x9;
	_ =	strace $0x80000048  }
0xb4: {  	_ =	swait.ge [sflag:s29], $0x1  }
0xb5: {  	[sflag:s29] =	ssyncadd.s32 $0xFFFFFFFF  }
0xb6: {  	_ =	strace $0x90000048  }
0xb7: {  	_ =	sfence  }
0xb8: {  	s30 =	sld [smem:$0x0];
	_ =	sdelay $0x2  }
0xb9: {  	s31 =	sshll.u32 s1, $0xD;
	s1 =	sshrl.u32 s1, $0x2  }
0xba: {  	s3 =	sand.u32 $0x4000, s31;
	s1 =	sadd.s32 s1, s30  }
0xbb: {  	s0 =	sor.u32 s3, s0;
	s1 =	sshll.u32 s1, $0x11  }
0xbc: {  	s0 =	sor.u32 s1, s0  }
0xbd: {  	s0 =	sadd.s32 $0x8F2B, s0  }
0xbe: {  	[sflag:s0] =	ssyncadd.remote.s32 $0x1  }
0xbf: {  	_ =	sfence.sel $0xFFFF  }
0xc0: {  	[dreg:$0x0] =	wrdreg $0xFFFFFFFF;
	(pc) =	sbr.abs _section_cstart, $3  }
0xc1: {  	[dreg:$0x1] =	wrdreg $0xFFFFFFFF  }
0xc2: {  	_ =	task.clear_ibuf [dreg:s7], $0x2FFFF;
	_ =	strace $0x9FFFFFFF  }
0xc3: {  	(tm) =	ssettm $0x7FFFFFFF  }
tec
execute0_lowered:
.L_overlay_start_1:
0x0: {  	(tag) =	ssettag $0x1  }
0x1: {  	s4 =	rddreg [dreg:$0x0]  }
0x2: {  	s8 =	rddreg [dreg:$0x1]  }
0x3: {  	s1 =	rddreg [dreg:$0x2]  }
0x4: {  	s2 =	srdreg.scid;
	s0 =	rddreg [dreg:$0x3]  }
0x5: {  	s3 =	simm.s32 $0x0;
	s15 =	simm.s32 $0x14000;
	s16 =	simm.s32 $0x2  }
0x6: {  	s17 =	simm.s32 $0x1C000;
	s18 =	simm.s32 $0x1D400;
	s19 =	simm.s32 $0x80  }
0x7: {  	s20 =	simm.s32 $0x18000;
	s5 =	sand.u32 $0x1, s2;
	s2 =	stileid.u32  }
0x8: {  	s21 =	simm.s32 $0x1;
	[smem:$0x7FF] =	sst s3;
	s6 =	smul.u32 $0x140000, s5  }
0x9: {  	s9 =	sadd.s32 $0x2A00, s4;
	s7 =	smul.u32 $0x14000, s2;
	s10 =	sshll.u32 s5, $0x4  }
0xa: {  	s28 =	smul.u32 $0x50000, s2;
	s5 =	ssub.s32 $0x2, s5;
	s26 =	sor.u32 s2, s10  }
0xb: {  	s29 =	sshrl.u32 s5, $0x1;
	s6 =	sadd.s32 s7, s6;
	s7 =	smul.u32 $0x2800, s26  }
0xc: {  	_ =	strace $0x80000047;
	s30 =	sshrl.u32 s28, $0x2;
	s31 =	ssub.s32 s5, s29  }
0xd: {  	s6 =	sshrl.u32 s6, $0x3;
	s10 =	smax.u32 s31, $0x1;
	s7 =	sshrl.u32 s7, $0x3  }
0xe: {  	s11 =	sadd.s32 s6, s4;
	s4 =	sadd.s32 s30, s1;
	s5 =	sadd.s32 s9, s7  }
0xf: {  	s6 =	sadd.s32 s8, s7;
	s12 =	sadd.s32 $0x280, s7;
	s13 =	sadd.s32 $0xC000, s4  }
0x10: {  	v0 =	vimm.f32 $0.0e+00;
	vm0 =	vcmask $0x300;
	vm1 =	vcmask $0x704;
	s14 =	sadd.s32 $0x10000, s4;
	s7 =	sadd.s32 s9, s12;
	s8 =	sadd.s32 s8, s12  }
0x11: {  	v1 =	vsel vm0, $0x3F800000, v0;
	v2 =	vsel vm1, $0x3F800000, v0;
	s9 =	sadd.s32 $0xCA00, s11;
	s11 =	sadd.s32 $0x4000, s4;
	s12 =	sadd.s32 $0x8000, s4  }
.LBB2_1:
0x12: {  	s22 =	simm.s32 $0x0;
	s23 =	simm.s32 $0x200  }
.LBB2_2:
0x13: {  	p0 =	sne.s32 s23, $0xFE00;
	[tilespmem:s22+$0x14070] =	vst v0  }
0x14: {  	[tilespmem:s22+$0x14000] =	vst v0  }
0x15: {  	[tilespmem:s22+$0x14010] =	vst v0  }
.Ltmp0:
0x16: {  	[tilespmem:s22+$0x14020] =	vst v0;
	(pc) =	sbr.rel @p0 .LBB2_2-.Ltmp0, $4  }
0x17: {  	[tilespmem:s22+$0x14030] =	vst v0  }
0x18: {  	[tilespmem:s22+$0x14040] =	vst v0  }
0x19: {  	[tilespmem:s22+$0x14050] =	vst v0  }
0x1a: {  	[tilespmem:s22+$0x14060] =	vst v0;
	s22 =	sshra.s32 s23, $0x2;
	s23 =	sadd.s32 $0x200, s23  }
0x1b: {  	[tilespmem:s22+$0x14070] =	vst v0  }
0x1c: {  	[tilespmem:s22+$0x14000] =	vst v0  }
0x1d: {  	[tilespmem:s22+$0x14010] =	vst v0  }
0x1e: {  	[tilespmem:s22+$0x14020] =	vst v0  }
0x1f: {  	[tilespmem:s22+$0x14030] =	vst v0  }
0x20: {  	[tilespmem:s22+$0x14040] =	vst v0  }
0x21: {  	[tilespmem:s22+$0x14050] =	vst v0  }
0x22: {  	[tilespmem:s22+$0x14060] =	vst v0  }
0x23: {  	[spmem:s4] =	stream.linear.scatter [tilespmem:s15], [sflag:$0x2], $0x4000, $0x38;
	[tilespmem:$0x1E800] =	vst v63  }
0x24: {  	_ =	swait.ge [sflag:s16], $0x4000  }
0x25: {  	[sflag:s16] =	ssyncset.done $0x0  }
0x26: {  	[sflag:s16] =	ssyncadd.s32 $0xFFFFC000  }
0x27: {  	[spmem:s11] =	stream.linear.scatter [tilespmem:s15], [sflag:$0x2], $0x4000, $0x38;
	[tilespmem:$0x1E800] =	vst v63  }
0x28: {  	_ =	swait.ge [sflag:s16], $0x4000  }
0x29: {  	[sflag:s16] =	ssyncset.done $0x0  }
0x2a: {  	[sflag:s16] =	ssyncadd.s32 $0xFFFFC000  }
0x2b: {  	[spmem:s12] =	stream.linear.scatter [tilespmem:s15], [sflag:$0x2], $0x4000, $0x38;
	[tilespmem:$0x1E800] =	vst v63  }
0x2c: {  	_ =	swait.ge [sflag:s16], $0x4000  }
0x2d: {  	[sflag:s16] =	ssyncset.done $0x0  }
0x2e: {  	[sflag:s16] =	ssyncadd.s32 $0xFFFFC000  }
0x2f: {  	[spmem:s13] =	stream.linear.scatter [tilespmem:s15], [sflag:$0x2], $0x4000, $0x38;
	[tilespmem:$0x1E800] =	vst v63  }
0x30: {  	_ =	swait.ge [sflag:s16], $0x4000  }
0x31: {  	[sflag:s16] =	ssyncset.done $0x0  }
0x32: {  	[sflag:s16] =	ssyncadd.s32 $0xFFFFC000  }
0x33: {  	[spmem:s14] =	stream.linear.scatter [tilespmem:s15], [sflag:$0x2], $0x4000, $0x38;
	[tilespmem:$0x1E800] =	vst v63  }
0x34: {  	_ =	swait.ge [sflag:s16], $0x4000  }
0x35: {  	[sflag:s16] =	ssyncset.done $0x0  }
0x36: {  	s22 =	simm.s32 $0x0;
	s23 =	simm.s32 $0x200;
	[sflag:s16] =	ssyncadd.s32 $0xFFFFC000  }
.LBB2_4:
0x37: {  	p0 =	sne.s32 s23, $0xFE00;
	[tilespmem:s22+$0x14070] =	vst v0  }
0x38: {  	[tilespmem:s22+$0x14000] =	vst v1  }
0x39: {  	[tilespmem:s22+$0x14010] =	vst v0  }
.Ltmp1:
0x3a: {  	[tilespmem:s22+$0x14020] =	vst v0;
	(pc) =	sbr.rel @p0 .LBB2_4-.Ltmp1, $4  }
0x3b: {  	[tilespmem:s22+$0x14030] =	vst v0  }
0x3c: {  	[tilespmem:s22+$0x14040] =	vst v0  }
0x3d: {  	[tilespmem:s22+$0x14050] =	vst v0  }
0x3e: {  	[tilespmem:s22+$0x14060] =	vst v0;
	s22 =	sshra.s32 s23, $0x2;
	s23 =	sadd.s32 $0x200, s23  }
0x3f: {  	[tilespmem:s22+$0x14070] =	vst v0  }
0x40: {  	[tilespmem:s22+$0x14000] =	vst v1  }
0x41: {  	[tilespmem:s22+$0x14010] =	vst v0  }
0x42: {  	[tilespmem:s22+$0x14020] =	vst v0  }
0x43: {  	[tilespmem:s22+$0x14030] =	vst v0  }
0x44: {  	[tilespmem:s22+$0x14040] =	vst v0  }
0x45: {  	[tilespmem:s22+$0x14050] =	vst v0  }
0x46: {  	[tilespmem:s22+$0x14060] =	vst v0;
	s22 =	simm.s32 $0x0;
	s23 =	simm.s32 $0x200  }
.LBB2_6:
0x47: {  	p0 =	sne.s32 s23, $0xFE00;
	[tilespmem:s22+$0x18070] =	vst v0  }
0x48: {  	[tilespmem:s22+$0x18000] =	vst v2  }
0x49: {  	[tilespmem:s22+$0x18010] =	vst v0  }
.Ltmp2:
0x4a: {  	[tilespmem:s22+$0x18020] =	vst v0;
	(pc) =	sbr.rel @p0 .LBB2_6-.Ltmp2, $4  }
0x4b: {  	[tilespmem:s22+$0x18030] =	vst v0  }
0x4c: {  	[tilespmem:s22+$0x18040] =	vst v0  }
0x4d: {  	[tilespmem:s22+$0x18050] =	vst v0  }
0x4e: {  	[tilespmem:s22+$0x18060] =	vst v0;
	s22 =	sshra.s32 s23, $0x2;
	s23 =	sadd.s32 $0x200, s23  }
0x4f: {  	[tilespmem:s22+$0x18070] =	vst v0  }
0x50: {  	[tilespmem:s22+$0x18000] =	vst v2  }
0x51: {  	[tilespmem:s22+$0x18010] =	vst v0  }
0x52: {  	[tilespmem:s22+$0x18020] =	vst v0  }
0x53: {  	[tilespmem:s22+$0x18030] =	vst v0  }
0x54: {  	[tilespmem:s22+$0x18040] =	vst v0  }
0x55: {  	[tilespmem:s22+$0x18050] =	vst v0  }
0x56: {  	[tilespmem:s22+$0x18060] =	vst v0  }
0x57: {  	s31 =	simm.s32 $0x0;
	[bflag:$0x0] =	sbarrier.arrive $0xFFFF  }
0x58: {  	[tilespmem:s17], [sflag:$0x2] =	stream.linear.gather [hbm4b:s5+s31], $0x1400, $0x38;
	[tilespmem:$0x1E800] =	vst v63  }
0x59: {  	_ =	swait.ge [sflag:s16], $0x1400  }
0x5a: {  	[sflag:s16] =	ssyncset.done $0x0  }
0x5b: {  	[sflag:s16] =	ssyncadd.s32 $0xFFFFEC00  }
0x5c: {  	[tilespmem:s18], [sflag:$0x2] =	stream.linear.gather [hbm4b:s6+s31], $0x1400, $0x38;
	[tilespmem:$0x1E800] =	vst v63  }
0x5d: {  	_ =	swait.ge [sflag:s16], $0x1400  }
0x5e: {  	[sflag:s16] =	ssyncset.done $0x0  }
0x5f: {  	s23 =	simm.s32 $0x1C000;
	[sflag:s16] =	ssyncadd.s32 $0xFFFFEC00  }
0x60: {  	[spmem:s1] =	stream.indirect.scatter.add.f32 [tilespmem:s15], [sflag:$0x1], $0x80, s23, s19, $0xb8;
	[tilespmem:$0x1E800] =	vst v63  }
0x61: {  	s24 =	simm.s32 $0x1D400  }
0x62: {  	[spmem:s1] =	stream.indirect.scatter.add.f32 [tilespmem:s20], [sflag:$0x1], $0x80, s24, s19, $0xb8;
	[tilespmem:$0x1E800] =	vst v63  }
0x63: {  	s25 =	simm.s32 $0x1C080  }
0x64: {  	[spmem:s1] =	stream.indirect.scatter.add.f32 [tilespmem:s15], [sflag:$0x1], $0x80, s25, s19, $0xb8;
	[tilespmem:$0x1E800] =	vst v63  }
0x65: {  	s26 =	simm.s32 $0x1D480  }
0x66: {  	[spmem:s1] =	stream.indirect.scatter.add.f32 [tilespmem:s20], [sflag:$0x1], $0x80, s26, s19, $0xb8;
	[tilespmem:$0x1E800] =	vst v63  }
0x67: {  	s28 =	simm.s32 $0x1C100  }
0x68: {  	[spmem:s1] =	stream.indirect.scatter.add.f32 [tilespmem:s15], [sflag:$0x1], $0x80, s28, s19, $0xb8;
	[tilespmem:$0x1E800] =	vst v63  }
0x69: {  	s29 =	simm.s32 $0x1D500  }
0x6a: {  	[spmem:s1] =	stream.indirect.scatter.add.f32 [tilespmem:s20], [sflag:$0x1], $0x80, s29, s19, $0xb8;
	[tilespmem:$0x1E800] =	vst v63  }
0x6b: {  	s30 =	simm.s32 $0x1C180  }
0x6c: {  	[spmem:s1] =	stream.indirect.scatter.add.f32 [tilespmem:s15], [sflag:$0x1], $0x80, s30, s19, $0xb8;
	[tilespmem:$0x1E800] =	vst v63  }
0x6d: {  	s31 =	simm.s32 $0x1D580  }
0x6e: {  	[spmem:s1] =	stream.indirect.scatter.add.f32 [tilespmem:s20], [sflag:$0x1], $0x80, s31, s19, $0xb8;
	[tilespmem:$0x1E800] =	vst v63  }
0x6f: {  	_ =	swait.ge [sflag:s21], $0x4000  }
0x70: {  	[sflag:s21] =	ssyncset.done $0x0  }
0x71: {  	[sflag:s21] =	ssyncadd.s32 $0xFFFFC000  }
0x72: {  	_ =	swait.ge [sflag:s21], $0x4000  }
0x73: {  	[sflag:s21] =	ssyncset.done $0x0  }
0x74: {  	[sflag:s21] =	ssyncadd.s32 $0xFFFFC000  }
0x75: {  	_ =	swait.ge [sflag:s21], $0x4000  }
0x76: {  	[sflag:s21] =	ssyncset.done $0x0  }
0x77: {  	[sflag:s21] =	ssyncadd.s32 $0xFFFFC000  }
0x78: {  	_ =	swait.ge [sflag:s21], $0x4000  }
0x79: {  	[sflag:s21] =	ssyncset.done $0x0  }
0x7a: {  	[sflag:s21] =	ssyncadd.s32 $0xFFFFC000  }
0x7b: {  	_ =	swait.ge [sflag:s21], $0x4000  }
0x7c: {  	[sflag:s21] =	ssyncset.done $0x0  }
0x7d: {  	[sflag:s21] =	ssyncadd.s32 $0xFFFFC000  }
0x7e: {  	_ =	swait.ge [sflag:s21], $0x4000  }
0x7f: {  	[sflag:s21] =	ssyncset.done $0x0  }
0x80: {  	[sflag:s21] =	ssyncadd.s32 $0xFFFFC000  }
0x81: {  	_ =	swait.ge [sflag:s21], $0x4000  }
0x82: {  	[sflag:s21] =	ssyncset.done $0x0  }
0x83: {  	[sflag:s21] =	ssyncadd.s32 $0xFFFFC000  }
0x84: {  	_ =	swait.ge [sflag:s21], $0x4000  }
0x85: {  	s24 =	simm.s32 $0x200;
	s25 =	simm.s32 $0x1000;
	[sflag:s21] =	ssyncset.done $0x0  }
.LBB2_8:
0x86: {  	s26 =	sadd.s32 $0x1C000, s24  }
0x87: {  	[sflag:s21] =	ssyncadd.s32 $0xFFFFC000;
	s23 =	smov.u32 s25;
	s22 =	sadd.s32 $0x800, s25  }
0x88: {  	[spmem:s1] =	stream.indirect.scatter.add.f32 [tilespmem:s15], [sflag:$0x1], $0x80, s26, s19, $0xb8;
	[tilespmem:$0x1E800] =	vst v63  }
0x89: {  	p0 =	sne.s32 s25, $0x4800;
	s25 =	sadd.s32 $0x1D400, s24  }
0x8a: {  	[spmem:s1] =	stream.indirect.scatter.add.f32 [tilespmem:s20], [sflag:$0x1], $0x80, s25, s19, $0xb8;
	[tilespmem:$0x1E800] =	vst v63  }
0x8b: {  	s25 =	sadd.s32 $0x1C080, s24  }
0x8c: {  	[spmem:s1] =	stream.indirect.scatter.add.f32 [tilespmem:s15], [sflag:$0x1], $0x80, s25, s19, $0xb8;
	[tilespmem:$0x1E800] =	vst v63  }
0x8d: {  	s25 =	sadd.s32 $0x1D480, s24  }
0x8e: {  	[spmem:s1] =	stream.indirect.scatter.add.f32 [tilespmem:s20], [sflag:$0x1], $0x80, s25, s19, $0xb8;
	[tilespmem:$0x1E800] =	vst v63  }
0x8f: {  	s25 =	sadd.s32 $0x1C100, s24  }
0x90: {  	[spmem:s1] =	stream.indirect.scatter.add.f32 [tilespmem:s15], [sflag:$0x1], $0x80, s25, s19, $0xb8;
	[tilespmem:$0x1E800] =	vst v63  }
0x91: {  	s25 =	sadd.s32 $0x1D500, s24  }
0x92: {  	[spmem:s1] =	stream.indirect.scatter.add.f32 [tilespmem:s20], [sflag:$0x1], $0x80, s25, s19, $0xb8;
	[tilespmem:$0x1E800] =	vst v63  }
0x93: {  	s25 =	sadd.s32 $0x1C180, s24  }
0x94: {  	[spmem:s1] =	stream.indirect.scatter.add.f32 [tilespmem:s15], [sflag:$0x1], $0x80, s25, s19, $0xb8;
	[tilespmem:$0x1E800] =	vst v63  }
0x95: {  	s24 =	sadd.s32 $0x1D580, s24  }
0x96: {  	[spmem:s1] =	stream.indirect.scatter.add.f32 [tilespmem:s20], [sflag:$0x1], $0x80, s24, s19, $0xb8;
	[tilespmem:$0x1E800] =	vst v63  }
0x97: {  	_ =	swait.ge [sflag:s21], $0x4000  }
0x98: {  	[sflag:s21] =	ssyncset.done $0x0  }
0x99: {  	[sflag:s21] =	ssyncadd.s32 $0xFFFFC000  }
0x9a: {  	_ =	swait.ge [sflag:s21], $0x4000  }
0x9b: {  	[sflag:s21] =	ssyncset.done $0x0  }
0x9c: {  	[sflag:s21] =	ssyncadd.s32 $0xFFFFC000  }
0x9d: {  	_ =	swait.ge [sflag:s21], $0x4000  }
0x9e: {  	[sflag:s21] =	ssyncset.done $0x0  }
0x9f: {  	[sflag:s21] =	ssyncadd.s32 $0xFFFFC000  }
0xa0: {  	_ =	swait.ge [sflag:s21], $0x4000  }
0xa1: {  	[sflag:s21] =	ssyncset.done $0x0  }
0xa2: {  	[sflag:s21] =	ssyncadd.s32 $0xFFFFC000  }
0xa3: {  	_ =	swait.ge [sflag:s21], $0x4000  }
0xa4: {  	[sflag:s21] =	ssyncset.done $0x0  }
0xa5: {  	[sflag:s21] =	ssyncadd.s32 $0xFFFFC000  }
0xa6: {  	_ =	swait.ge [sflag:s21], $0x4000  }
0xa7: {  	[sflag:s21] =	ssyncset.done $0x0  }
0xa8: {  	[sflag:s21] =	ssyncadd.s32 $0xFFFFC000  }
.Ltmp3:
0xa9: {  	_ =	swait.ge [sflag:s21], $0x4000;
	(pc) =	sbr.rel @p0 .LBB2_8-.Ltmp3, $4  }
0xaa: {  	[sflag:s21] =	ssyncset.done $0x0  }
0xab: {  	[sflag:s21] =	ssyncadd.s32 $0xFFFFC000  }
0xac: {  	_ =	swait.ge [sflag:s21], $0x4000  }
0xad: {  	s25 =	smov.u32 s22;
	s24 =	sshra.s32 s23, $0x2;
	[sflag:s21] =	ssyncset.done $0x0  }
0xae: {  	s22 =	sadd.s32 $0x1C000, s24;
	[sflag:s21] =	ssyncadd.s32 $0xFFFFC000  }
0xaf: {  	[spmem:s1] =	stream.indirect.scatter.add.f32 [tilespmem:s15], [sflag:$0x1], $0x80, s22, s19, $0xb8;
	[tilespmem:$0x1E800] =	vst v63  }
0xb0: {  	s31 =	sadd.s32 $0x1D400, s24  }
0xb1: {  	[spmem:s1] =	stream.indirect.scatter.add.f32 [tilespmem:s20], [sflag:$0x1], $0x80, s31, s19, $0xb8;
	[tilespmem:$0x1E800] =	vst v63  }
0xb2: {  	s23 =	sadd.s32 $0x1C080, s24  }
0xb3: {  	[spmem:s1] =	stream.indirect.scatter.add.f32 [tilespmem:s15], [sflag:$0x1], $0x80, s23, s19, $0xb8;
	[tilespmem:$0x1E800] =	vst v63  }
0xb4: {  	s25 =	sadd.s32 $0x1D480, s24  }
0xb5: {  	[spmem:s1] =	stream.indirect.scatter.add.f32 [tilespmem:s20], [sflag:$0x1], $0x80, s25, s19, $0xb8;
	[tilespmem:$0x1E800] =	vst v63  }
0xb6: {  	s26 =	sadd.s32 $0x1C100, s24  }
0xb7: {  	[spmem:s1] =	stream.indirect.scatter.add.f32 [tilespmem:s15], [sflag:$0x1], $0x80, s26, s19, $0xb8;
	[tilespmem:$0x1E800] =	vst v63  }
0xb8: {  	s28 =	sadd.s32 $0x1D500, s24  }
0xb9: {  	[spmem:s1] =	stream.indirect.scatter.add.f32 [tilespmem:s20], [sflag:$0x1], $0x80, s28, s19, $0xb8;
	[tilespmem:$0x1E800] =	vst v63  }
0xba: {  	s29 =	sadd.s32 $0x1C180, s24  }
0xbb: {  	[spmem:s1] =	stream.indirect.scatter.add.f32 [tilespmem:s15], [sflag:$0x1], $0x80, s29, s19, $0xb8;
	[tilespmem:$0x1E800] =	vst v63  }
0xbc: {  	s30 =	sadd.s32 $0x1D580, s24  }
0xbd: {  	[spmem:s1] =	stream.indirect.scatter.add.f32 [tilespmem:s20], [sflag:$0x1], $0x80, s30, s19, $0xb8;
	[tilespmem:$0x1E800] =	vst v63  }
0xbe: {  	_ =	swait.ge [sflag:s21], $0x4000  }
0xbf: {  	[sflag:s21] =	ssyncset.done $0x0  }
0xc0: {  	[sflag:s21] =	ssyncadd.s32 $0xFFFFC000  }
0xc1: {  	_ =	swait.ge [sflag:s21], $0x4000  }
0xc2: {  	[sflag:s21] =	ssyncset.done $0x0  }
0xc3: {  	[sflag:s21] =	ssyncadd.s32 $0xFFFFC000  }
0xc4: {  	_ =	swait.ge [sflag:s21], $0x4000  }
0xc5: {  	[sflag:s21] =	ssyncset.done $0x0  }
0xc6: {  	[sflag:s21] =	ssyncadd.s32 $0xFFFFC000  }
0xc7: {  	_ =	swait.ge [sflag:s21], $0x4000  }
0xc8: {  	[sflag:s21] =	ssyncset.done $0x0  }
0xc9: {  	[sflag:s21] =	ssyncadd.s32 $0xFFFFC000  }
0xca: {  	_ =	swait.ge [sflag:s21], $0x4000  }
0xcb: {  	[sflag:s21] =	ssyncset.done $0x0  }
0xcc: {  	[sflag:s21] =	ssyncadd.s32 $0xFFFFC000  }
0xcd: {  	_ =	swait.ge [sflag:s21], $0x4000  }
0xce: {  	[sflag:s21] =	ssyncset.done $0x0  }
0xcf: {  	[sflag:s21] =	ssyncadd.s32 $0xFFFFC000  }
0xd0: {  	_ =	swait.ge [sflag:s21], $0x4000  }
0xd1: {  	[sflag:s21] =	ssyncset.done $0x0  }
0xd2: {  	[sflag:s21] =	ssyncadd.s32 $0xFFFFC000  }
0xd3: {  	_ =	swait.ge [sflag:s21], $0x4000  }
0xd4: {  	[sflag:s21] =	ssyncset.done $0x0  }
0xd5: {  	s31 =	simm.s32 $0x0;
	[sflag:s21] =	ssyncadd.s32 $0xFFFFC000  }
0xd6: {  	[tilespmem:s17], [sflag:$0x2] =	stream.linear.gather [hbm4b:s7+s31], $0x1400, $0x38;
	[tilespmem:$0x1E800] =	vst v63  }
0xd7: {  	_ =	swait.ge [sflag:s16], $0x1400  }
0xd8: {  	[sflag:s16] =	ssyncset.done $0x0  }
0xd9: {  	[sflag:s16] =	ssyncadd.s32 $0xFFFFEC00  }
0xda: {  	[tilespmem:s18], [sflag:$0x2] =	stream.linear.gather [hbm4b:s8+s31], $0x1400, $0x38;
	[tilespmem:$0x1E800] =	vst v63  }
0xdb: {  	_ =	swait.ge [sflag:s16], $0x1400  }
0xdc: {  	[sflag:s16] =	ssyncset.done $0x0  }
0xdd: {  	s23 =	simm.s32 $0x1C000;
	[sflag:s16] =	ssyncadd.s32 $0xFFFFEC00  }
0xde: {  	[spmem:s1] =	stream.indirect.scatter.add.f32 [tilespmem:s15], [sflag:$0x1], $0x80, s23, s19, $0xb8;
	[tilespmem:$0x1E800] =	vst v63  }
0xdf: {  	s24 =	simm.s32 $0x1D400  }
0xe0: {  	[spmem:s1] =	stream.indirect.scatter.add.f32 [tilespmem:s20], [sflag:$0x1], $0x80, s24, s19, $0xb8;
	[tilespmem:$0x1E800] =	vst v63  }
0xe1: {  	s25 =	simm.s32 $0x1C080  }
0xe2: {  	[spmem:s1] =	stream.indirect.scatter.add.f32 [tilespmem:s15], [sflag:$0x1], $0x80, s25, s19, $0xb8;
	[tilespmem:$0x1E800] =	vst v63  }
0xe3: {  	s26 =	simm.s32 $0x1D480  }
0xe4: {  	[spmem:s1] =	stream.indirect.scatter.add.f32 [tilespmem:s20], [sflag:$0x1], $0x80, s26, s19, $0xb8;
	[tilespmem:$0x1E800] =	vst v63  }
0xe5: {  	s28 =	simm.s32 $0x1C100  }
0xe6: {  	[spmem:s1] =	stream.indirect.scatter.add.f32 [tilespmem:s15], [sflag:$0x1], $0x80, s28, s19, $0xb8;
	[tilespmem:$0x1E800] =	vst v63  }
0xe7: {  	s29 =	simm.s32 $0x1D500  }
0xe8: {  	[spmem:s1] =	stream.indirect.scatter.add.f32 [tilespmem:s20], [sflag:$0x1], $0x80, s29, s19, $0xb8;
	[tilespmem:$0x1E800] =	vst v63  }
0xe9: {  	s30 =	simm.s32 $0x1C180  }
0xea: {  	[spmem:s1] =	stream.indirect.scatter.add.f32 [tilespmem:s15], [sflag:$0x1], $0x80, s30, s19, $0xb8;
	[tilespmem:$0x1E800] =	vst v63  }
0xeb: {  	s31 =	simm.s32 $0x1D580  }
0xec: {  	[spmem:s1] =	stream.indirect.scatter.add.f32 [tilespmem:s20], [sflag:$0x1], $0x80, s31, s19, $0xb8;
	[tilespmem:$0x1E800] =	vst v63  }
0xed: {  	_ =	swait.ge [sflag:s21], $0x4000  }
0xee: {  	[sflag:s21] =	ssyncset.done $0x0  }
0xef: {  	[sflag:s21] =	ssyncadd.s32 $0xFFFFC000  }
0xf0: {  	_ =	swait.ge [sflag:s21], $0x4000  }
0xf1: {  	[sflag:s21] =	ssyncset.done $0x0  }
0xf2: {  	[sflag:s21] =	ssyncadd.s32 $0xFFFFC000  }
0xf3: {  	_ =	swait.ge [sflag:s21], $0x4000  }
0xf4: {  	[sflag:s21] =	ssyncset.done $0x0  }
0xf5: {  	[sflag:s21] =	ssyncadd.s32 $0xFFFFC000  }
0xf6: {  	_ =	swait.ge [sflag:s21], $0x4000  }
0xf7: {  	[sflag:s21] =	ssyncset.done $0x0  }
0xf8: {  	[sflag:s21] =	ssyncadd.s32 $0xFFFFC000  }
0xf9: {  	_ =	swait.ge [sflag:s21], $0x4000  }
0xfa: {  	[sflag:s21] =	ssyncset.done $0x0  }
0xfb: {  	[sflag:s21] =	ssyncadd.s32 $0xFFFFC000  }
0xfc: {  	_ =	swait.ge [sflag:s21], $0x4000  }
0xfd: {  	[sflag:s21] =	ssyncset.done $0x0  }
0xfe: {  	[sflag:s21] =	ssyncadd.s32 $0xFFFFC000  }
0xff: {  	_ =	swait.ge [sflag:s21], $0x4000  }
0x100: {  	[sflag:s21] =	ssyncset.done $0x0  }
0x101: {  	[sflag:s21] =	ssyncadd.s32 $0xFFFFC000  }
0x102: {  	_ =	swait.ge [sflag:s21], $0x4000  }
0x103: {  	s24 =	simm.s32 $0x200;
	s25 =	simm.s32 $0x1000;
	[sflag:s21] =	ssyncset.done $0x0  }
.LBB2_10:
0x104: {  	s26 =	sadd.s32 $0x1C000, s24  }
0x105: {  	[sflag:s21] =	ssyncadd.s32 $0xFFFFC000;
	s23 =	smov.u32 s25;
	s22 =	sadd.s32 $0x800, s25  }
0x106: {  	[spmem:s1] =	stream.indirect.scatter.add.f32 [tilespmem:s15], [sflag:$0x1], $0x80, s26, s19, $0xb8;
	[tilespmem:$0x1E800] =	vst v63  }
0x107: {  	p0 =	sne.s32 s25, $0x4800;
	s25 =	sadd.s32 $0x1D400, s24  }
0x108: {  	[spmem:s1] =	stream.indirect.scatter.add.f32 [tilespmem:s20], [sflag:$0x1], $0x80, s25, s19, $0xb8;
	[tilespmem:$0x1E800] =	vst v63  }
0x109: {  	s25 =	sadd.s32 $0x1C080, s24  }
0x10a: {  	[spmem:s1] =	stream.indirect.scatter.add.f32 [tilespmem:s15], [sflag:$0x1], $0x80, s25, s19, $0xb8;
	[tilespmem:$0x1E800] =	vst v63  }
0x10b: {  	s25 =	sadd.s32 $0x1D480, s24  }
0x10c: {  	[spmem:s1] =	stream.indirect.scatter.add.f32 [tilespmem:s20], [sflag:$0x1], $0x80, s25, s19, $0xb8;
	[tilespmem:$0x1E800] =	vst v63  }
0x10d: {  	s25 =	sadd.s32 $0x1C100, s24  }
0x10e: {  	[spmem:s1] =	stream.indirect.scatter.add.f32 [tilespmem:s15], [sflag:$0x1], $0x80, s25, s19, $0xb8;
	[tilespmem:$0x1E800] =	vst v63  }
0x10f: {  	s25 =	sadd.s32 $0x1D500, s24  }
0x110: {  	[spmem:s1] =	stream.indirect.scatter.add.f32 [tilespmem:s20], [sflag:$0x1], $0x80, s25, s19, $0xb8;
	[tilespmem:$0x1E800] =	vst v63  }
0x111: {  	s25 =	sadd.s32 $0x1C180, s24  }
0x112: {  	[spmem:s1] =	stream.indirect.scatter.add.f32 [tilespmem:s15], [sflag:$0x1], $0x80, s25, s19, $0xb8;
	[tilespmem:$0x1E800] =	vst v63  }
0x113: {  	s24 =	sadd.s32 $0x1D580, s24  }
0x114: {  	[spmem:s1] =	stream.indirect.scatter.add.f32 [tilespmem:s20], [sflag:$0x1], $0x80, s24, s19, $0xb8;
	[tilespmem:$0x1E800] =	vst v63  }
0x115: {  	_ =	swait.ge [sflag:s21], $0x4000  }
0x116: {  	[sflag:s21] =	ssyncset.done $0x0  }
0x117: {  	[sflag:s21] =	ssyncadd.s32 $0xFFFFC000  }
0x118: {  	_ =	swait.ge [sflag:s21], $0x4000  }
0x119: {  	[sflag:s21] =	ssyncset.done $0x0  }
0x11a: {  	[sflag:s21] =	ssyncadd.s32 $0xFFFFC000  }
0x11b: {  	_ =	swait.ge [sflag:s21], $0x4000  }
0x11c: {  	[sflag:s21] =	ssyncset.done $0x0  }
0x11d: {  	[sflag:s21] =	ssyncadd.s32 $0xFFFFC000  }
0x11e: {  	_ =	swait.ge [sflag:s21], $0x4000  }
0x11f: {  	[sflag:s21] =	ssyncset.done $0x0  }
0x120: {  	[sflag:s21] =	ssyncadd.s32 $0xFFFFC000  }
0x121: {  	_ =	swait.ge [sflag:s21], $0x4000  }
0x122: {  	[sflag:s21] =	ssyncset.done $0x0  }
0x123: {  	[sflag:s21] =	ssyncadd.s32 $0xFFFFC000  }
0x124: {  	_ =	swait.ge [sflag:s21], $0x4000  }
0x125: {  	[sflag:s21] =	ssyncset.done $0x0  }
0x126: {  	[sflag:s21] =	ssyncadd.s32 $0xFFFFC000  }
.Ltmp4:
0x127: {  	_ =	swait.ge [sflag:s21], $0x4000;
	(pc) =	sbr.rel @p0 .LBB2_10-.Ltmp4, $4  }
0x128: {  	[sflag:s21] =	ssyncset.done $0x0  }
0x129: {  	[sflag:s21] =	ssyncadd.s32 $0xFFFFC000  }
0x12a: {  	_ =	swait.ge [sflag:s21], $0x4000  }
0x12b: {  	s25 =	smov.u32 s22;
	s24 =	sshra.s32 s23, $0x2;
	[sflag:s21] =	ssyncset.done $0x0  }
0x12c: {  	s22 =	sadd.s32 $0x1C000, s24;
	[sflag:s21] =	ssyncadd.s32 $0xFFFFC000  }
0x12d: {  	[spmem:s1] =	stream.indirect.scatter.add.f32 [tilespmem:s15], [sflag:$0x1], $0x80, s22, s19, $0xb8;
	[tilespmem:$0x1E800] =	vst v63  }
0x12e: {  	s31 =	sadd.s32 $0x1D400, s24  }
0x12f: {  	[spmem:s1] =	stream.indirect.scatter.add.f32 [tilespmem:s20], [sflag:$0x1], $0x80, s31, s19, $0xb8;
	[tilespmem:$0x1E800] =	vst v63  }
0x130: {  	s23 =	sadd.s32 $0x1C080, s24  }
0x131: {  	[spmem:s1] =	stream.indirect.scatter.add.f32 [tilespmem:s15], [sflag:$0x1], $0x80, s23, s19, $0xb8;
	[tilespmem:$0x1E800] =	vst v63  }
0x132: {  	s25 =	sadd.s32 $0x1D480, s24  }
0x133: {  	[spmem:s1] =	stream.indirect.scatter.add.f32 [tilespmem:s20], [sflag:$0x1], $0x80, s25, s19, $0xb8;
	[tilespmem:$0x1E800] =	vst v63  }
0x134: {  	s26 =	sadd.s32 $0x1C100, s24  }
0x135: {  	[spmem:s1] =	stream.indirect.scatter.add.f32 [tilespmem:s15], [sflag:$0x1], $0x80, s26, s19, $0xb8;
	[tilespmem:$0x1E800] =	vst v63  }
0x136: {  	s28 =	sadd.s32 $0x1D500, s24  }
0x137: {  	[spmem:s1] =	stream.indirect.scatter.add.f32 [tilespmem:s20], [sflag:$0x1], $0x80, s28, s19, $0xb8;
	[tilespmem:$0x1E800] =	vst v63  }
0x138: {  	s29 =	sadd.s32 $0x1C180, s24  }
0x139: {  	[spmem:s1] =	stream.indirect.scatter.add.f32 [tilespmem:s15], [sflag:$0x1], $0x80, s29, s19, $0xb8;
	[tilespmem:$0x1E800] =	vst v63  }
0x13a: {  	s30 =	sadd.s32 $0x1D580, s24  }
0x13b: {  	[spmem:s1] =	stream.indirect.scatter.add.f32 [tilespmem:s20], [sflag:$0x1], $0x80, s30, s19, $0xb8;
	[tilespmem:$0x1E800] =	vst v63  }
0x13c: {  	_ =	swait.ge [sflag:s21], $0x4000  }
0x13d: {  	[sflag:s21] =	ssyncset.done $0x0  }
0x13e: {  	[sflag:s21] =	ssyncadd.s32 $0xFFFFC000  }
0x13f: {  	_ =	swait.ge [sflag:s21], $0x4000  }
0x140: {  	[sflag:s21] =	ssyncset.done $0x0  }
0x141: {  	[sflag:s21] =	ssyncadd.s32 $0xFFFFC000  }
0x142: {  	_ =	swait.ge [sflag:s21], $0x4000  }
0x143: {  	[sflag:s21] =	ssyncset.done $0x0  }
0x144: {  	[sflag:s21] =	ssyncadd.s32 $0xFFFFC000  }
0x145: {  	_ =	swait.ge [sflag:s21], $0x4000  }
0x146: {  	[sflag:s21] =	ssyncset.done $0x0  }
0x147: {  	[sflag:s21] =	ssyncadd.s32 $0xFFFFC000  }
0x148: {  	_ =	swait.ge [sflag:s21], $0x4000  }
0x149: {  	[sflag:s21] =	ssyncset.done $0x0  }
0x14a: {  	[sflag:s21] =	ssyncadd.s32 $0xFFFFC000  }
0x14b: {  	_ =	swait.ge [sflag:s21], $0x4000  }
0x14c: {  	[sflag:s21] =	ssyncset.done $0x0  }
0x14d: {  	[sflag:s21] =	ssyncadd.s32 $0xFFFFC000  }
0x14e: {  	_ =	swait.ge [sflag:s21], $0x4000  }
0x14f: {  	[sflag:s21] =	ssyncset.done $0x0  }
0x150: {  	[sflag:s21] =	ssyncadd.s32 $0xFFFFC000  }
0x151: {  	_ =	swait.ge [sflag:s21], $0x4000  }
0x152: {  	s3 =	sadd.s32 $0x1, s3;
	s31 =	sshll.u32 s2, $0x6;
	[sflag:s21] =	ssyncset.done $0x0  }
0x153: {  	p0 =	sne.s32 s3, s10;
	s22 =	sor.u32 $0x1C02, s31;
	[sflag:s21] =	ssyncadd.s32 $0xFFFFC000  }
.Ltmp5:
0x154: {  	s23 =	sshrl.u32 s4, $0x3;
	[bflag:$0x0] =	sbarrier.arrive $0xFFFF;
	(pc) =	sbr.rel @p0 .LBB2_1-.Ltmp5, $4  }
0x155: {  	[hbm:s9], [sflag:s22] =	dma.local [spmem:s23], $0x2800  }
0x156: {  	_ =	swait.ge [sflag:s16], $0x2800  }
0x157: {  	[sflag:s16] =	ssyncset.done $0x0  }
0x158: {  	[sflag:s16] =	ssyncadd.s32 $0xFFFFD800  }
0x159: {  	_ =	sfence.sel $0x180000  }
0x15a: {  	[bflag:$0x0] =	sbarrier.arrive $0xFFFF  }
0x15b: {  	p0 =	sne.s32 s2, $0x0;
	_ =	strace $0x90000047  }
0x15c: {  	s0 =	sadd.s32 @!p0 $0x100000, s0;
	[bflag:$0x2] =	sbarrier.arrive $0xFFFF  }
0x15d: {  	[sflag:s0] =	ssyncadd.tile.s32 @!p0 $0x1;
	_ =	shalt  }
.Lfunc_end2:
_tile_overlayer_lowered:
.L_overlay_start_2:
0x15e: {  	(tag) =	ssettag $0x2  }
0x15f: {  	s0 =	rddreg [dreg:$0x0];
	s2 =	stileid.u32  }
0x160: {  	s1 =	rddreg [dreg:$0x1];
	p0 =	sne.s32 s2, $0x0  }
0x161: {  	s3 =	rddreg [dreg:$0x2];
	[bflag:$0x3] =	sbarrier.arrive $0xFFFF;
	s2 =	simm.s32 @!p0 $0x1C02  }
0x162: {  	[timem:s3], [sflag:s2] =	dma.local @!p0 [hbm:s0], s1  }
0x163: {  	s0 =	simm.s32 @!p0 $0x2  }
0x164: {  	_ =	swait.ge @!p0 [sflag:s0], s1  }
0x165: {  	s1 =	ssub.s32 @!p0 $0x0, s1;
	[sflag:s0] =	ssyncset.done @!p0 $0x0  }
0x166: {  	[sflag:s0] =	ssyncadd.s32 @!p0 s1  }
0x167: {  	[bflag:$0x3] =	sbarrier.arrive $0xFFFF  }
0x168: {  	_ =	shalt  }

</sc_bundles>
